<compile_context>
chip_gen: v7x
topology: tpu7x:2x2x1
jax: 0.10.2.dev20260603
libtpu: 0.0.44.dev20260713+nightly
codegen_flags: <defaults>
</compile_context>

<pallas_src>
import functools

import jax
import jax.numpy as jnp
from jax import lax
from jax.experimental import pallas as pl
from jax.experimental.pallas import tpu as pltpu
from jax.experimental.pallas import tpu_sc as plsc

N = 160000
D = 128
Q = 4
NUM_L = 500
LP = 512
NC, NS, LANES = 2, 16, 16
NW = NC * NS
GROUP = 64
RPT = 5056
GMAX = RPT // GROUP
LAST_G = (N - (NW - 1) * RPT) // GROUP
BLKS = GROUP // LANES
NEG_INF = -3.4e38


def _mesh():
    return plsc.VectorSubcoreMesh(core_axis_name="c", subcore_axis_name="s",
                                  num_cores=NC, num_subcores=NS)


@functools.partial(
    pl.kernel,
    out_type=(jax.ShapeDtypeStruct((NW, Q * LP), jnp.float32),
              jax.ShapeDtypeStruct((NW, LP), jnp.float32)),
    mesh=_mesh(),
    compiler_params=pltpu.CompilerParams(needs_layout_passes=False),
    scratch_types=[
        pltpu.VMEM((Q * D * LANES,), jnp.float32),
        pltpu.VMEM((D * LANES,), jnp.float32),
        pltpu.VMEM((GROUP * D + LANES,), jnp.float32),
        pltpu.VMEM((GROUP * D + LANES,), jnp.float32),
        pltpu.VMEM((RPT,), jnp.int32),
        pltpu.VMEM((Q * LANES * LP,), jnp.float32),
        pltpu.VMEM((LANES * LP,), jnp.float32),
        pltpu.VMEM((Q * LP,), jnp.float32),
        pltpu.VMEM((LP,), jnp.float32),
        pltpu.SemaphoreType.DMA,
        pltpu.SemaphoreType.DMA,
        pltpu.SemaphoreType.DMA,
        pltpu.SemaphoreType.DMA,
    ],
)
def _partial_call(qsplat_hbm, wsplat_hbm, data_hbm, labels_hbm,
                  psums_hbm, pcnts_hbm,
                  qs_v, ws_v, buf0_v, buf1_v, laball_v,
                  acc_v, cnt_v, outp_v, outc_v,
                  dsem0, dsem1, lsem0, lsem1):
    bufs = (buf0_v, buf1_v)
    wid = lax.axis_index("s") * NC + lax.axis_index("c")
    row0 = wid * RPT
    ngroups = jnp.where(wid < NW - 1, GMAX, LAST_G)
    iota = lax.iota(jnp.int32, LANES)
    dsems = (dsem0, dsem1)
    lsems = (lsem0, lsem1)

    pltpu.sync_copy(qsplat_hbm, qs_v)
    pltpu.sync_copy(wsplat_hbm, ws_v)

    @pl.when(wid < NW - 1)
    def _():
        pltpu.sync_copy(labels_hbm.at[pl.ds(row0, RPT)], laball_v)

    @pl.when(wid == NW - 1)
    def _():
        pltpu.sync_copy(labels_hbm.at[pl.ds(row0, LAST_G * GROUP)],
                        laball_v.at[pl.ds(0, LAST_G * GROUP)])

    zero = jnp.zeros((LANES,), jnp.float32)

    @pl.loop(0, Q * LANES * LP // LANES, step=8)
    def _zero_acc(i):
        for k in range(8):
            acc_v[pl.ds((i + k) * LANES, LANES)] = zero

    @pl.loop(0, LANES * LP // LANES, step=8)
    def _zero_cnt(i):
        for k in range(8):
            cnt_v[pl.ds((i + k) * LANES, LANES)] = zero

    def data_copy(g, slot, sem):
        return pltpu.make_async_copy(
            data_hbm.at[pl.ds((row0 + g * GROUP) * D, GROUP * D)],
            bufs[slot].at[pl.ds(0, GROUP * D)], sem)

    data_copy(0, 0, dsems[0]).start()

    def process_group(b, g):
        labs = [laball_v[pl.ds(g * GROUP + blk * LANES, LANES)]
                for blk in range(BLKS)]

        row_off = iota * D

        gv0 = [plsc.load_gather(bufs[b], [row_off + blk * LANES * D])
               for blk in range(BLKS)]

        @plsc.parallel_loop(0, D, unroll=1,
                            carry=tuple([zero] * (Q * BLKS)) + tuple(gv0))
        def dloop(d, carry):
            accs = list(carry[:Q * BLKS])
            gvs = list(carry[Q * BLKS:])
            wv = ws_v[pl.ds(d * LANES, LANES)]
            qvs = [qs_v[pl.ds((q * D + d) * LANES, LANES)] for q in range(Q)]
            nxt = [plsc.load_gather(bufs[b],
                                    [row_off + (blk * LANES * D + d + 1)])
                   for blk in range(BLKS)]
            for blk in range(BLKS):
                gv = gvs[blk]
                for q in range(Q):
                    k = q * BLKS + blk
                    m = jnp.abs(gv - qvs[q])
                    u = plsc.bitcast(m, jnp.int32)
                    mb = plsc.bitcast((u + 32768) & jnp.int32(-65536),
                                      jnp.float32)
                    accs[k] = accs[k] + mb * wv
            return tuple(accs) + tuple(nxt)

        accs = dloop[:Q * BLKS]
        one = jnp.ones((LANES,), jnp.float32)
        for blk in range(BLKS):
            lane_off = iota * LP + labs[blk]
            plsc.addupdate_scatter(cnt_v, [lane_off], one)
            for q in range(Q):
                plsc.addupdate_scatter(acc_v, [q * LANES * LP + lane_off],
                                       accs[q * BLKS + blk])

    @pl.loop(0, (GMAX + 1) // 2)
    def _outer(i):
        for b in range(2):
            g = i * 2 + b

            @pl.when(g < ngroups)
            def _():
                nb = 1 - b

                @pl.when(g + 1 < ngroups)
                def _():
                    data_copy(g + 1, nb, dsems[nb]).start()

                data_copy(g, b, dsems[b]).wait()
                process_group(b, g)

    @pl.loop(0, LP // LANES)
    def _reduce(c):
        off = c * LANES
        s = cnt_v[pl.ds(off, LANES)]
        for k in range(1, LANES):
            s = s + cnt_v[pl.ds(k * LP + off, LANES)]
        outc_v[pl.ds(off, LANES)] = s
        for q in range(Q):
            sq = acc_v[pl.ds((q * LANES) * LP + off, LANES)]
            for k in range(1, LANES):
                sq = sq + acc_v[pl.ds((q * LANES + k) * LP + off, LANES)]
            outp_v[pl.ds(q * LP + off, LANES)] = sq

    pltpu.sync_copy(outp_v, psums_hbm.at[wid])
    pltpu.sync_copy(outc_v, pcnts_hbm.at[wid])


@functools.partial(
    pl.kernel,
    out_type=(jax.ShapeDtypeStruct((Q * LP,), jnp.float32),
              jax.ShapeDtypeStruct((LANES,), jnp.int32),
              jax.ShapeDtypeStruct((LANES,), jnp.float32)),
    mesh=_mesh(),
    compiler_params=pltpu.CompilerParams(needs_layout_passes=False),
    scratch_types=[
        pltpu.VMEM((Q * LP,), jnp.float32),
        pltpu.VMEM((Q * LP,), jnp.float32),
        pltpu.VMEM((Q * LP,), jnp.float32),
        pltpu.VMEM((LP,), jnp.float32),
        pltpu.VMEM((LP,), jnp.float32),
        pltpu.VMEM((LP,), jnp.float32),
        pltpu.VMEM((LANES,), jnp.int32),
        pltpu.VMEM((LANES,), jnp.float32),
        pltpu.VMEM((LANES,), jnp.float32),
        pltpu.SemaphoreType.DMA,
        pltpu.SemaphoreType.DMA,
        pltpu.SemaphoreType.DMA,
        pltpu.SemaphoreType.DMA,
    ],
)
def _final_call(psums_hbm, pcnts_hbm, bvec_hbm, avg_hbm, pred_hbm, mxv_hbm,
                row0_v, row1_v, acc_v, crow0_v, crow1_v, cacc_v,
                pred_v, mxv_v, b_v, rs0, rs1, cs0, cs1):
    wid = lax.axis_index("s") * NC + lax.axis_index("c")

    @pl.when(wid == 0)
    def _():
        rows = (row0_v, row1_v)
        crows = (crow0_v, crow1_v)
        rsems = (rs0, rs1)
        csems = (cs0, cs1)

        def row_copy(t, slot):
            return pltpu.make_async_copy(psums_hbm.at[t], rows[slot],
                                         rsems[slot])

        def crow_copy(t, slot):
            return pltpu.make_async_copy(pcnts_hbm.at[t], crows[slot],
                                         csems[slot])

        row_copy(1, 0).start()
        crow_copy(1, 0).start()
        pltpu.sync_copy(psums_hbm.at[0], acc_v)
        pltpu.sync_copy(pcnts_hbm.at[0], cacc_v)
        pltpu.sync_copy(bvec_hbm, b_v)
        bv = b_v[...]
        iota = lax.iota(jnp.int32, LANES)

        @pl.loop(0, (NW - 1 + 1) // 2)
        def _accumulate(i):
            for slot in range(2):
                t = 1 + i * 2 + slot

                @pl.when(t < NW)
                def _():
                    nxt = 1 - slot

                    @pl.when(t + 1 < NW)
                    def _():
                        row_copy(t + 1, nxt).start()
                        crow_copy(t + 1, nxt).start()

                    row_copy(t, slot).wait()
                    crow_copy(t, slot).wait()

                    @pl.loop(0, Q * LP // LANES)
                    def _adds(c):
                        off = c * LANES
                        acc_v[pl.ds(off, LANES)] = (
                            acc_v[pl.ds(off, LANES)]
                            + rows[slot][pl.ds(off, LANES)])

                    @pl.loop(0, LP // LANES)
                    def _addc(c):
                        off = c * LANES
                        cacc_v[pl.ds(off, LANES)] = (
                            cacc_v[pl.ds(off, LANES)]
                            + crows[slot][pl.ds(off, LANES)])

        @pl.loop(0, LP // LANES)
        def _clamp(c):
            off = c * LANES
            cacc_v[pl.ds(off, LANES)] = jnp.maximum(cacc_v[pl.ds(off, LANES)],
                                                    1.0)

        pred_acc = jnp.zeros((LANES,), jnp.int32)
        mxv_acc = jnp.zeros((LANES,), jnp.float32)
        for q in range(Q):
            init = (jnp.full((LANES,), NEG_INF, jnp.float32),
                    jnp.zeros((LANES,), jnp.int32))

            @pl.loop(0, LP // LANES, init_carry=init)
            def _chunks(c, carry):
                bestv, besti = carry
                off = c * LANES
                a = (acc_v[pl.ds(q * LP + off, LANES)]
                     / cacc_v[pl.ds(off, LANES)]) + bv
                acc_v[pl.ds(q * LP + off, LANES)] = a
                idxv = off + iota
                am = jnp.where(idxv < NUM_L, a, NEG_INF)
                m = am > bestv
                return (jnp.where(m, am, bestv), jnp.where(m, idxv, besti))

            bestv, besti = _chunks
            maxv = jnp.max(bestv)
            cand = jnp.where(bestv == maxv, besti, jnp.int32(1 << 30))
            ami = jnp.min(cand)
            predq = jnp.where(jnp.abs(maxv) < 0.5, jnp.int32(-1), ami)
            pred_acc = jnp.where(iota == q, predq, pred_acc)
            mxv_acc = jnp.where(iota == q, maxv, mxv_acc)
        pred_v[...] = pred_acc
        mxv_v[...] = mxv_acc
        pltpu.sync_copy(acc_v, avg_hbm)
        pltpu.sync_copy(pred_v, pred_hbm)
        pltpu.sync_copy(mxv_v, mxv_hbm)


def kernel(ears_vector, ear_data, W, b, labels):
    qsplat = jnp.broadcast_to(ears_vector[:, :, None],
                              (Q, D, LANES)).reshape(-1)
    wu = lax.bitcast_convert_type(W, jnp.int32)
    wr = (wu + 32767 + (lax.shift_right_logical(wu, 16) & 1)) & (-65536)
    w16 = lax.bitcast_convert_type(wr, jnp.float32)
    wsplat = jnp.broadcast_to(w16[:, None], (D, LANES)).reshape(-1)
    bvec = jnp.broadcast_to(b, (LANES,))
    psums, pcnts = _partial_call(qsplat, wsplat, ear_data.reshape(-1),
                                 labels.astype(jnp.int32))
    avg_flat, pred16, mxv16 = _final_call(psums, pcnts, bvec)
    avg = avg_flat.reshape(Q, LP)[:, :NUM_L]
    return avg, pred16[:Q], mxv16[:Q]

# --- scband reference (transcript-rebuilt; emitter-appended) ---
"""Pipeline reference for scband-recognition-84559316123992 (READ-ONLY COPY).

The authoritative reference and input builder live on the scoring server;
editing this copy changes nothing except your own understanding.
"""

import jax, jax.numpy as jnp
import numpy as np

NUM_LABELS = 500


def setup_inputs(seed: int = 0) -> dict:
    key = jax.random.key(seed)
    k1, k2, k3, k4, k5 = jax.random.split(key, 5)
    ears_vector = jax.random.normal(k1, (4, 128), dtype=jnp.float32)
    ear_data = jax.random.normal(k2, (160000, 128), dtype=jnp.float32)
    W = jax.random.normal(k3, (128,), dtype=jnp.float32) * 0.05
    b = jax.random.normal(k4, (1,), dtype=jnp.float32)
    labels = jnp.sort(jax.random.randint(k5, (160000,), 0, NUM_LABELS, dtype=jnp.int32))
    return {"ears_vector": ears_vector, "ear_data": ear_data, "W": W, "b": b, "labels": labels}


def reference(ears_vector, ear_data, W, b, labels):
    # identify_ear core: per query, v = |q - gallery|; distance = classifier(v) = v @ W + b
    # then per-label mean distance (segment reduce), argmax label, threshold at 0.5.
    v = jnp.abs(ears_vector[:, None, :] - ear_data[None, :, :])  # [Q, N, d]
    dist = jnp.einsum('qnd,d->qn', v, W) + b[0]                  # [Q, N]
    sums = jax.vmap(lambda row: jax.ops.segment_sum(row, labels, num_segments=NUM_LABELS))(dist)  # [Q, L]
    counts = jnp.bincount(labels, length=NUM_LABELS).astype(jnp.float32)  # [L]
    counts = jnp.maximum(counts, 1.0)
    avg = sums / counts[None, :]                                  # [Q, L] per-label mean distance
    max_label = jnp.argmax(avg, axis=1)
    max_val = jnp.take_along_axis(avg, max_label[:, None], axis=1)[:, 0]
    pred = jnp.where(jnp.abs(max_val) < 0.5, -1, max_label.astype(jnp.int32))
    return avg, pred, max_val

if __name__ == "__main__":
    import jax
    _d = setup_inputs()
    print(jax.jit(kernel)(*tuple(_d.values())))

</pallas_src>

<mosaic_0001>
#map = affine_map<(d0, d1) -> (0)>
#map1 = affine_map<(d0, d1) -> (0, 0)>
module attributes {stable_mosaic.version = 14 : i64} {
  func.func @_partial_call(%arg0: i32, %arg1: i32, %arg2: memref<8192xf32, #tpu.memory_space<hbm>>, %arg3: memref<2048xf32, #tpu.memory_space<hbm>>, %arg4: memref<20480000xf32, #tpu.memory_space<hbm>>, %arg5: memref<160000xi32, #tpu.memory_space<hbm>>, %arg6: memref<32x2048xf32, #tpu.memory_space<hbm>>, %arg7: memref<32x512xf32, #tpu.memory_space<hbm>>, %arg8: memref<8192xf32, #tpu.memory_space<vmem>>, %arg9: memref<2048xf32, #tpu.memory_space<vmem>>, %arg10: memref<8208xf32, #tpu.memory_space<vmem>>, %arg11: memref<8208xf32, #tpu.memory_space<vmem>>, %arg12: memref<5056xi32, #tpu.memory_space<vmem>>, %arg13: memref<32768xf32, #tpu.memory_space<vmem>>, %arg14: memref<8192xf32, #tpu.memory_space<vmem>>, %arg15: memref<2048xf32, #tpu.memory_space<vmem>>, %arg16: memref<512xf32, #tpu.memory_space<vmem>>, %arg17: memref<!tpu.dma_semaphore, #tpu.memory_space<semaphore_mem>>, %arg18: memref<!tpu.dma_semaphore, #tpu.memory_space<semaphore_mem>>, %arg19: memref<!tpu.dma_semaphore, #tpu.memory_space<semaphore_mem>>, %arg20: memref<!tpu.dma_semaphore, #tpu.memory_space<semaphore_mem>>) attributes {dimension_semantics = [#tpu.dimension_semantics<core_parallel>, #tpu.dimension_semantics<subcore_parallel>], iteration_bounds = array<i64: 2, 16>, scalar_prefetch = 0 : i64, scratch_operands = 13 : i64, tpu.core_type = #tpu.core_type<sc_vector_subcore>, window_params = [{transform_indices = #map}, {transform_indices = #map}, {transform_indices = #map}, {transform_indices = #map}, {transform_indices = #map1}, {transform_indices = #map1}]} {
    %mul3A = arith.constant 2 : i32
    %mul3A_0 = arith.muli %arg1, %mul3A : i32
    %add3A = arith.addi %mul3A_0, %arg0 : i32
    %mul3A_1 = arith.constant 5056 : i32
    %mul3A_2 = arith.muli %add3A, %mul3A_1 : i32
    %lt3A = arith.constant 31 : i32
    %lt3A_3 = arith.cmpi slt, %add3A, %lt3A : i32
    %jit3A = arith.constant 79 : i32
    %jit3A_4 = arith.constant 51 : i32
    %select_n3A = arith.select %lt3A_3, %jit3A, %jit3A_4 : i32
    %iota3A = tpu.iota {dimensions = array<i32: 0>} : vector<16xi32>
    "tpu.region"() ({
      %run_scoped3A = tpu.sem_alloc : memref<!tpu.dma_semaphore, #tpu.memory_space<semaphore_mem>>
      tpu.enqueue_dma source(%arg2 : memref<8192xf32, #tpu.memory_space<hbm>>) target(%arg8 : memref<8192xf32, #tpu.memory_space<vmem>>) target_semaphore(%run_scoped3A : memref<!tpu.dma_semaphore, #tpu.memory_space<semaphore_mem>>)
      tpu.wait_dma2 semaphore(%run_scoped3A : memref<!tpu.dma_semaphore, #tpu.memory_space<semaphore_mem>>) src(%arg2 : memref<8192xf32, #tpu.memory_space<hbm>>) dst(%arg8 : memref<8192xf32, #tpu.memory_space<vmem>>)
      tpu.yield
    }) : () -> ()
    "tpu.region"() ({
      %run_scoped3A = tpu.sem_alloc : memref<!tpu.dma_semaphore, #tpu.memory_space<semaphore_mem>>
      tpu.enqueue_dma source(%arg3 : memref<2048xf32, #tpu.memory_space<hbm>>) target(%arg9 : memref<2048xf32, #tpu.memory_space<vmem>>) target_semaphore(%run_scoped3A : memref<!tpu.dma_semaphore, #tpu.memory_space<semaphore_mem>>)
      tpu.wait_dma2 semaphore(%run_scoped3A : memref<!tpu.dma_semaphore, #tpu.memory_space<semaphore_mem>>) src(%arg3 : memref<2048xf32, #tpu.memory_space<hbm>>) dst(%arg9 : memref<2048xf32, #tpu.memory_space<vmem>>)
      tpu.yield
    }) : () -> ()
    %lt3A_5 = arith.constant 31 : i32
    %lt3A_6 = arith.cmpi slt, %add3A, %lt3A_5 : i32
    %convert_element_type3A = arith.extui %lt3A_6 : i1 to i32
    %cond3A = arith.constant 0 : i32
    %cond3A_7 = arith.cmpi ne, %convert_element_type3A, %cond3A : i32
    scf.if %cond3A_7 {
      "tpu.region"() ({
        %run_scoped3A = tpu.sem_alloc : memref<!tpu.dma_semaphore, #tpu.memory_space<semaphore_mem>>
        %dma_start3A_41 = tpu.memref_slice %arg5[%mul3A_2] : memref<160000xi32, #tpu.memory_space<hbm>> -> memref<5056xi32, #tpu.memory_space<hbm>>
        %dma_start3A_42 = tpu.memref_slice %arg5[%mul3A_2] : memref<160000xi32, #tpu.memory_space<hbm>> -> memref<5056xi32, #tpu.memory_space<hbm>>
        tpu.enqueue_dma source(%dma_start3A_42 : memref<5056xi32, #tpu.memory_space<hbm>>) target(%arg12 : memref<5056xi32, #tpu.memory_space<vmem>>) target_semaphore(%run_scoped3A : memref<!tpu.dma_semaphore, #tpu.memory_space<semaphore_mem>>)
        %dma_wait3A = tpu.memref_slice %arg5[%mul3A_2] : memref<160000xi32, #tpu.memory_space<hbm>> -> memref<5056xi32, #tpu.memory_space<hbm>>
        %dma_wait3A_43 = tpu.memref_slice %arg5[%mul3A_2] : memref<160000xi32, #tpu.memory_space<hbm>> -> memref<5056xi32, #tpu.memory_space<hbm>>
        tpu.wait_dma2 semaphore(%run_scoped3A : memref<!tpu.dma_semaphore, #tpu.memory_space<semaphore_mem>>) src(%dma_wait3A_43 : memref<5056xi32, #tpu.memory_space<hbm>>) dst(%arg12 : memref<5056xi32, #tpu.memory_space<vmem>>)
        tpu.yield
      }) : () -> ()
    } else {
    }
    %eq3A = arith.constant 31 : i32
    %eq3A_8 = arith.cmpi eq, %add3A, %eq3A : i32
    %convert_element_type3A_9 = arith.extui %eq3A_8 : i1 to i32
    %cond3A_10 = arith.constant 0 : i32
    %cond3A_11 = arith.cmpi ne, %convert_element_type3A_9, %cond3A_10 : i32
    scf.if %cond3A_11 {
      "tpu.region"() ({
        %run_scoped3A = tpu.sem_alloc : memref<!tpu.dma_semaphore, #tpu.memory_space<semaphore_mem>>
        %dma_start3A_41 = arith.constant 0 : i32
        %dma_start3A_42 = tpu.memref_slice %arg12[%dma_start3A_41] : memref<5056xi32, #tpu.memory_space<vmem>> -> memref<3264xi32, #tpu.memory_space<vmem>>
        %dma_start3A_43 = tpu.memref_slice %arg5[%mul3A_2] : memref<160000xi32, #tpu.memory_space<hbm>> -> memref<3264xi32, #tpu.memory_space<hbm>>
        %dma_start3A_44 = arith.constant 0 : i32
        %dma_start3A_45 = tpu.memref_slice %arg12[%dma_start3A_44] : memref<5056xi32, #tpu.memory_space<vmem>> -> memref<3264xi32, #tpu.memory_space<vmem>>
        %dma_start3A_46 = tpu.memref_slice %arg5[%mul3A_2] : memref<160000xi32, #tpu.memory_space<hbm>> -> memref<3264xi32, #tpu.memory_space<hbm>>
        tpu.enqueue_dma source(%dma_start3A_46 : memref<3264xi32, #tpu.memory_space<hbm>>) target(%dma_start3A_45 : memref<3264xi32, #tpu.memory_space<vmem>>) target_semaphore(%run_scoped3A : memref<!tpu.dma_semaphore, #tpu.memory_space<semaphore_mem>>)
        %dma_wait3A = arith.constant 0 : i32
        %dma_wait3A_47 = tpu.memref_slice %arg12[%dma_wait3A] : memref<5056xi32, #tpu.memory_space<vmem>> -> memref<3264xi32, #tpu.memory_space<vmem>>
        %dma_wait3A_48 = tpu.memref_slice %arg5[%mul3A_2] : memref<160000xi32, #tpu.memory_space<hbm>> -> memref<3264xi32, #tpu.memory_space<hbm>>
        %dma_wait3A_49 = arith.constant 0 : i32
        %dma_wait3A_50 = tpu.memref_slice %arg12[%dma_wait3A_49] : memref<5056xi32, #tpu.memory_space<vmem>> -> memref<3264xi32, #tpu.memory_space<vmem>>
        %dma_wait3A_51 = tpu.memref_slice %arg5[%mul3A_2] : memref<160000xi32, #tpu.memory_space<hbm>> -> memref<3264xi32, #tpu.memory_space<hbm>>
        tpu.wait_dma2 semaphore(%run_scoped3A : memref<!tpu.dma_semaphore, #tpu.memory_space<semaphore_mem>>) src(%dma_wait3A_51 : memref<3264xi32, #tpu.memory_space<hbm>>) dst(%dma_wait3A_50 : memref<3264xi32, #tpu.memory_space<vmem>>)
        tpu.yield
      }) : () -> ()
    } else {
    }
    %broadcast_in_dim3A = arith.constant 0.000000e+00 : f32
    %broadcast_in_dim3A_12 = vector.broadcast %broadcast_in_dim3A : f32 to vector<16xf32>
    %scan3A = arith.constant 0 : i32
    %scan3A_13 = arith.constant 256 : i32
    %scan3A_14 = arith.addi %scan3A, %scan3A_13 : i32
    %scan3A_15 = arith.constant 1 : i32
    scf.for %scan3A_41 = %scan3A to %scan3A_14 step %scan3A_15  : i32 {
      %mul3A_42 = arith.constant 8 : i32
      %mul3A_43 = arith.muli %scan3A_41, %mul3A_42 : i32
      %add3A_44 = arith.constant 0 : i32
      %add3A_45 = arith.addi %add3A_44, %mul3A_43 : i32
      %add3A_46 = arith.constant 0 : i32
      %add3A_47 = arith.addi %add3A_45, %add3A_46 : i32
      %mul3A_48 = arith.constant 16 : i32
      %mul3A_49 = arith.muli %add3A_47, %mul3A_48 : i32
      %swap3A = arith.index_cast %mul3A_49 : i32 to index
      %swap3A_50 = tpu.vector_load %arg13[%swap3A] {strides = array<i32>} : memref<32768xf32, #tpu.memory_space<vmem>>, vector<16xf32>,
      tpu.vector_store %arg13[%swap3A], %broadcast_in_dim3A_12 {strides = array<i32>} : memref<32768xf32, #tpu.memory_space<vmem>>, vector<16xf32>,
      %add3A_51 = arith.constant 1 : i32
      %add3A_52 = arith.addi %add3A_45, %add3A_51 : i32
      %mul3A_53 = arith.constant 16 : i32
      %mul3A_54 = arith.muli %add3A_52, %mul3A_53 : i32
      %swap3A_55 = arith.index_cast %mul3A_54 : i32 to index
      %swap3A_56 = tpu.vector_load %arg13[%swap3A_55] {strides = array<i32>} : memref<32768xf32, #tpu.memory_space<vmem>>, vector<16xf32>,
      tpu.vector_store %arg13[%swap3A_55], %broadcast_in_dim3A_12 {strides = array<i32>} : memref<32768xf32, #tpu.memory_space<vmem>>, vector<16xf32>,
      %add3A_57 = arith.constant 2 : i32
      %add3A_58 = arith.addi %add3A_45, %add3A_57 : i32
      %mul3A_59 = arith.constant 16 : i32
      %mul3A_60 = arith.muli %add3A_58, %mul3A_59 : i32
      %swap3A_61 = arith.index_cast %mul3A_60 : i32 to index
      %swap3A_62 = tpu.vector_load %arg13[%swap3A_61] {strides = array<i32>} : memref<32768xf32, #tpu.memory_space<vmem>>, vector<16xf32>,
      tpu.vector_store %arg13[%swap3A_61], %broadcast_in_dim3A_12 {strides = array<i32>} : memref<32768xf32, #tpu.memory_space<vmem>>, vector<16xf32>,
      %add3A_63 = arith.constant 3 : i32
      %add3A_64 = arith.addi %add3A_45, %add3A_63 : i32
      %mul3A_65 = arith.constant 16 : i32
      %mul3A_66 = arith.muli %add3A_64, %mul3A_65 : i32
      %swap3A_67 = arith.index_cast %mul3A_66 : i32 to index
      %swap3A_68 = tpu.vector_load %arg13[%swap3A_67] {strides = array<i32>} : memref<32768xf32, #tpu.memory_space<vmem>>, vector<16xf32>,
      tpu.vector_store %arg13[%swap3A_67], %broadcast_in_dim3A_12 {strides = array<i32>} : memref<32768xf32, #tpu.memory_space<vmem>>, vector<16xf32>,
      %add3A_69 = arith.constant 4 : i32
      %add3A_70 = arith.addi %add3A_45, %add3A_69 : i32
      %mul3A_71 = arith.constant 16 : i32
      %mul3A_72 = arith.muli %add3A_70, %mul3A_71 : i32
      %swap3A_73 = arith.index_cast %mul3A_72 : i32 to index
      %swap3A_74 = tpu.vector_load %arg13[%swap3A_73] {strides = array<i32>} : memref<32768xf32, #tpu.memory_space<vmem>>, vector<16xf32>,
      tpu.vector_store %arg13[%swap3A_73], %broadcast_in_dim3A_12 {strides = array<i32>} : memref<32768xf32, #tpu.memory_space<vmem>>, vector<16xf32>,
      %add3A_75 = arith.constant 5 : i32
      %add3A_76 = arith.addi %add3A_45, %add3A_75 : i32
      %mul3A_77 = arith.constant 16 : i32
      %mul3A_78 = arith.muli %add3A_76, %mul3A_77 : i32
      %swap3A_79 = arith.index_cast %mul3A_78 : i32 to index
      %swap3A_80 = tpu.vector_load %arg13[%swap3A_79] {strides = array<i32>} : memref<32768xf32, #tpu.memory_space<vmem>>, vector<16xf32>,
      tpu.vector_store %arg13[%swap3A_79], %broadcast_in_dim3A_12 {strides = array<i32>} : memref<32768xf32, #tpu.memory_space<vmem>>, vector<16xf32>,
      %add3A_81 = arith.constant 6 : i32
      %add3A_82 = arith.addi %add3A_45, %add3A_81 : i32
      %mul3A_83 = arith.constant 16 : i32
      %mul3A_84 = arith.muli %add3A_82, %mul3A_83 : i32
      %swap3A_85 = arith.index_cast %mul3A_84 : i32 to index
      %swap3A_86 = tpu.vector_load %arg13[%swap3A_85] {strides = array<i32>} : memref<32768xf32, #tpu.memory_space<vmem>>, vector<16xf32>,
      tpu.vector_store %arg13[%swap3A_85], %broadcast_in_dim3A_12 {strides = array<i32>} : memref<32768xf32, #tpu.memory_space<vmem>>, vector<16xf32>,
      %add3A_87 = arith.constant 7 : i32
      %add3A_88 = arith.addi %add3A_45, %add3A_87 : i32
      %mul3A_89 = arith.constant 16 : i32
      %mul3A_90 = arith.muli %add3A_88, %mul3A_89 : i32
      %swap3A_91 = arith.index_cast %mul3A_90 : i32 to index
      %swap3A_92 = tpu.vector_load %arg13[%swap3A_91] {strides = array<i32>} : memref<32768xf32, #tpu.memory_space<vmem>>, vector<16xf32>,
      tpu.vector_store %arg13[%swap3A_91], %broadcast_in_dim3A_12 {strides = array<i32>} : memref<32768xf32, #tpu.memory_space<vmem>>, vector<16xf32>,
    }
    %scan3A_16 = arith.constant 256 : i32
    %scan3A_17 = arith.constant 0 : i32
    %scan3A_18 = arith.constant 64 : i32
    %scan3A_19 = arith.addi %scan3A_17, %scan3A_18 : i32
    %scan3A_20 = arith.constant 1 : i32
    scf.for %scan3A_41 = %scan3A_17 to %scan3A_19 step %scan3A_20  : i32 {
      %mul3A_42 = arith.constant 8 : i32
      %mul3A_43 = arith.muli %scan3A_41, %mul3A_42 : i32
      %add3A_44 = arith.constant 0 : i32
      %add3A_45 = arith.addi %add3A_44, %mul3A_43 : i32
      %add3A_46 = arith.constant 0 : i32
      %add3A_47 = arith.addi %add3A_45, %add3A_46 : i32
      %mul3A_48 = arith.constant 16 : i32
      %mul3A_49 = arith.muli %add3A_47, %mul3A_48 : i32
      %swap3A = arith.index_cast %mul3A_49 : i32 to index
      %swap3A_50 = tpu.vector_load %arg14[%swap3A] {strides = array<i32>} : memref<8192xf32, #tpu.memory_space<vmem>>, vector<16xf32>,
      tpu.vector_store %arg14[%swap3A], %broadcast_in_dim3A_12 {strides = array<i32>} : memref<8192xf32, #tpu.memory_space<vmem>>, vector<16xf32>,
      %add3A_51 = arith.constant 1 : i32
      %add3A_52 = arith.addi %add3A_45, %add3A_51 : i32
      %mul3A_53 = arith.constant 16 : i32
      %mul3A_54 = arith.muli %add3A_52, %mul3A_53 : i32
      %swap3A_55 = arith.index_cast %mul3A_54 : i32 to index
      %swap3A_56 = tpu.vector_load %arg14[%swap3A_55] {strides = array<i32>} : memref<8192xf32, #tpu.memory_space<vmem>>, vector<16xf32>,
      tpu.vector_store %arg14[%swap3A_55], %broadcast_in_dim3A_12 {strides = array<i32>} : memref<8192xf32, #tpu.memory_space<vmem>>, vector<16xf32>,
      %add3A_57 = arith.constant 2 : i32
      %add3A_58 = arith.addi %add3A_45, %add3A_57 : i32
      %mul3A_59 = arith.constant 16 : i32
      %mul3A_60 = arith.muli %add3A_58, %mul3A_59 : i32
      %swap3A_61 = arith.index_cast %mul3A_60 : i32 to index
      %swap3A_62 = tpu.vector_load %arg14[%swap3A_61] {strides = array<i32>} : memref<8192xf32, #tpu.memory_space<vmem>>, vector<16xf32>,
      tpu.vector_store %arg14[%swap3A_61], %broadcast_in_dim3A_12 {strides = array<i32>} : memref<8192xf32, #tpu.memory_space<vmem>>, vector<16xf32>,
      %add3A_63 = arith.constant 3 : i32
      %add3A_64 = arith.addi %add3A_45, %add3A_63 : i32
      %mul3A_65 = arith.constant 16 : i32
      %mul3A_66 = arith.muli %add3A_64, %mul3A_65 : i32
      %swap3A_67 = arith.index_cast %mul3A_66 : i32 to index
      %swap3A_68 = tpu.vector_load %arg14[%swap3A_67] {strides = array<i32>} : memref<8192xf32, #tpu.memory_space<vmem>>, vector<16xf32>,
      tpu.vector_store %arg14[%swap3A_67], %broadcast_in_dim3A_12 {strides = array<i32>} : memref<8192xf32, #tpu.memory_space<vmem>>, vector<16xf32>,
      %add3A_69 = arith.constant 4 : i32
      %add3A_70 = arith.addi %add3A_45, %add3A_69 : i32
      %mul3A_71 = arith.constant 16 : i32
      %mul3A_72 = arith.muli %add3A_70, %mul3A_71 : i32
      %swap3A_73 = arith.index_cast %mul3A_72 : i32 to index
      %swap3A_74 = tpu.vector_load %arg14[%swap3A_73] {strides = array<i32>} : memref<8192xf32, #tpu.memory_space<vmem>>, vector<16xf32>,
      tpu.vector_store %arg14[%swap3A_73], %broadcast_in_dim3A_12 {strides = array<i32>} : memref<8192xf32, #tpu.memory_space<vmem>>, vector<16xf32>,
      %add3A_75 = arith.constant 5 : i32
      %add3A_76 = arith.addi %add3A_45, %add3A_75 : i32
      %mul3A_77 = arith.constant 16 : i32
      %mul3A_78 = arith.muli %add3A_76, %mul3A_77 : i32
      %swap3A_79 = arith.index_cast %mul3A_78 : i32 to index
      %swap3A_80 = tpu.vector_load %arg14[%swap3A_79] {strides = array<i32>} : memref<8192xf32, #tpu.memory_space<vmem>>, vector<16xf32>,
      tpu.vector_store %arg14[%swap3A_79], %broadcast_in_dim3A_12 {strides = array<i32>} : memref<8192xf32, #tpu.memory_space<vmem>>, vector<16xf32>,
      %add3A_81 = arith.constant 6 : i32
      %add3A_82 = arith.addi %add3A_45, %add3A_81 : i32
      %mul3A_83 = arith.constant 16 : i32
      %mul3A_84 = arith.muli %add3A_82, %mul3A_83 : i32
      %swap3A_85 = arith.index_cast %mul3A_84 : i32 to index
      %swap3A_86 = tpu.vector_load %arg14[%swap3A_85] {strides = array<i32>} : memref<8192xf32, #tpu.memory_space<vmem>>, vector<16xf32>,
      tpu.vector_store %arg14[%swap3A_85], %broadcast_in_dim3A_12 {strides = array<i32>} : memref<8192xf32, #tpu.memory_space<vmem>>, vector<16xf32>,
      %add3A_87 = arith.constant 7 : i32
      %add3A_88 = arith.addi %add3A_45, %add3A_87 : i32
      %mul3A_89 = arith.constant 16 : i32
      %mul3A_90 = arith.muli %add3A_88, %mul3A_89 : i32
      %swap3A_91 = arith.index_cast %mul3A_90 : i32 to index
      %swap3A_92 = tpu.vector_load %arg14[%swap3A_91] {strides = array<i32>} : memref<8192xf32, #tpu.memory_space<vmem>>, vector<16xf32>,
      tpu.vector_store %arg14[%swap3A_91], %broadcast_in_dim3A_12 {strides = array<i32>} : memref<8192xf32, #tpu.memory_space<vmem>>, vector<16xf32>,
    }
    %scan3A_21 = arith.constant 64 : i32
    %add3A_22 = arith.constant 0 : i32
    %add3A_23 = arith.addi %mul3A_2, %add3A_22 : i32
    %mul3A_24 = arith.constant 128 : i32
    %mul3A_25 = arith.muli %add3A_23, %mul3A_24 : i32
    %dma_start3A = arith.constant 0 : i32
    %dma_start3A_26 = tpu.memref_slice %arg10[%dma_start3A] : memref<8208xf32, #tpu.memory_space<vmem>> -> memref<8192xf32, #tpu.memory_space<vmem>>
    %dma_start3A_27 = tpu.memref_slice %arg4[%mul3A_25] : memref<20480000xf32, #tpu.memory_space<hbm>> -> memref<8192xf32, #tpu.memory_space<hbm>>
    %dma_start3A_28 = arith.constant 0 : i32
    %dma_start3A_29 = tpu.memref_slice %arg10[%dma_start3A_28] : memref<8208xf32, #tpu.memory_space<vmem>> -> memref<8192xf32, #tpu.memory_space<vmem>>
    %dma_start3A_30 = tpu.memref_slice %arg4[%mul3A_25] : memref<20480000xf32, #tpu.memory_space<hbm>> -> memref<8192xf32, #tpu.memory_space<hbm>>
    tpu.enqueue_dma source(%dma_start3A_30 : memref<8192xf32, #tpu.memory_space<hbm>>) target(%dma_start3A_29 : memref<8192xf32, #tpu.memory_space<vmem>>) target_semaphore(%arg17 : memref<!tpu.dma_semaphore, #tpu.memory_space<semaphore_mem>>)
    %scan3A_31 = arith.constant 0 : i32
    %scan3A_32 = arith.constant 40 : i32
    %scan3A_33 = arith.addi %scan3A_31, %scan3A_32 : i32
    %scan3A_34 = arith.constant 1 : i32
    scf.for %scan3A_41 = %scan3A_31 to %scan3A_33 step %scan3A_34  : i32 {
      %mul3A_42 = arith.constant 1 : i32
      %mul3A_43 = arith.muli %scan3A_41, %mul3A_42 : i32
      %add3A_44 = arith.constant 0 : i32
      %add3A_45 = arith.addi %add3A_44, %mul3A_43 : i32
      %mul3A_46 = arith.constant 2 : i32
      %mul3A_47 = arith.muli %add3A_45, %mul3A_46 : i32
      %add3A_48 = arith.constant 0 : i32
      %add3A_49 = arith.addi %mul3A_47, %add3A_48 : i32
      %lt3A_50 = arith.cmpi slt, %add3A_49, %select_n3A : i32
      %convert_element_type3A_51 = arith.extui %lt3A_50 : i1 to i32
      %cond3A_52 = arith.constant 0 : i32
      %cond3A_53 = arith.cmpi ne, %convert_element_type3A_51, %cond3A_52 : i32
      scf.if %cond3A_53 {
        %add3A_62 = arith.constant 1 : i32
        %add3A_63 = arith.addi %add3A_49, %add3A_62 : i32
        %lt3A_64 = arith.cmpi slt, %add3A_63, %select_n3A : i32
        %convert_element_type3A_65 = arith.extui %lt3A_64 : i1 to i32
        %cond3A_66 = arith.constant 0 : i32
        %cond3A_67 = arith.cmpi ne, %convert_element_type3A_65, %cond3A_66 : i32
        scf.if %cond3A_67 {
          %add3A_188 = arith.constant 1 : i32
          %add3A_189 = arith.addi %add3A_49, %add3A_188 : i32
          %mul3A_190 = arith.constant 64 : i32
          %mul3A_191 = arith.muli %add3A_189, %mul3A_190 : i32
          %add3A_192 = arith.addi %mul3A_2, %mul3A_191 : i32
          %mul3A_193 = arith.constant 128 : i32
          %mul3A_194 = arith.muli %add3A_192, %mul3A_193 : i32
          %dma_start3A_195 = arith.constant 0 : i32
          %dma_start3A_196 = tpu.memref_slice %arg11[%dma_start3A_195] : memref<8208xf32, #tpu.memory_space<vmem>> -> memref<8192xf32, #tpu.memory_space<vmem>>
          %dma_start3A_197 = tpu.memref_slice %arg4[%mul3A_194] : memref<20480000xf32, #tpu.memory_space<hbm>> -> memref<8192xf32, #tpu.memory_space<hbm>>
          %dma_start3A_198 = arith.constant 0 : i32
          %dma_start3A_199 = tpu.memref_slice %arg11[%dma_start3A_198] : memref<8208xf32, #tpu.memory_space<vmem>> -> memref<8192xf32, #tpu.memory_space<vmem>>
          %dma_start3A_200 = tpu.memref_slice %arg4[%mul3A_194] : memref<20480000xf32, #tpu.memory_space<hbm>> -> memref<8192xf32, #tpu.memory_space<hbm>>
          tpu.enqueue_dma source(%dma_start3A_200 : memref<8192xf32, #tpu.memory_space<hbm>>) target(%dma_start3A_199 : memref<8192xf32, #tpu.memory_space<vmem>>) target_semaphore(%arg18 : memref<!tpu.dma_semaphore, #tpu.memory_space<semaphore_mem>>)
        } else {
        }
        %mul3A_68 = arith.constant 64 : i32
        %mul3A_69 = arith.muli %add3A_49, %mul3A_68 : i32
        %add3A_70 = arith.addi %mul3A_2, %mul3A_69 : i32
        %mul3A_71 = arith.constant 128 : i32
        %mul3A_72 = arith.muli %add3A_70, %mul3A_71 : i32
        %dma_wait3A = arith.constant 0 : i32
        %dma_wait3A_73 = tpu.memref_slice %arg10[%dma_wait3A] : memref<8208xf32, #tpu.memory_space<vmem>> -> memref<8192xf32, #tpu.memory_space<vmem>>
        %dma_wait3A_74 = tpu.memref_slice %arg4[%mul3A_72] : memref<20480000xf32, #tpu.memory_space<hbm>> -> memref<8192xf32, #tpu.memory_space<hbm>>
        %dma_wait3A_75 = arith.constant 0 : i32
        %dma_wait3A_76 = tpu.memref_slice %arg10[%dma_wait3A_75] : memref<8208xf32, #tpu.memory_space<vmem>> -> memref<8192xf32, #tpu.memory_space<vmem>>
        %dma_wait3A_77 = tpu.memref_slice %arg4[%mul3A_72] : memref<20480000xf32, #tpu.memory_space<hbm>> -> memref<8192xf32, #tpu.memory_space<hbm>>
        tpu.wait_dma2 semaphore(%arg17 : memref<!tpu.dma_semaphore, #tpu.memory_space<semaphore_mem>>) src(%dma_wait3A_77 : memref<8192xf32, #tpu.memory_space<hbm>>) dst(%dma_wait3A_76 : memref<8192xf32, #tpu.memory_space<vmem>>)
        %mul3A_78 = arith.constant 64 : i32
        %mul3A_79 = arith.muli %add3A_49, %mul3A_78 : i32
        %add3A_80 = arith.constant 0 : i32
        %add3A_81 = arith.addi %mul3A_79, %add3A_80 : i32
        %get3A = arith.index_cast %add3A_81 : i32 to index
        %get3A_82 = tpu.vector_load %arg12[%get3A] {strides = array<i32>} : memref<5056xi32, #tpu.memory_space<vmem>>, vector<16xi32>,
        %mul3A_83 = arith.constant 64 : i32
        %mul3A_84 = arith.muli %add3A_49, %mul3A_83 : i32
        %add3A_85 = arith.constant 16 : i32
        %add3A_86 = arith.addi %mul3A_84, %add3A_85 : i32
        %get3A_87 = arith.index_cast %add3A_86 : i32 to index
        %get3A_88 = tpu.vector_load %arg12[%get3A_87] {strides = array<i32>} : memref<5056xi32, #tpu.memory_space<vmem>>, vector<16xi32>,
        %mul3A_89 = arith.constant 64 : i32
        %mul3A_90 = arith.muli %add3A_49, %mul3A_89 : i32
        %add3A_91 = arith.constant 32 : i32
        %add3A_92 = arith.addi %mul3A_90, %add3A_91 : i32
        %get3A_93 = arith.index_cast %add3A_92 : i32 to index
        %get3A_94 = tpu.vector_load %arg12[%get3A_93] {strides = array<i32>} : memref<5056xi32, #tpu.memory_space<vmem>>, vector<16xi32>,
        %mul3A_95 = arith.constant 64 : i32
        %mul3A_96 = arith.muli %add3A_49, %mul3A_95 : i32
        %add3A_97 = arith.constant 48 : i32
        %add3A_98 = arith.addi %mul3A_96, %add3A_97 : i32
        %get3A_99 = arith.index_cast %add3A_98 : i32 to index
        %get3A_100 = tpu.vector_load %arg12[%get3A_99] {strides = array<i32>} : memref<5056xi32, #tpu.memory_space<vmem>>, vector<16xi32>,
        %mul3A_101 = arith.constant 128 : i32
        %mul3A_102 = vector.broadcast %mul3A_101 : i32 to vector<16xi32>
        %mul3A_103 = arith.muli %iota3A, %mul3A_102 : vector<16xi32>
        %add3A_104 = arith.constant 0 : i32
        %add3A_105 = vector.broadcast %add3A_104 : i32 to vector<16xi32>
        %add3A_106 = arith.addi %mul3A_103, %add3A_105 : vector<16xi32>
        %gather3A = tpu.vector_load_idx %arg10[%add3A_106] : memref<8208xf32, #tpu.memory_space<vmem>>[vector<16xi32>], vector<16xf32>,
        %add3A_107 = arith.constant 2048 : i32
        %add3A_108 = vector.broadcast %add3A_107 : i32 to vector<16xi32>
        %add3A_109 = arith.addi %mul3A_103, %add3A_108 : vector<16xi32>
        %gather3A_110 = tpu.vector_load_idx %arg10[%add3A_109] : memref<8208xf32, #tpu.memory_space<vmem>>[vector<16xi32>], vector<16xf32>,
        %add3A_111 = arith.constant 4096 : i32
        %add3A_112 = vector.broadcast %add3A_111 : i32 to vector<16xi32>
        %add3A_113 = arith.addi %mul3A_103, %add3A_112 : vector<16xi32>
        %gather3A_114 = tpu.vector_load_idx %arg10[%add3A_113] : memref<8208xf32, #tpu.memory_space<vmem>>[vector<16xi32>], vector<16xf32>,
        %add3A_115 = arith.constant 6144 : i32
        %add3A_116 = vector.broadcast %add3A_115 : i32 to vector<16xi32>
        %add3A_117 = arith.addi %mul3A_103, %add3A_116 : vector<16xi32>
        %gather3A_118 = tpu.vector_load_idx %arg10[%add3A_117] : memref<8208xf32, #tpu.memory_space<vmem>>[vector<16xi32>], vector<16xf32>,
        %parallel_loop3A = arith.constant 0 : i32
        %parallel_loop3A_119 = arith.constant 128 : i32
        %parallel_loop3A_120 = arith.constant 1 : i32
        %parallel_loop3A_121:20 = scf.for %parallel_loop3A_188 = %parallel_loop3A to %parallel_loop3A_119 step %parallel_loop3A_120 iter_args(%parallel_loop3A_189 = %broadcast_in_dim3A_12, %parallel_loop3A_190 = %broadcast_in_dim3A_12, %parallel_loop3A_191 = %broadcast_in_dim3A_12, %parallel_loop3A_192 = %broadcast_in_dim3A_12, %parallel_loop3A_193 = %broadcast_in_dim3A_12, %parallel_loop3A_194 = %broadcast_in_dim3A_12, %parallel_loop3A_195 = %broadcast_in_dim3A_12, %parallel_loop3A_196 = %broadcast_in_dim3A_12, %parallel_loop3A_197 = %broadcast_in_dim3A_12, %parallel_loop3A_198 = %broadcast_in_dim3A_12, %parallel_loop3A_199 = %broadcast_in_dim3A_12, %parallel_loop3A_200 = %broadcast_in_dim3A_12, %parallel_loop3A_201 = %broadcast_in_dim3A_12, %parallel_loop3A_202 = %broadcast_in_dim3A_12, %parallel_loop3A_203 = %broadcast_in_dim3A_12, %parallel_loop3A_204 = %broadcast_in_dim3A_12, %parallel_loop3A_205 = %gather3A, %parallel_loop3A_206 = %gather3A_110, %parallel_loop3A_207 = %gather3A_114, %parallel_loop3A_208 = %gather3A_118) -> (vector<16xf32>, vector<16xf32>, vector<16xf32>, vector<16xf32>, vector<16xf32>, vector<16xf32>, vector<16xf32>, vector<16xf32>, vector<16xf32>, vector<16xf32>, vector<16xf32>, vector<16xf32>, vector<16xf32>, vector<16xf32>, vector<16xf32>, vector<16xf32>, vector<16xf32>, vector<16xf32>, vector<16xf32>, vector<16xf32>)  : i32 {
          %parallel_loop3A_209 = arith.constant 16 : i32
          %parallel_loop3A_210 = arith.muli %parallel_loop3A_188, %parallel_loop3A_209 : i32
          %parallel_loop3A_211 = arith.index_cast %parallel_loop3A_210 : i32 to index
          %parallel_loop3A_212 = tpu.vector_load %arg9[%parallel_loop3A_211] {strides = array<i32>} : memref<2048xf32, #tpu.memory_space<vmem>>, vector<16xf32>,
          %parallel_loop3A_213 = arith.constant 0 : i32
          %parallel_loop3A_214 = arith.addi %parallel_loop3A_213, %parallel_loop3A_188 : i32
          %parallel_loop3A_215 = arith.constant 16 : i32
          %parallel_loop3A_216 = arith.muli %parallel_loop3A_214, %parallel_loop3A_215 : i32
          %parallel_loop3A_217 = arith.index_cast %parallel_loop3A_216 : i32 to index
          %parallel_loop3A_218 = tpu.vector_load %arg8[%parallel_loop3A_217] {strides = array<i32>} : memref<8192xf32, #tpu.memory_space<vmem>>, vector<16xf32>,
          %parallel_loop3A_219 = arith.constant 128 : i32
          %parallel_loop3A_220 = arith.addi %parallel_loop3A_219, %parallel_loop3A_188 : i32
          %parallel_loop3A_221 = arith.constant 16 : i32
          %parallel_loop3A_222 = arith.muli %parallel_loop3A_220, %parallel_loop3A_221 : i32
          %parallel_loop3A_223 = arith.index_cast %parallel_loop3A_222 : i32 to index
          %parallel_loop3A_224 = tpu.vector_load %arg8[%parallel_loop3A_223] {strides = array<i32>} : memref<8192xf32, #tpu.memory_space<vmem>>, vector<16xf32>,
          %parallel_loop3A_225 = arith.constant 256 : i32
          %parallel_loop3A_226 = arith.addi %parallel_loop3A_225, %parallel_loop3A_188 : i32
          %parallel_loop3A_227 = arith.constant 16 : i32
          %parallel_loop3A_228 = arith.muli %parallel_loop3A_226, %parallel_loop3A_227 : i32
          %parallel_loop3A_229 = arith.index_cast %parallel_loop3A_228 : i32 to index
          %parallel_loop3A_230 = tpu.vector_load %arg8[%parallel_loop3A_229] {strides = array<i32>} : memref<8192xf32, #tpu.memory_space<vmem>>, vector<16xf32>,
          %parallel_loop3A_231 = arith.constant 384 : i32
          %parallel_loop3A_232 = arith.addi %parallel_loop3A_231, %parallel_loop3A_188 : i32
          %parallel_loop3A_233 = arith.constant 16 : i32
          %parallel_loop3A_234 = arith.muli %parallel_loop3A_232, %parallel_loop3A_233 : i32
          %parallel_loop3A_235 = arith.index_cast %parallel_loop3A_234 : i32 to index
          %parallel_loop3A_236 = tpu.vector_load %arg8[%parallel_loop3A_235] {strides = array<i32>} : memref<8192xf32, #tpu.memory_space<vmem>>, vector<16xf32>,
          %parallel_loop3A_237 = arith.constant 0 : i32
          %parallel_loop3A_238 = arith.addi %parallel_loop3A_237, %parallel_loop3A_188 : i32
          %parallel_loop3A_239 = arith.constant 1 : i32
          %parallel_loop3A_240 = arith.addi %parallel_loop3A_238, %parallel_loop3A_239 : i32
          %parallel_loop3A_241 = vector.broadcast %parallel_loop3A_240 : i32 to vector<16xi32>
          %parallel_loop3A_242 = arith.addi %mul3A_103, %parallel_loop3A_241 : vector<16xi32>
          %parallel_loop3A_243 = tpu.vector_load_idx %arg10[%parallel_loop3A_242] : memref<8208xf32, #tpu.memory_space<vmem>>[vector<16xi32>], vector<16xf32>,
          %parallel_loop3A_244 = arith.constant 2048 : i32
          %parallel_loop3A_245 = arith.addi %parallel_loop3A_244, %parallel_loop3A_188 : i32
          %parallel_loop3A_246 = arith.constant 1 : i32
          %parallel_loop3A_247 = arith.addi %parallel_loop3A_245, %parallel_loop3A_246 : i32
          %parallel_loop3A_248 = vector.broadcast %parallel_loop3A_247 : i32 to vector<16xi32>
          %parallel_loop3A_249 = arith.addi %mul3A_103, %parallel_loop3A_248 : vector<16xi32>
          %parallel_loop3A_250 = tpu.vector_load_idx %arg10[%parallel_loop3A_249] : memref<8208xf32, #tpu.memory_space<vmem>>[vector<16xi32>], vector<16xf32>,
          %parallel_loop3A_251 = arith.constant 4096 : i32
          %parallel_loop3A_252 = arith.addi %parallel_loop3A_251, %parallel_loop3A_188 : i32
          %parallel_loop3A_253 = arith.constant 1 : i32
          %parallel_loop3A_254 = arith.addi %parallel_loop3A_252, %parallel_loop3A_253 : i32
          %parallel_loop3A_255 = vector.broadcast %parallel_loop3A_254 : i32 to vector<16xi32>
          %parallel_loop3A_256 = arith.addi %mul3A_103, %parallel_loop3A_255 : vector<16xi32>
          %parallel_loop3A_257 = tpu.vector_load_idx %arg10[%parallel_loop3A_256] : memref<8208xf32, #tpu.memory_space<vmem>>[vector<16xi32>], vector<16xf32>,
          %parallel_loop3A_258 = arith.constant 6144 : i32
          %parallel_loop3A_259 = arith.addi %parallel_loop3A_258, %parallel_loop3A_188 : i32
          %parallel_loop3A_260 = arith.constant 1 : i32
          %parallel_loop3A_261 = arith.addi %parallel_loop3A_259, %parallel_loop3A_260 : i32
          %parallel_loop3A_262 = vector.broadcast %parallel_loop3A_261 : i32 to vector<16xi32>
          %parallel_loop3A_263 = arith.addi %mul3A_103, %parallel_loop3A_262 : vector<16xi32>
          %parallel_loop3A_264 = tpu.vector_load_idx %arg10[%parallel_loop3A_263] : memref<8208xf32, #tpu.memory_space<vmem>>[vector<16xi32>], vector<16xf32>,
          %parallel_loop3A_265 = arith.subf %parallel_loop3A_205, %parallel_loop3A_218 : vector<16xf32>
          %parallel_loop3A_266 = math.absf %parallel_loop3A_265 : vector<16xf32>
          %parallel_loop3A_267 = vector.bitcast %parallel_loop3A_266 : vector<16xf32> to vector<16xi32>
          %parallel_loop3A_268 = arith.constant 32768 : i32
          %parallel_loop3A_269 = vector.broadcast %parallel_loop3A_268 : i32 to vector<16xi32>
          %parallel_loop3A_270 = arith.addi %parallel_loop3A_267, %parallel_loop3A_269 : vector<16xi32>
          %parallel_loop3A_271 = arith.constant -65536 : i32
          %parallel_loop3A_272 = vector.broadcast %parallel_loop3A_271 : i32 to vector<16xi32>
          %parallel_loop3A_273 = arith.andi %parallel_loop3A_270, %parallel_loop3A_272 : vector<16xi32>
          %parallel_loop3A_274 = vector.bitcast %parallel_loop3A_273 : vector<16xi32> to vector<16xf32>
          %parallel_loop3A_275 = arith.mulf %parallel_loop3A_274, %parallel_loop3A_212 : vector<16xf32>
          %parallel_loop3A_276 = arith.addf %parallel_loop3A_189, %parallel_loop3A_275 : vector<16xf32>
          %parallel_loop3A_277 = arith.subf %parallel_loop3A_205, %parallel_loop3A_224 : vector<16xf32>
          %parallel_loop3A_278 = math.absf %parallel_loop3A_277 : vector<16xf32>
          %parallel_loop3A_279 = vector.bitcast %parallel_loop3A_278 : vector<16xf32> to vector<16xi32>
          %parallel_loop3A_280 = arith.constant 32768 : i32
          %parallel_loop3A_281 = vector.broadcast %parallel_loop3A_280 : i32 to vector<16xi32>
          %parallel_loop3A_282 = arith.addi %parallel_loop3A_279, %parallel_loop3A_281 : vector<16xi32>
          %parallel_loop3A_283 = arith.constant -65536 : i32
          %parallel_loop3A_284 = vector.broadcast %parallel_loop3A_283 : i32 to vector<16xi32>
          %parallel_loop3A_285 = arith.andi %parallel_loop3A_282, %parallel_loop3A_284 : vector<16xi32>
          %parallel_loop3A_286 = vector.bitcast %parallel_loop3A_285 : vector<16xi32> to vector<16xf32>
          %parallel_loop3A_287 = arith.mulf %parallel_loop3A_286, %parallel_loop3A_212 : vector<16xf32>
          %parallel_loop3A_288 = arith.addf %parallel_loop3A_193, %parallel_loop3A_287 : vector<16xf32>
          %parallel_loop3A_289 = arith.subf %parallel_loop3A_205, %parallel_loop3A_230 : vector<16xf32>
          %parallel_loop3A_290 = math.absf %parallel_loop3A_289 : vector<16xf32>
          %parallel_loop3A_291 = vector.bitcast %parallel_loop3A_290 : vector<16xf32> to vector<16xi32>
          %parallel_loop3A_292 = arith.constant 32768 : i32
          %parallel_loop3A_293 = vector.broadcast %parallel_loop3A_292 : i32 to vector<16xi32>
          %parallel_loop3A_294 = arith.addi %parallel_loop3A_291, %parallel_loop3A_293 : vector<16xi32>
          %parallel_loop3A_295 = arith.constant -65536 : i32
          %parallel_loop3A_296 = vector.broadcast %parallel_loop3A_295 : i32 to vector<16xi32>
          %parallel_loop3A_297 = arith.andi %parallel_loop3A_294, %parallel_loop3A_296 : vector<16xi32>
          %parallel_loop3A_298 = vector.bitcast %parallel_loop3A_297 : vector<16xi32> to vector<16xf32>
          %parallel_loop3A_299 = arith.mulf %parallel_loop3A_298, %parallel_loop3A_212 : vector<16xf32>
          %parallel_loop3A_300 = arith.addf %parallel_loop3A_197, %parallel_loop3A_299 : vector<16xf32>
          %parallel_loop3A_301 = arith.subf %parallel_loop3A_205, %parallel_loop3A_236 : vector<16xf32>
          %parallel_loop3A_302 = math.absf %parallel_loop3A_301 : vector<16xf32>
          %parallel_loop3A_303 = vector.bitcast %parallel_loop3A_302 : vector<16xf32> to vector<16xi32>
          %parallel_loop3A_304 = arith.constant 32768 : i32
          %parallel_loop3A_305 = vector.broadcast %parallel_loop3A_304 : i32 to vector<16xi32>
          %parallel_loop3A_306 = arith.addi %parallel_loop3A_303, %parallel_loop3A_305 : vector<16xi32>
          %parallel_loop3A_307 = arith.constant -65536 : i32
          %parallel_loop3A_308 = vector.broadcast %parallel_loop3A_307 : i32 to vector<16xi32>
          %parallel_loop3A_309 = arith.andi %parallel_loop3A_306, %parallel_loop3A_308 : vector<16xi32>
          %parallel_loop3A_310 = vector.bitcast %parallel_loop3A_309 : vector<16xi32> to vector<16xf32>
          %parallel_loop3A_311 = arith.mulf %parallel_loop3A_310, %parallel_loop3A_212 : vector<16xf32>
          %parallel_loop3A_312 = arith.addf %parallel_loop3A_201, %parallel_loop3A_311 : vector<16xf32>
          %parallel_loop3A_313 = arith.subf %parallel_loop3A_206, %parallel_loop3A_218 : vector<16xf32>
          %parallel_loop3A_314 = math.absf %parallel_loop3A_313 : vector<16xf32>
          %parallel_loop3A_315 = vector.bitcast %parallel_loop3A_314 : vector<16xf32> to vector<16xi32>
          %parallel_loop3A_316 = arith.constant 32768 : i32
          %parallel_loop3A_317 = vector.broadcast %parallel_loop3A_316 : i32 to vector<16xi32>
          %parallel_loop3A_318 = arith.addi %parallel_loop3A_315, %parallel_loop3A_317 : vector<16xi32>
          %parallel_loop3A_319 = arith.constant -65536 : i32
          %parallel_loop3A_320 = vector.broadcast %parallel_loop3A_319 : i32 to vector<16xi32>
          %parallel_loop3A_321 = arith.andi %parallel_loop3A_318, %parallel_loop3A_320 : vector<16xi32>
          %parallel_loop3A_322 = vector.bitcast %parallel_loop3A_321 : vector<16xi32> to vector<16xf32>
          %parallel_loop3A_323 = arith.mulf %parallel_loop3A_322, %parallel_loop3A_212 : vector<16xf32>
          %parallel_loop3A_324 = arith.addf %parallel_loop3A_190, %parallel_loop3A_323 : vector<16xf32>
          %parallel_loop3A_325 = arith.subf %parallel_loop3A_206, %parallel_loop3A_224 : vector<16xf32>
          %parallel_loop3A_326 = math.absf %parallel_loop3A_325 : vector<16xf32>
          %parallel_loop3A_327 = vector.bitcast %parallel_loop3A_326 : vector<16xf32> to vector<16xi32>
          %parallel_loop3A_328 = arith.constant 32768 : i32
          %parallel_loop3A_329 = vector.broadcast %parallel_loop3A_328 : i32 to vector<16xi32>
          %parallel_loop3A_330 = arith.addi %parallel_loop3A_327, %parallel_loop3A_329 : vector<16xi32>
          %parallel_loop3A_331 = arith.constant -65536 : i32
          %parallel_loop3A_332 = vector.broadcast %parallel_loop3A_331 : i32 to vector<16xi32>
          %parallel_loop3A_333 = arith.andi %parallel_loop3A_330, %parallel_loop3A_332 : vector<16xi32>
          %parallel_loop3A_334 = vector.bitcast %parallel_loop3A_333 : vector<16xi32> to vector<16xf32>
          %parallel_loop3A_335 = arith.mulf %parallel_loop3A_334, %parallel_loop3A_212 : vector<16xf32>
          %parallel_loop3A_336 = arith.addf %parallel_loop3A_194, %parallel_loop3A_335 : vector<16xf32>
          %parallel_loop3A_337 = arith.subf %parallel_loop3A_206, %parallel_loop3A_230 : vector<16xf32>
          %parallel_loop3A_338 = math.absf %parallel_loop3A_337 : vector<16xf32>
          %parallel_loop3A_339 = vector.bitcast %parallel_loop3A_338 : vector<16xf32> to vector<16xi32>
          %parallel_loop3A_340 = arith.constant 32768 : i32
          %parallel_loop3A_341 = vector.broadcast %parallel_loop3A_340 : i32 to vector<16xi32>
          %parallel_loop3A_342 = arith.addi %parallel_loop3A_339, %parallel_loop3A_341 : vector<16xi32>
          %parallel_loop3A_343 = arith.constant -65536 : i32
          %parallel_loop3A_344 = vector.broadcast %parallel_loop3A_343 : i32 to vector<16xi32>
          %parallel_loop3A_345 = arith.andi %parallel_loop3A_342, %parallel_loop3A_344 : vector<16xi32>
          %parallel_loop3A_346 = vector.bitcast %parallel_loop3A_345 : vector<16xi32> to vector<16xf32>
          %parallel_loop3A_347 = arith.mulf %parallel_loop3A_346, %parallel_loop3A_212 : vector<16xf32>
          %parallel_loop3A_348 = arith.addf %parallel_loop3A_198, %parallel_loop3A_347 : vector<16xf32>
          %parallel_loop3A_349 = arith.subf %parallel_loop3A_206, %parallel_loop3A_236 : vector<16xf32>
          %parallel_loop3A_350 = math.absf %parallel_loop3A_349 : vector<16xf32>
          %parallel_loop3A_351 = vector.bitcast %parallel_loop3A_350 : vector<16xf32> to vector<16xi32>
          %parallel_loop3A_352 = arith.constant 32768 : i32
          %parallel_loop3A_353 = vector.broadcast %parallel_loop3A_352 : i32 to vector<16xi32>
          %parallel_loop3A_354 = arith.addi %parallel_loop3A_351, %parallel_loop3A_353 : vector<16xi32>
          %parallel_loop3A_355 = arith.constant -65536 : i32
          %parallel_loop3A_356 = vector.broadcast %parallel_loop3A_355 : i32 to vector<16xi32>
          %parallel_loop3A_357 = arith.andi %parallel_loop3A_354, %parallel_loop3A_356 : vector<16xi32>
          %parallel_loop3A_358 = vector.bitcast %parallel_loop3A_357 : vector<16xi32> to vector<16xf32>
          %parallel_loop3A_359 = arith.mulf %parallel_loop3A_358, %parallel_loop3A_212 : vector<16xf32>
          %parallel_loop3A_360 = arith.addf %parallel_loop3A_202, %parallel_loop3A_359 : vector<16xf32>
          %parallel_loop3A_361 = arith.subf %parallel_loop3A_207, %parallel_loop3A_218 : vector<16xf32>
          %parallel_loop3A_362 = math.absf %parallel_loop3A_361 : vector<16xf32>
          %parallel_loop3A_363 = vector.bitcast %parallel_loop3A_362 : vector<16xf32> to vector<16xi32>
          %parallel_loop3A_364 = arith.constant 32768 : i32
          %parallel_loop3A_365 = vector.broadcast %parallel_loop3A_364 : i32 to vector<16xi32>
          %parallel_loop3A_366 = arith.addi %parallel_loop3A_363, %parallel_loop3A_365 : vector<16xi32>
          %parallel_loop3A_367 = arith.constant -65536 : i32
          %parallel_loop3A_368 = vector.broadcast %parallel_loop3A_367 : i32 to vector<16xi32>
          %parallel_loop3A_369 = arith.andi %parallel_loop3A_366, %parallel_loop3A_368 : vector<16xi32>
          %parallel_loop3A_370 = vector.bitcast %parallel_loop3A_369 : vector<16xi32> to vector<16xf32>
          %parallel_loop3A_371 = arith.mulf %parallel_loop3A_370, %parallel_loop3A_212 : vector<16xf32>
          %parallel_loop3A_372 = arith.addf %parallel_loop3A_191, %parallel_loop3A_371 : vector<16xf32>
          %parallel_loop3A_373 = arith.subf %parallel_loop3A_207, %parallel_loop3A_224 : vector<16xf32>
          %parallel_loop3A_374 = math.absf %parallel_loop3A_373 : vector<16xf32>
          %parallel_loop3A_375 = vector.bitcast %parallel_loop3A_374 : vector<16xf32> to vector<16xi32>
          %parallel_loop3A_376 = arith.constant 32768 : i32
          %parallel_loop3A_377 = vector.broadcast %parallel_loop3A_376 : i32 to vector<16xi32>
          %parallel_loop3A_378 = arith.addi %parallel_loop3A_375, %parallel_loop3A_377 : vector<16xi32>
          %parallel_loop3A_379 = arith.constant -65536 : i32
          %parallel_loop3A_380 = vector.broadcast %parallel_loop3A_379 : i32 to vector<16xi32>
          %parallel_loop3A_381 = arith.andi %parallel_loop3A_378, %parallel_loop3A_380 : vector<16xi32>
          %parallel_loop3A_382 = vector.bitcast %parallel_loop3A_381 : vector<16xi32> to vector<16xf32>
          %parallel_loop3A_383 = arith.mulf %parallel_loop3A_382, %parallel_loop3A_212 : vector<16xf32>
          %parallel_loop3A_384 = arith.addf %parallel_loop3A_195, %parallel_loop3A_383 : vector<16xf32>
          %parallel_loop3A_385 = arith.subf %parallel_loop3A_207, %parallel_loop3A_230 : vector<16xf32>
          %parallel_loop3A_386 = math.absf %parallel_loop3A_385 : vector<16xf32>
          %parallel_loop3A_387 = vector.bitcast %parallel_loop3A_386 : vector<16xf32> to vector<16xi32>
          %parallel_loop3A_388 = arith.constant 32768 : i32
          %parallel_loop3A_389 = vector.broadcast %parallel_loop3A_388 : i32 to vector<16xi32>
          %parallel_loop3A_390 = arith.addi %parallel_loop3A_387, %parallel_loop3A_389 : vector<16xi32>
          %parallel_loop3A_391 = arith.constant -65536 : i32
          %parallel_loop3A_392 = vector.broadcast %parallel_loop3A_391 : i32 to vector<16xi32>
          %parallel_loop3A_393 = arith.andi %parallel_loop3A_390, %parallel_loop3A_392 : vector<16xi32>
          %parallel_loop3A_394 = vector.bitcast %parallel_loop3A_393 : vector<16xi32> to vector<16xf32>
          %parallel_loop3A_395 = arith.mulf %parallel_loop3A_394, %parallel_loop3A_212 : vector<16xf32>
          %parallel_loop3A_396 = arith.addf %parallel_loop3A_199, %parallel_loop3A_395 : vector<16xf32>
          %parallel_loop3A_397 = arith.subf %parallel_loop3A_207, %parallel_loop3A_236 : vector<16xf32>
          %parallel_loop3A_398 = math.absf %parallel_loop3A_397 : vector<16xf32>
          %parallel_loop3A_399 = vector.bitcast %parallel_loop3A_398 : vector<16xf32> to vector<16xi32>
          %parallel_loop3A_400 = arith.constant 32768 : i32
          %parallel_loop3A_401 = vector.broadcast %parallel_loop3A_400 : i32 to vector<16xi32>
          %parallel_loop3A_402 = arith.addi %parallel_loop3A_399, %parallel_loop3A_401 : vector<16xi32>
          %parallel_loop3A_403 = arith.constant -65536 : i32
          %parallel_loop3A_404 = vector.broadcast %parallel_loop3A_403 : i32 to vector<16xi32>
          %parallel_loop3A_405 = arith.andi %parallel_loop3A_402, %parallel_loop3A_404 : vector<16xi32>
          %parallel_loop3A_406 = vector.bitcast %parallel_loop3A_405 : vector<16xi32> to vector<16xf32>
          %parallel_loop3A_407 = arith.mulf %parallel_loop3A_406, %parallel_loop3A_212 : vector<16xf32>
          %parallel_loop3A_408 = arith.addf %parallel_loop3A_203, %parallel_loop3A_407 : vector<16xf32>
          %parallel_loop3A_409 = arith.subf %parallel_loop3A_208, %parallel_loop3A_218 : vector<16xf32>
          %parallel_loop3A_410 = math.absf %parallel_loop3A_409 : vector<16xf32>
          %parallel_loop3A_411 = vector.bitcast %parallel_loop3A_410 : vector<16xf32> to vector<16xi32>
          %parallel_loop3A_412 = arith.constant 32768 : i32
          %parallel_loop3A_413 = vector.broadcast %parallel_loop3A_412 : i32 to vector<16xi32>
          %parallel_loop3A_414 = arith.addi %parallel_loop3A_411, %parallel_loop3A_413 : vector<16xi32>
          %parallel_loop3A_415 = arith.constant -65536 : i32
          %parallel_loop3A_416 = vector.broadcast %parallel_loop3A_415 : i32 to vector<16xi32>
          %parallel_loop3A_417 = arith.andi %parallel_loop3A_414, %parallel_loop3A_416 : vector<16xi32>
          %parallel_loop3A_418 = vector.bitcast %parallel_loop3A_417 : vector<16xi32> to vector<16xf32>
          %parallel_loop3A_419 = arith.mulf %parallel_loop3A_418, %parallel_loop3A_212 : vector<16xf32>
          %parallel_loop3A_420 = arith.addf %parallel_loop3A_192, %parallel_loop3A_419 : vector<16xf32>
          %parallel_loop3A_421 = arith.subf %parallel_loop3A_208, %parallel_loop3A_224 : vector<16xf32>
          %parallel_loop3A_422 = math.absf %parallel_loop3A_421 : vector<16xf32>
          %parallel_loop3A_423 = vector.bitcast %parallel_loop3A_422 : vector<16xf32> to vector<16xi32>
          %parallel_loop3A_424 = arith.constant 32768 : i32
          %parallel_loop3A_425 = vector.broadcast %parallel_loop3A_424 : i32 to vector<16xi32>
          %parallel_loop3A_426 = arith.addi %parallel_loop3A_423, %parallel_loop3A_425 : vector<16xi32>
          %parallel_loop3A_427 = arith.constant -65536 : i32
          %parallel_loop3A_428 = vector.broadcast %parallel_loop3A_427 : i32 to vector<16xi32>
          %parallel_loop3A_429 = arith.andi %parallel_loop3A_426, %parallel_loop3A_428 : vector<16xi32>
          %parallel_loop3A_430 = vector.bitcast %parallel_loop3A_429 : vector<16xi32> to vector<16xf32>
          %parallel_loop3A_431 = arith.mulf %parallel_loop3A_430, %parallel_loop3A_212 : vector<16xf32>
          %parallel_loop3A_432 = arith.addf %parallel_loop3A_196, %parallel_loop3A_431 : vector<16xf32>
          %parallel_loop3A_433 = arith.subf %parallel_loop3A_208, %parallel_loop3A_230 : vector<16xf32>
          %parallel_loop3A_434 = math.absf %parallel_loop3A_433 : vector<16xf32>
          %parallel_loop3A_435 = vector.bitcast %parallel_loop3A_434 : vector<16xf32> to vector<16xi32>
          %parallel_loop3A_436 = arith.constant 32768 : i32
          %parallel_loop3A_437 = vector.broadcast %parallel_loop3A_436 : i32 to vector<16xi32>
          %parallel_loop3A_438 = arith.addi %parallel_loop3A_435, %parallel_loop3A_437 : vector<16xi32>
          %parallel_loop3A_439 = arith.constant -65536 : i32
          %parallel_loop3A_440 = vector.broadcast %parallel_loop3A_439 : i32 to vector<16xi32>
          %parallel_loop3A_441 = arith.andi %parallel_loop3A_438, %parallel_loop3A_440 : vector<16xi32>
          %parallel_loop3A_442 = vector.bitcast %parallel_loop3A_441 : vector<16xi32> to vector<16xf32>
          %parallel_loop3A_443 = arith.mulf %parallel_loop3A_442, %parallel_loop3A_212 : vector<16xf32>
          %parallel_loop3A_444 = arith.addf %parallel_loop3A_200, %parallel_loop3A_443 : vector<16xf32>
          %parallel_loop3A_445 = arith.subf %parallel_loop3A_208, %parallel_loop3A_236 : vector<16xf32>
          %parallel_loop3A_446 = math.absf %parallel_loop3A_445 : vector<16xf32>
          %parallel_loop3A_447 = vector.bitcast %parallel_loop3A_446 : vector<16xf32> to vector<16xi32>
          %parallel_loop3A_448 = arith.constant 32768 : i32
          %parallel_loop3A_449 = vector.broadcast %parallel_loop3A_448 : i32 to vector<16xi32>
          %parallel_loop3A_450 = arith.addi %parallel_loop3A_447, %parallel_loop3A_449 : vector<16xi32>
          %parallel_loop3A_451 = arith.constant -65536 : i32
          %parallel_loop3A_452 = vector.broadcast %parallel_loop3A_451 : i32 to vector<16xi32>
          %parallel_loop3A_453 = arith.andi %parallel_loop3A_450, %parallel_loop3A_452 : vector<16xi32>
          %parallel_loop3A_454 = vector.bitcast %parallel_loop3A_453 : vector<16xi32> to vector<16xf32>
          %parallel_loop3A_455 = arith.mulf %parallel_loop3A_454, %parallel_loop3A_212 : vector<16xf32>
          %parallel_loop3A_456 = arith.addf %parallel_loop3A_204, %parallel_loop3A_455 : vector<16xf32>
          scf.yield %parallel_loop3A_276, %parallel_loop3A_324, %parallel_loop3A_372, %parallel_loop3A_420, %parallel_loop3A_288, %parallel_loop3A_336, %parallel_loop3A_384, %parallel_loop3A_432, %parallel_loop3A_300, %parallel_loop3A_348, %parallel_loop3A_396, %parallel_loop3A_444, %parallel_loop3A_312, %parallel_loop3A_360, %parallel_loop3A_408, %parallel_loop3A_456, %parallel_loop3A_243, %parallel_loop3A_250, %parallel_loop3A_257, %parallel_loop3A_264 : vector<16xf32>, vector<16xf32>, vector<16xf32>, vector<16xf32>, vector<16xf32>, vector<16xf32>, vector<16xf32>, vector<16xf32>, vector<16xf32>, vector<16xf32>, vector<16xf32>, vector<16xf32>, vector<16xf32>, vector<16xf32>, vector<16xf32>, vector<16xf32>, vector<16xf32>, vector<16xf32>, vector<16xf32>, vector<16xf32>
        } {sc.loop_unroll_factor = 1 : i64, sc.parallel_access}
        %broadcast_in_dim3A_122 = arith.constant 1.000000e+00 : f32
        %broadcast_in_dim3A_123 = vector.broadcast %broadcast_in_dim3A_122 : f32 to vector<16xf32>
        %mul3A_124 = arith.constant 512 : i32
        %mul3A_125 = vector.broadcast %mul3A_124 : i32 to vector<16xi32>
        %mul3A_126 = arith.muli %iota3A, %mul3A_125 : vector<16xi32>
        %add3A_127 = arith.addi %mul3A_126, %get3A_82 : vector<16xi32>
        tpu.vector_store_idx %arg14[%add3A_127], %broadcast_in_dim3A_123 {add = true} : memref<8192xf32, #tpu.memory_space<vmem>>[vector<16xi32>], vector<16xf32>,
        %add3A_128 = arith.constant 0 : i32
        %add3A_129 = vector.broadcast %add3A_128 : i32 to vector<16xi32>
        %add3A_130 = arith.addi %add3A_129, %add3A_127 : vector<16xi32>
        tpu.vector_store_idx %arg13[%add3A_130], %parallel_loop3A_121#0 {add = true} : memref<32768xf32, #tpu.memory_space<vmem>>[vector<16xi32>], vector<16xf32>,
        %add3A_131 = arith.constant 8192 : i32
        %add3A_132 = vector.broadcast %add3A_131 : i32 to vector<16xi32>
        %add3A_133 = arith.addi %add3A_132, %add3A_127 : vector<16xi32>
        tpu.vector_store_idx %arg13[%add3A_133], %parallel_loop3A_121#4 {add = true} : memref<32768xf32, #tpu.memory_space<vmem>>[vector<16xi32>], vector<16xf32>,
        %add3A_134 = arith.constant 16384 : i32
        %add3A_135 = vector.broadcast %add3A_134 : i32 to vector<16xi32>
        %add3A_136 = arith.addi %add3A_135, %add3A_127 : vector<16xi32>
        tpu.vector_store_idx %arg13[%add3A_136], %parallel_loop3A_121#8 {add = true} : memref<32768xf32, #tpu.memory_space<vmem>>[vector<16xi32>], vector<16xf32>,
        %add3A_137 = arith.constant 24576 : i32
        %add3A_138 = vector.broadcast %add3A_137 : i32 to vector<16xi32>
        %add3A_139 = arith.addi %add3A_138, %add3A_127 : vector<16xi32>
        tpu.vector_store_idx %arg13[%add3A_139], %parallel_loop3A_121#12 {add = true} : memref<32768xf32, #tpu.memory_space<vmem>>[vector<16xi32>], vector<16xf32>,
        %mul3A_140 = arith.constant 512 : i32
        %mul3A_141 = vector.broadcast %mul3A_140 : i32 to vector<16xi32>
        %mul3A_142 = arith.muli %iota3A, %mul3A_141 : vector<16xi32>
        %add3A_143 = arith.addi %mul3A_142, %get3A_88 : vector<16xi32>
        tpu.vector_store_idx %arg14[%add3A_143], %broadcast_in_dim3A_123 {add = true} : memref<8192xf32, #tpu.memory_space<vmem>>[vector<16xi32>], vector<16xf32>,
        %add3A_144 = arith.constant 0 : i32
        %add3A_145 = vector.broadcast %add3A_144 : i32 to vector<16xi32>
        %add3A_146 = arith.addi %add3A_145, %add3A_143 : vector<16xi32>
        tpu.vector_store_idx %arg13[%add3A_146], %parallel_loop3A_121#1 {add = true} : memref<32768xf32, #tpu.memory_space<vmem>>[vector<16xi32>], vector<16xf32>,
        %add3A_147 = arith.constant 8192 : i32
        %add3A_148 = vector.broadcast %add3A_147 : i32 to vector<16xi32>
        %add3A_149 = arith.addi %add3A_148, %add3A_143 : vector<16xi32>
        tpu.vector_store_idx %arg13[%add3A_149], %parallel_loop3A_121#5 {add = true} : memref<32768xf32, #tpu.memory_space<vmem>>[vector<16xi32>], vector<16xf32>,
        %add3A_150 = arith.constant 16384 : i32
        %add3A_151 = vector.broadcast %add3A_150 : i32 to vector<16xi32>
        %add3A_152 = arith.addi %add3A_151, %add3A_143 : vector<16xi32>
        tpu.vector_store_idx %arg13[%add3A_152], %parallel_loop3A_121#9 {add = true} : memref<32768xf32, #tpu.memory_space<vmem>>[vector<16xi32>], vector<16xf32>,
        %add3A_153 = arith.constant 24576 : i32
        %add3A_154 = vector.broadcast %add3A_153 : i32 to vector<16xi32>
        %add3A_155 = arith.addi %add3A_154, %add3A_143 : vector<16xi32>
        tpu.vector_store_idx %arg13[%add3A_155], %parallel_loop3A_121#13 {add = true} : memref<32768xf32, #tpu.memory_space<vmem>>[vector<16xi32>], vector<16xf32>,
        %mul3A_156 = arith.constant 512 : i32
        %mul3A_157 = vector.broadcast %mul3A_156 : i32 to vector<16xi32>
        %mul3A_158 = arith.muli %iota3A, %mul3A_157 : vector<16xi32>
        %add3A_159 = arith.addi %mul3A_158, %get3A_94 : vector<16xi32>
        tpu.vector_store_idx %arg14[%add3A_159], %broadcast_in_dim3A_123 {add = true} : memref<8192xf32, #tpu.memory_space<vmem>>[vector<16xi32>], vector<16xf32>,
        %add3A_160 = arith.constant 0 : i32
        %add3A_161 = vector.broadcast %add3A_160 : i32 to vector<16xi32>
        %add3A_162 = arith.addi %add3A_161, %add3A_159 : vector<16xi32>
        tpu.vector_store_idx %arg13[%add3A_162], %parallel_loop3A_121#2 {add = true} : memref<32768xf32, #tpu.memory_space<vmem>>[vector<16xi32>], vector<16xf32>,
        %add3A_163 = arith.constant 8192 : i32
        %add3A_164 = vector.broadcast %add3A_163 : i32 to vector<16xi32>
        %add3A_165 = arith.addi %add3A_164, %add3A_159 : vector<16xi32>
        tpu.vector_store_idx %arg13[%add3A_165], %parallel_loop3A_121#6 {add = true} : memref<32768xf32, #tpu.memory_space<vmem>>[vector<16xi32>], vector<16xf32>,
        %add3A_166 = arith.constant 16384 : i32
        %add3A_167 = vector.broadcast %add3A_166 : i32 to vector<16xi32>
        %add3A_168 = arith.addi %add3A_167, %add3A_159 : vector<16xi32>
        tpu.vector_store_idx %arg13[%add3A_168], %parallel_loop3A_121#10 {add = true} : memref<32768xf32, #tpu.memory_space<vmem>>[vector<16xi32>], vector<16xf32>,
        %add3A_169 = arith.constant 24576 : i32
        %add3A_170 = vector.broadcast %add3A_169 : i32 to vector<16xi32>
        %add3A_171 = arith.addi %add3A_170, %add3A_159 : vector<16xi32>
        tpu.vector_store_idx %arg13[%add3A_171], %parallel_loop3A_121#14 {add = true} : memref<32768xf32, #tpu.memory_space<vmem>>[vector<16xi32>], vector<16xf32>,
        %mul3A_172 = arith.constant 512 : i32
        %mul3A_173 = vector.broadcast %mul3A_172 : i32 to vector<16xi32>
        %mul3A_174 = arith.muli %iota3A, %mul3A_173 : vector<16xi32>
        %add3A_175 = arith.addi %mul3A_174, %get3A_100 : vector<16xi32>
        tpu.vector_store_idx %arg14[%add3A_175], %broadcast_in_dim3A_123 {add = true} : memref<8192xf32, #tpu.memory_space<vmem>>[vector<16xi32>], vector<16xf32>,
        %add3A_176 = arith.constant 0 : i32
        %add3A_177 = vector.broadcast %add3A_176 : i32 to vector<16xi32>
        %add3A_178 = arith.addi %add3A_177, %add3A_175 : vector<16xi32>
        tpu.vector_store_idx %arg13[%add3A_178], %parallel_loop3A_121#3 {add = true} : memref<32768xf32, #tpu.memory_space<vmem>>[vector<16xi32>], vector<16xf32>,
        %add3A_179 = arith.constant 8192 : i32
        %add3A_180 = vector.broadcast %add3A_179 : i32 to vector<16xi32>
        %add3A_181 = arith.addi %add3A_180, %add3A_175 : vector<16xi32>
        tpu.vector_store_idx %arg13[%add3A_181], %parallel_loop3A_121#7 {add = true} : memref<32768xf32, #tpu.memory_space<vmem>>[vector<16xi32>], vector<16xf32>,
        %add3A_182 = arith.constant 16384 : i32
        %add3A_183 = vector.broadcast %add3A_182 : i32 to vector<16xi32>
        %add3A_184 = arith.addi %add3A_183, %add3A_175 : vector<16xi32>
        tpu.vector_store_idx %arg13[%add3A_184], %parallel_loop3A_121#11 {add = true} : memref<32768xf32, #tpu.memory_space<vmem>>[vector<16xi32>], vector<16xf32>,
        %add3A_185 = arith.constant 24576 : i32
        %add3A_186 = vector.broadcast %add3A_185 : i32 to vector<16xi32>
        %add3A_187 = arith.addi %add3A_186, %add3A_175 : vector<16xi32>
        tpu.vector_store_idx %arg13[%add3A_187], %parallel_loop3A_121#15 {add = true} : memref<32768xf32, #tpu.memory_space<vmem>>[vector<16xi32>], vector<16xf32>,
      } else {
      }
      %mul3A_54 = arith.constant 2 : i32
      %mul3A_55 = arith.muli %add3A_45, %mul3A_54 : i32
      %add3A_56 = arith.constant 1 : i32
      %add3A_57 = arith.addi %mul3A_55, %add3A_56 : i32
      %lt3A_58 = arith.cmpi slt, %add3A_57, %select_n3A : i32
      %convert_element_type3A_59 = arith.extui %lt3A_58 : i1 to i32
      %cond3A_60 = arith.constant 0 : i32
      %cond3A_61 = arith.cmpi ne, %convert_element_type3A_59, %cond3A_60 : i32
      scf.if %cond3A_61 {
        %add3A_62 = arith.constant 1 : i32
        %add3A_63 = arith.addi %add3A_57, %add3A_62 : i32
        %lt3A_64 = arith.cmpi slt, %add3A_63, %select_n3A : i32
        %convert_element_type3A_65 = arith.extui %lt3A_64 : i1 to i32
        %cond3A_66 = arith.constant 0 : i32
        %cond3A_67 = arith.cmpi ne, %convert_element_type3A_65, %cond3A_66 : i32
        scf.if %cond3A_67 {
          %add3A_188 = arith.constant 1 : i32
          %add3A_189 = arith.addi %add3A_57, %add3A_188 : i32
          %mul3A_190 = arith.constant 64 : i32
          %mul3A_191 = arith.muli %add3A_189, %mul3A_190 : i32
          %add3A_192 = arith.addi %mul3A_2, %mul3A_191 : i32
          %mul3A_193 = arith.constant 128 : i32
          %mul3A_194 = arith.muli %add3A_192, %mul3A_193 : i32
          %dma_start3A_195 = arith.constant 0 : i32
          %dma_start3A_196 = tpu.memref_slice %arg10[%dma_start3A_195] : memref<8208xf32, #tpu.memory_space<vmem>> -> memref<8192xf32, #tpu.memory_space<vmem>>
          %dma_start3A_197 = tpu.memref_slice %arg4[%mul3A_194] : memref<20480000xf32, #tpu.memory_space<hbm>> -> memref<8192xf32, #tpu.memory_space<hbm>>
          %dma_start3A_198 = arith.constant 0 : i32
          %dma_start3A_199 = tpu.memref_slice %arg10[%dma_start3A_198] : memref<8208xf32, #tpu.memory_space<vmem>> -> memref<8192xf32, #tpu.memory_space<vmem>>
          %dma_start3A_200 = tpu.memref_slice %arg4[%mul3A_194] : memref<20480000xf32, #tpu.memory_space<hbm>> -> memref<8192xf32, #tpu.memory_space<hbm>>
          tpu.enqueue_dma source(%dma_start3A_200 : memref<8192xf32, #tpu.memory_space<hbm>>) target(%dma_start3A_199 : memref<8192xf32, #tpu.memory_space<vmem>>) target_semaphore(%arg17 : memref<!tpu.dma_semaphore, #tpu.memory_space<semaphore_mem>>)
        } else {
        }
        %mul3A_68 = arith.constant 64 : i32
        %mul3A_69 = arith.muli %add3A_57, %mul3A_68 : i32
        %add3A_70 = arith.addi %mul3A_2, %mul3A_69 : i32
        %mul3A_71 = arith.constant 128 : i32
        %mul3A_72 = arith.muli %add3A_70, %mul3A_71 : i32
        %dma_wait3A = arith.constant 0 : i32
        %dma_wait3A_73 = tpu.memref_slice %arg11[%dma_wait3A] : memref<8208xf32, #tpu.memory_space<vmem>> -> memref<8192xf32, #tpu.memory_space<vmem>>
        %dma_wait3A_74 = tpu.memref_slice %arg4[%mul3A_72] : memref<20480000xf32, #tpu.memory_space<hbm>> -> memref<8192xf32, #tpu.memory_space<hbm>>
        %dma_wait3A_75 = arith.constant 0 : i32
        %dma_wait3A_76 = tpu.memref_slice %arg11[%dma_wait3A_75] : memref<8208xf32, #tpu.memory_space<vmem>> -> memref<8192xf32, #tpu.memory_space<vmem>>
        %dma_wait3A_77 = tpu.memref_slice %arg4[%mul3A_72] : memref<20480000xf32, #tpu.memory_space<hbm>> -> memref<8192xf32, #tpu.memory_space<hbm>>
        tpu.wait_dma2 semaphore(%arg18 : memref<!tpu.dma_semaphore, #tpu.memory_space<semaphore_mem>>) src(%dma_wait3A_77 : memref<8192xf32, #tpu.memory_space<hbm>>) dst(%dma_wait3A_76 : memref<8192xf32, #tpu.memory_space<vmem>>)
        %mul3A_78 = arith.constant 64 : i32
        %mul3A_79 = arith.muli %add3A_57, %mul3A_78 : i32
        %add3A_80 = arith.constant 0 : i32
        %add3A_81 = arith.addi %mul3A_79, %add3A_80 : i32
        %get3A = arith.index_cast %add3A_81 : i32 to index
        %get3A_82 = tpu.vector_load %arg12[%get3A] {strides = array<i32>} : memref<5056xi32, #tpu.memory_space<vmem>>, vector<16xi32>,
        %mul3A_83 = arith.constant 64 : i32
        %mul3A_84 = arith.muli %add3A_57, %mul3A_83 : i32
        %add3A_85 = arith.constant 16 : i32
        %add3A_86 = arith.addi %mul3A_84, %add3A_85 : i32
        %get3A_87 = arith.index_cast %add3A_86 : i32 to index
        %get3A_88 = tpu.vector_load %arg12[%get3A_87] {strides = array<i32>} : memref<5056xi32, #tpu.memory_space<vmem>>, vector<16xi32>,
        %mul3A_89 = arith.constant 64 : i32
        %mul3A_90 = arith.muli %add3A_57, %mul3A_89 : i32
        %add3A_91 = arith.constant 32 : i32
        %add3A_92 = arith.addi %mul3A_90, %add3A_91 : i32
        %get3A_93 = arith.index_cast %add3A_92 : i32 to index
        %get3A_94 = tpu.vector_load %arg12[%get3A_93] {strides = array<i32>} : memref<5056xi32, #tpu.memory_space<vmem>>, vector<16xi32>,
        %mul3A_95 = arith.constant 64 : i32
        %mul3A_96 = arith.muli %add3A_57, %mul3A_95 : i32
        %add3A_97 = arith.constant 48 : i32
        %add3A_98 = arith.addi %mul3A_96, %add3A_97 : i32
        %get3A_99 = arith.index_cast %add3A_98 : i32 to index
        %get3A_100 = tpu.vector_load %arg12[%get3A_99] {strides = array<i32>} : memref<5056xi32, #tpu.memory_space<vmem>>, vector<16xi32>,
        %mul3A_101 = arith.constant 128 : i32
        %mul3A_102 = vector.broadcast %mul3A_101 : i32 to vector<16xi32>
        %mul3A_103 = arith.muli %iota3A, %mul3A_102 : vector<16xi32>
        %add3A_104 = arith.constant 0 : i32
        %add3A_105 = vector.broadcast %add3A_104 : i32 to vector<16xi32>
        %add3A_106 = arith.addi %mul3A_103, %add3A_105 : vector<16xi32>
        %gather3A = tpu.vector_load_idx %arg11[%add3A_106] : memref<8208xf32, #tpu.memory_space<vmem>>[vector<16xi32>], vector<16xf32>,
        %add3A_107 = arith.constant 2048 : i32
        %add3A_108 = vector.broadcast %add3A_107 : i32 to vector<16xi32>
        %add3A_109 = arith.addi %mul3A_103, %add3A_108 : vector<16xi32>
        %gather3A_110 = tpu.vector_load_idx %arg11[%add3A_109] : memref<8208xf32, #tpu.memory_space<vmem>>[vector<16xi32>], vector<16xf32>,
        %add3A_111 = arith.constant 4096 : i32
        %add3A_112 = vector.broadcast %add3A_111 : i32 to vector<16xi32>
        %add3A_113 = arith.addi %mul3A_103, %add3A_112 : vector<16xi32>
        %gather3A_114 = tpu.vector_load_idx %arg11[%add3A_113] : memref<8208xf32, #tpu.memory_space<vmem>>[vector<16xi32>], vector<16xf32>,
        %add3A_115 = arith.constant 6144 : i32
        %add3A_116 = vector.broadcast %add3A_115 : i32 to vector<16xi32>
        %add3A_117 = arith.addi %mul3A_103, %add3A_116 : vector<16xi32>
        %gather3A_118 = tpu.vector_load_idx %arg11[%add3A_117] : memref<8208xf32, #tpu.memory_space<vmem>>[vector<16xi32>], vector<16xf32>,
        %parallel_loop3A = arith.constant 0 : i32
        %parallel_loop3A_119 = arith.constant 128 : i32
        %parallel_loop3A_120 = arith.constant 1 : i32
        %parallel_loop3A_121:20 = scf.for %parallel_loop3A_188 = %parallel_loop3A to %parallel_loop3A_119 step %parallel_loop3A_120 iter_args(%parallel_loop3A_189 = %broadcast_in_dim3A_12, %parallel_loop3A_190 = %broadcast_in_dim3A_12, %parallel_loop3A_191 = %broadcast_in_dim3A_12, %parallel_loop3A_192 = %broadcast_in_dim3A_12, %parallel_loop3A_193 = %broadcast_in_dim3A_12, %parallel_loop3A_194 = %broadcast_in_dim3A_12, %parallel_loop3A_195 = %broadcast_in_dim3A_12, %parallel_loop3A_196 = %broadcast_in_dim3A_12, %parallel_loop3A_197 = %broadcast_in_dim3A_12, %parallel_loop3A_198 = %broadcast_in_dim3A_12, %parallel_loop3A_199 = %broadcast_in_dim3A_12, %parallel_loop3A_200 = %broadcast_in_dim3A_12, %parallel_loop3A_201 = %broadcast_in_dim3A_12, %parallel_loop3A_202 = %broadcast_in_dim3A_12, %parallel_loop3A_203 = %broadcast_in_dim3A_12, %parallel_loop3A_204 = %broadcast_in_dim3A_12, %parallel_loop3A_205 = %gather3A, %parallel_loop3A_206 = %gather3A_110, %parallel_loop3A_207 = %gather3A_114, %parallel_loop3A_208 = %gather3A_118) -> (vector<16xf32>, vector<16xf32>, vector<16xf32>, vector<16xf32>, vector<16xf32>, vector<16xf32>, vector<16xf32>, vector<16xf32>, vector<16xf32>, vector<16xf32>, vector<16xf32>, vector<16xf32>, vector<16xf32>, vector<16xf32>, vector<16xf32>, vector<16xf32>, vector<16xf32>, vector<16xf32>, vector<16xf32>, vector<16xf32>)  : i32 {
          %parallel_loop3A_209 = arith.constant 16 : i32
          %parallel_loop3A_210 = arith.muli %parallel_loop3A_188, %parallel_loop3A_209 : i32
          %parallel_loop3A_211 = arith.index_cast %parallel_loop3A_210 : i32 to index
          %parallel_loop3A_212 = tpu.vector_load %arg9[%parallel_loop3A_211] {strides = array<i32>} : memref<2048xf32, #tpu.memory_space<vmem>>, vector<16xf32>,
          %parallel_loop3A_213 = arith.constant 0 : i32
          %parallel_loop3A_214 = arith.addi %parallel_loop3A_213, %parallel_loop3A_188 : i32
          %parallel_loop3A_215 = arith.constant 16 : i32
          %parallel_loop3A_216 = arith.muli %parallel_loop3A_214, %parallel_loop3A_215 : i32
          %parallel_loop3A_217 = arith.index_cast %parallel_loop3A_216 : i32 to index
          %parallel_loop3A_218 = tpu.vector_load %arg8[%parallel_loop3A_217] {strides = array<i32>} : memref<8192xf32, #tpu.memory_space<vmem>>, vector<16xf32>,
          %parallel_loop3A_219 = arith.constant 128 : i32
          %parallel_loop3A_220 = arith.addi %parallel_loop3A_219, %parallel_loop3A_188 : i32
          %parallel_loop3A_221 = arith.constant 16 : i32
          %parallel_loop3A_222 = arith.muli %parallel_loop3A_220, %parallel_loop3A_221 : i32
          %parallel_loop3A_223 = arith.index_cast %parallel_loop3A_222 : i32 to index
          %parallel_loop3A_224 = tpu.vector_load %arg8[%parallel_loop3A_223] {strides = array<i32>} : memref<8192xf32, #tpu.memory_space<vmem>>, vector<16xf32>,
          %parallel_loop3A_225 = arith.constant 256 : i32
          %parallel_loop3A_226 = arith.addi %parallel_loop3A_225, %parallel_loop3A_188 : i32
          %parallel_loop3A_227 = arith.constant 16 : i32
          %parallel_loop3A_228 = arith.muli %parallel_loop3A_226, %parallel_loop3A_227 : i32
          %parallel_loop3A_229 = arith.index_cast %parallel_loop3A_228 : i32 to index
          %parallel_loop3A_230 = tpu.vector_load %arg8[%parallel_loop3A_229] {strides = array<i32>} : memref<8192xf32, #tpu.memory_space<vmem>>, vector<16xf32>,
          %parallel_loop3A_231 = arith.constant 384 : i32
          %parallel_loop3A_232 = arith.addi %parallel_loop3A_231, %parallel_loop3A_188 : i32
          %parallel_loop3A_233 = arith.constant 16 : i32
          %parallel_loop3A_234 = arith.muli %parallel_loop3A_232, %parallel_loop3A_233 : i32
          %parallel_loop3A_235 = arith.index_cast %parallel_loop3A_234 : i32 to index
          %parallel_loop3A_236 = tpu.vector_load %arg8[%parallel_loop3A_235] {strides = array<i32>} : memref<8192xf32, #tpu.memory_space<vmem>>, vector<16xf32>,
          %parallel_loop3A_237 = arith.constant 0 : i32
          %parallel_loop3A_238 = arith.addi %parallel_loop3A_237, %parallel_loop3A_188 : i32
          %parallel_loop3A_239 = arith.constant 1 : i32
          %parallel_loop3A_240 = arith.addi %parallel_loop3A_238, %parallel_loop3A_239 : i32
          %parallel_loop3A_241 = vector.broadcast %parallel_loop3A_240 : i32 to vector<16xi32>
          %parallel_loop3A_242 = arith.addi %mul3A_103, %parallel_loop3A_241 : vector<16xi32>
          %parallel_loop3A_243 = tpu.vector_load_idx %arg11[%parallel_loop3A_242] : memref<8208xf32, #tpu.memory_space<vmem>>[vector<16xi32>], vector<16xf32>,
          %parallel_loop3A_244 = arith.constant 2048 : i32
          %parallel_loop3A_245 = arith.addi %parallel_loop3A_244, %parallel_loop3A_188 : i32
          %parallel_loop3A_246 = arith.constant 1 : i32
          %parallel_loop3A_247 = arith.addi %parallel_loop3A_245, %parallel_loop3A_246 : i32
          %parallel_loop3A_248 = vector.broadcast %parallel_loop3A_247 : i32 to vector<16xi32>
          %parallel_loop3A_249 = arith.addi %mul3A_103, %parallel_loop3A_248 : vector<16xi32>
          %parallel_loop3A_250 = tpu.vector_load_idx %arg11[%parallel_loop3A_249] : memref<8208xf32, #tpu.memory_space<vmem>>[vector<16xi32>], vector<16xf32>,
          %parallel_loop3A_251 = arith.constant 4096 : i32
          %parallel_loop3A_252 = arith.addi %parallel_loop3A_251, %parallel_loop3A_188 : i32
          %parallel_loop3A_253 = arith.constant 1 : i32
          %parallel_loop3A_254 = arith.addi %parallel_loop3A_252, %parallel_loop3A_253 : i32
          %parallel_loop3A_255 = vector.broadcast %parallel_loop3A_254 : i32 to vector<16xi32>
          %parallel_loop3A_256 = arith.addi %mul3A_103, %parallel_loop3A_255 : vector<16xi32>
          %parallel_loop3A_257 = tpu.vector_load_idx %arg11[%parallel_loop3A_256] : memref<8208xf32, #tpu.memory_space<vmem>>[vector<16xi32>], vector<16xf32>,
          %parallel_loop3A_258 = arith.constant 6144 : i32
          %parallel_loop3A_259 = arith.addi %parallel_loop3A_258, %parallel_loop3A_188 : i32
          %parallel_loop3A_260 = arith.constant 1 : i32
          %parallel_loop3A_261 = arith.addi %parallel_loop3A_259, %parallel_loop3A_260 : i32
          %parallel_loop3A_262 = vector.broadcast %parallel_loop3A_261 : i32 to vector<16xi32>
          %parallel_loop3A_263 = arith.addi %mul3A_103, %parallel_loop3A_262 : vector<16xi32>
          %parallel_loop3A_264 = tpu.vector_load_idx %arg11[%parallel_loop3A_263] : memref<8208xf32, #tpu.memory_space<vmem>>[vector<16xi32>], vector<16xf32>,
          %parallel_loop3A_265 = arith.subf %parallel_loop3A_205, %parallel_loop3A_218 : vector<16xf32>
          %parallel_loop3A_266 = math.absf %parallel_loop3A_265 : vector<16xf32>
          %parallel_loop3A_267 = vector.bitcast %parallel_loop3A_266 : vector<16xf32> to vector<16xi32>
          %parallel_loop3A_268 = arith.constant 32768 : i32
          %parallel_loop3A_269 = vector.broadcast %parallel_loop3A_268 : i32 to vector<16xi32>
          %parallel_loop3A_270 = arith.addi %parallel_loop3A_267, %parallel_loop3A_269 : vector<16xi32>
          %parallel_loop3A_271 = arith.constant -65536 : i32
          %parallel_loop3A_272 = vector.broadcast %parallel_loop3A_271 : i32 to vector<16xi32>
          %parallel_loop3A_273 = arith.andi %parallel_loop3A_270, %parallel_loop3A_272 : vector<16xi32>
          %parallel_loop3A_274 = vector.bitcast %parallel_loop3A_273 : vector<16xi32> to vector<16xf32>
          %parallel_loop3A_275 = arith.mulf %parallel_loop3A_274, %parallel_loop3A_212 : vector<16xf32>
          %parallel_loop3A_276 = arith.addf %parallel_loop3A_189, %parallel_loop3A_275 : vector<16xf32>
          %parallel_loop3A_277 = arith.subf %parallel_loop3A_205, %parallel_loop3A_224 : vector<16xf32>
          %parallel_loop3A_278 = math.absf %parallel_loop3A_277 : vector<16xf32>
          %parallel_loop3A_279 = vector.bitcast %parallel_loop3A_278 : vector<16xf32> to vector<16xi32>
          %parallel_loop3A_280 = arith.constant 32768 : i32
          %parallel_loop3A_281 = vector.broadcast %parallel_loop3A_280 : i32 to vector<16xi32>
          %parallel_loop3A_282 = arith.addi %parallel_loop3A_279, %parallel_loop3A_281 : vector<16xi32>
          %parallel_loop3A_283 = arith.constant -65536 : i32
          %parallel_loop3A_284 = vector.broadcast %parallel_loop3A_283 : i32 to vector<16xi32>
          %parallel_loop3A_285 = arith.andi %parallel_loop3A_282, %parallel_loop3A_284 : vector<16xi32>
          %parallel_loop3A_286 = vector.bitcast %parallel_loop3A_285 : vector<16xi32> to vector<16xf32>
          %parallel_loop3A_287 = arith.mulf %parallel_loop3A_286, %parallel_loop3A_212 : vector<16xf32>
          %parallel_loop3A_288 = arith.addf %parallel_loop3A_193, %parallel_loop3A_287 : vector<16xf32>
          %parallel_loop3A_289 = arith.subf %parallel_loop3A_205, %parallel_loop3A_230 : vector<16xf32>
          %parallel_loop3A_290 = math.absf %parallel_loop3A_289 : vector<16xf32>
          %parallel_loop3A_291 = vector.bitcast %parallel_loop3A_290 : vector<16xf32> to vector<16xi32>
          %parallel_loop3A_292 = arith.constant 32768 : i32
          %parallel_loop3A_293 = vector.broadcast %parallel_loop3A_292 : i32 to vector<16xi32>
          %parallel_loop3A_294 = arith.addi %parallel_loop3A_291, %parallel_loop3A_293 : vector<16xi32>
          %parallel_loop3A_295 = arith.constant -65536 : i32
          %parallel_loop3A_296 = vector.broadcast %parallel_loop3A_295 : i32 to vector<16xi32>
          %parallel_loop3A_297 = arith.andi %parallel_loop3A_294, %parallel_loop3A_296 : vector<16xi32>
          %parallel_loop3A_298 = vector.bitcast %parallel_loop3A_297 : vector<16xi32> to vector<16xf32>
          %parallel_loop3A_299 = arith.mulf %parallel_loop3A_298, %parallel_loop3A_212 : vector<16xf32>
          %parallel_loop3A_300 = arith.addf %parallel_loop3A_197, %parallel_loop3A_299 : vector<16xf32>
          %parallel_loop3A_301 = arith.subf %parallel_loop3A_205, %parallel_loop3A_236 : vector<16xf32>
          %parallel_loop3A_302 = math.absf %parallel_loop3A_301 : vector<16xf32>
          %parallel_loop3A_303 = vector.bitcast %parallel_loop3A_302 : vector<16xf32> to vector<16xi32>
          %parallel_loop3A_304 = arith.constant 32768 : i32
          %parallel_loop3A_305 = vector.broadcast %parallel_loop3A_304 : i32 to vector<16xi32>
          %parallel_loop3A_306 = arith.addi %parallel_loop3A_303, %parallel_loop3A_305 : vector<16xi32>
          %parallel_loop3A_307 = arith.constant -65536 : i32
          %parallel_loop3A_308 = vector.broadcast %parallel_loop3A_307 : i32 to vector<16xi32>
          %parallel_loop3A_309 = arith.andi %parallel_loop3A_306, %parallel_loop3A_308 : vector<16xi32>
          %parallel_loop3A_310 = vector.bitcast %parallel_loop3A_309 : vector<16xi32> to vector<16xf32>
          %parallel_loop3A_311 = arith.mulf %parallel_loop3A_310, %parallel_loop3A_212 : vector<16xf32>
          %parallel_loop3A_312 = arith.addf %parallel_loop3A_201, %parallel_loop3A_311 : vector<16xf32>
          %parallel_loop3A_313 = arith.subf %parallel_loop3A_206, %parallel_loop3A_218 : vector<16xf32>
          %parallel_loop3A_314 = math.absf %parallel_loop3A_313 : vector<16xf32>
          %parallel_loop3A_315 = vector.bitcast %parallel_loop3A_314 : vector<16xf32> to vector<16xi32>
          %parallel_loop3A_316 = arith.constant 32768 : i32
          %parallel_loop3A_317 = vector.broadcast %parallel_loop3A_316 : i32 to vector<16xi32>
          %parallel_loop3A_318 = arith.addi %parallel_loop3A_315, %parallel_loop3A_317 : vector<16xi32>
          %parallel_loop3A_319 = arith.constant -65536 : i32
          %parallel_loop3A_320 = vector.broadcast %parallel_loop3A_319 : i32 to vector<16xi32>
          %parallel_loop3A_321 = arith.andi %parallel_loop3A_318, %parallel_loop3A_320 : vector<16xi32>
          %parallel_loop3A_322 = vector.bitcast %parallel_loop3A_321 : vector<16xi32> to vector<16xf32>
          %parallel_loop3A_323 = arith.mulf %parallel_loop3A_322, %parallel_loop3A_212 : vector<16xf32>
          %parallel_loop3A_324 = arith.addf %parallel_loop3A_190, %parallel_loop3A_323 : vector<16xf32>
          %parallel_loop3A_325 = arith.subf %parallel_loop3A_206, %parallel_loop3A_224 : vector<16xf32>
          %parallel_loop3A_326 = math.absf %parallel_loop3A_325 : vector<16xf32>
          %parallel_loop3A_327 = vector.bitcast %parallel_loop3A_326 : vector<16xf32> to vector<16xi32>
          %parallel_loop3A_328 = arith.constant 32768 : i32
          %parallel_loop3A_329 = vector.broadcast %parallel_loop3A_328 : i32 to vector<16xi32>
          %parallel_loop3A_330 = arith.addi %parallel_loop3A_327, %parallel_loop3A_329 : vector<16xi32>
          %parallel_loop3A_331 = arith.constant -65536 : i32
          %parallel_loop3A_332 = vector.broadcast %parallel_loop3A_331 : i32 to vector<16xi32>
          %parallel_loop3A_333 = arith.andi %parallel_loop3A_330, %parallel_loop3A_332 : vector<16xi32>
          %parallel_loop3A_334 = vector.bitcast %parallel_loop3A_333 : vector<16xi32> to vector<16xf32>
          %parallel_loop3A_335 = arith.mulf %parallel_loop3A_334, %parallel_loop3A_212 : vector<16xf32>
          %parallel_loop3A_336 = arith.addf %parallel_loop3A_194, %parallel_loop3A_335 : vector<16xf32>
          %parallel_loop3A_337 = arith.subf %parallel_loop3A_206, %parallel_loop3A_230 : vector<16xf32>
          %parallel_loop3A_338 = math.absf %parallel_loop3A_337 : vector<16xf32>
          %parallel_loop3A_339 = vector.bitcast %parallel_loop3A_338 : vector<16xf32> to vector<16xi32>
          %parallel_loop3A_340 = arith.constant 32768 : i32
          %parallel_loop3A_341 = vector.broadcast %parallel_loop3A_340 : i32 to vector<16xi32>
          %parallel_loop3A_342 = arith.addi %parallel_loop3A_339, %parallel_loop3A_341 : vector<16xi32>
          %parallel_loop3A_343 = arith.constant -65536 : i32
          %parallel_loop3A_344 = vector.broadcast %parallel_loop3A_343 : i32 to vector<16xi32>
          %parallel_loop3A_345 = arith.andi %parallel_loop3A_342, %parallel_loop3A_344 : vector<16xi32>
          %parallel_loop3A_346 = vector.bitcast %parallel_loop3A_345 : vector<16xi32> to vector<16xf32>
          %parallel_loop3A_347 = arith.mulf %parallel_loop3A_346, %parallel_loop3A_212 : vector<16xf32>
          %parallel_loop3A_348 = arith.addf %parallel_loop3A_198, %parallel_loop3A_347 : vector<16xf32>
          %parallel_loop3A_349 = arith.subf %parallel_loop3A_206, %parallel_loop3A_236 : vector<16xf32>
          %parallel_loop3A_350 = math.absf %parallel_loop3A_349 : vector<16xf32>
          %parallel_loop3A_351 = vector.bitcast %parallel_loop3A_350 : vector<16xf32> to vector<16xi32>
          %parallel_loop3A_352 = arith.constant 32768 : i32
          %parallel_loop3A_353 = vector.broadcast %parallel_loop3A_352 : i32 to vector<16xi32>
          %parallel_loop3A_354 = arith.addi %parallel_loop3A_351, %parallel_loop3A_353 : vector<16xi32>
          %parallel_loop3A_355 = arith.constant -65536 : i32
          %parallel_loop3A_356 = vector.broadcast %parallel_loop3A_355 : i32 to vector<16xi32>
          %parallel_loop3A_357 = arith.andi %parallel_loop3A_354, %parallel_loop3A_356 : vector<16xi32>
          %parallel_loop3A_358 = vector.bitcast %parallel_loop3A_357 : vector<16xi32> to vector<16xf32>
          %parallel_loop3A_359 = arith.mulf %parallel_loop3A_358, %parallel_loop3A_212 : vector<16xf32>
          %parallel_loop3A_360 = arith.addf %parallel_loop3A_202, %parallel_loop3A_359 : vector<16xf32>
          %parallel_loop3A_361 = arith.subf %parallel_loop3A_207, %parallel_loop3A_218 : vector<16xf32>
          %parallel_loop3A_362 = math.absf %parallel_loop3A_361 : vector<16xf32>
          %parallel_loop3A_363 = vector.bitcast %parallel_loop3A_362 : vector<16xf32> to vector<16xi32>
          %parallel_loop3A_364 = arith.constant 32768 : i32
          %parallel_loop3A_365 = vector.broadcast %parallel_loop3A_364 : i32 to vector<16xi32>
          %parallel_loop3A_366 = arith.addi %parallel_loop3A_363, %parallel_loop3A_365 : vector<16xi32>
          %parallel_loop3A_367 = arith.constant -65536 : i32
          %parallel_loop3A_368 = vector.broadcast %parallel_loop3A_367 : i32 to vector<16xi32>
          %parallel_loop3A_369 = arith.andi %parallel_loop3A_366, %parallel_loop3A_368 : vector<16xi32>
          %parallel_loop3A_370 = vector.bitcast %parallel_loop3A_369 : vector<16xi32> to vector<16xf32>
          %parallel_loop3A_371 = arith.mulf %parallel_loop3A_370, %parallel_loop3A_212 : vector<16xf32>
          %parallel_loop3A_372 = arith.addf %parallel_loop3A_191, %parallel_loop3A_371 : vector<16xf32>
          %parallel_loop3A_373 = arith.subf %parallel_loop3A_207, %parallel_loop3A_224 : vector<16xf32>
          %parallel_loop3A_374 = math.absf %parallel_loop3A_373 : vector<16xf32>
          %parallel_loop3A_375 = vector.bitcast %parallel_loop3A_374 : vector<16xf32> to vector<16xi32>
          %parallel_loop3A_376 = arith.constant 32768 : i32
          %parallel_loop3A_377 = vector.broadcast %parallel_loop3A_376 : i32 to vector<16xi32>
          %parallel_loop3A_378 = arith.addi %parallel_loop3A_375, %parallel_loop3A_377 : vector<16xi32>
          %parallel_loop3A_379 = arith.constant -65536 : i32
          %parallel_loop3A_380 = vector.broadcast %parallel_loop3A_379 : i32 to vector<16xi32>
          %parallel_loop3A_381 = arith.andi %parallel_loop3A_378, %parallel_loop3A_380 : vector<16xi32>
          %parallel_loop3A_382 = vector.bitcast %parallel_loop3A_381 : vector<16xi32> to vector<16xf32>
          %parallel_loop3A_383 = arith.mulf %parallel_loop3A_382, %parallel_loop3A_212 : vector<16xf32>
          %parallel_loop3A_384 = arith.addf %parallel_loop3A_195, %parallel_loop3A_383 : vector<16xf32>
          %parallel_loop3A_385 = arith.subf %parallel_loop3A_207, %parallel_loop3A_230 : vector<16xf32>
          %parallel_loop3A_386 = math.absf %parallel_loop3A_385 : vector<16xf32>
          %parallel_loop3A_387 = vector.bitcast %parallel_loop3A_386 : vector<16xf32> to vector<16xi32>
          %parallel_loop3A_388 = arith.constant 32768 : i32
          %parallel_loop3A_389 = vector.broadcast %parallel_loop3A_388 : i32 to vector<16xi32>
          %parallel_loop3A_390 = arith.addi %parallel_loop3A_387, %parallel_loop3A_389 : vector<16xi32>
          %parallel_loop3A_391 = arith.constant -65536 : i32
          %parallel_loop3A_392 = vector.broadcast %parallel_loop3A_391 : i32 to vector<16xi32>
          %parallel_loop3A_393 = arith.andi %parallel_loop3A_390, %parallel_loop3A_392 : vector<16xi32>
          %parallel_loop3A_394 = vector.bitcast %parallel_loop3A_393 : vector<16xi32> to vector<16xf32>
          %parallel_loop3A_395 = arith.mulf %parallel_loop3A_394, %parallel_loop3A_212 : vector<16xf32>
          %parallel_loop3A_396 = arith.addf %parallel_loop3A_199, %parallel_loop3A_395 : vector<16xf32>
          %parallel_loop3A_397 = arith.subf %parallel_loop3A_207, %parallel_loop3A_236 : vector<16xf32>
          %parallel_loop3A_398 = math.absf %parallel_loop3A_397 : vector<16xf32>
          %parallel_loop3A_399 = vector.bitcast %parallel_loop3A_398 : vector<16xf32> to vector<16xi32>
          %parallel_loop3A_400 = arith.constant 32768 : i32
          %parallel_loop3A_401 = vector.broadcast %parallel_loop3A_400 : i32 to vector<16xi32>
          %parallel_loop3A_402 = arith.addi %parallel_loop3A_399, %parallel_loop3A_401 : vector<16xi32>
          %parallel_loop3A_403 = arith.constant -65536 : i32
          %parallel_loop3A_404 = vector.broadcast %parallel_loop3A_403 : i32 to vector<16xi32>
          %parallel_loop3A_405 = arith.andi %parallel_loop3A_402, %parallel_loop3A_404 : vector<16xi32>
          %parallel_loop3A_406 = vector.bitcast %parallel_loop3A_405 : vector<16xi32> to vector<16xf32>
          %parallel_loop3A_407 = arith.mulf %parallel_loop3A_406, %parallel_loop3A_212 : vector<16xf32>
          %parallel_loop3A_408 = arith.addf %parallel_loop3A_203, %parallel_loop3A_407 : vector<16xf32>
          %parallel_loop3A_409 = arith.subf %parallel_loop3A_208, %parallel_loop3A_218 : vector<16xf32>
          %parallel_loop3A_410 = math.absf %parallel_loop3A_409 : vector<16xf32>
          %parallel_loop3A_411 = vector.bitcast %parallel_loop3A_410 : vector<16xf32> to vector<16xi32>
          %parallel_loop3A_412 = arith.constant 32768 : i32
          %parallel_loop3A_413 = vector.broadcast %parallel_loop3A_412 : i32 to vector<16xi32>
          %parallel_loop3A_414 = arith.addi %parallel_loop3A_411, %parallel_loop3A_413 : vector<16xi32>
          %parallel_loop3A_415 = arith.constant -65536 : i32
          %parallel_loop3A_416 = vector.broadcast %parallel_loop3A_415 : i32 to vector<16xi32>
          %parallel_loop3A_417 = arith.andi %parallel_loop3A_414, %parallel_loop3A_416 : vector<16xi32>
          %parallel_loop3A_418 = vector.bitcast %parallel_loop3A_417 : vector<16xi32> to vector<16xf32>
          %parallel_loop3A_419 = arith.mulf %parallel_loop3A_418, %parallel_loop3A_212 : vector<16xf32>
          %parallel_loop3A_420 = arith.addf %parallel_loop3A_192, %parallel_loop3A_419 : vector<16xf32>
          %parallel_loop3A_421 = arith.subf %parallel_loop3A_208, %parallel_loop3A_224 : vector<16xf32>
          %parallel_loop3A_422 = math.absf %parallel_loop3A_421 : vector<16xf32>
          %parallel_loop3A_423 = vector.bitcast %parallel_loop3A_422 : vector<16xf32> to vector<16xi32>
          %parallel_loop3A_424 = arith.constant 32768 : i32
          %parallel_loop3A_425 = vector.broadcast %parallel_loop3A_424 : i32 to vector<16xi32>
          %parallel_loop3A_426 = arith.addi %parallel_loop3A_423, %parallel_loop3A_425 : vector<16xi32>
          %parallel_loop3A_427 = arith.constant -65536 : i32
          %parallel_loop3A_428 = vector.broadcast %parallel_loop3A_427 : i32 to vector<16xi32>
          %parallel_loop3A_429 = arith.andi %parallel_loop3A_426, %parallel_loop3A_428 : vector<16xi32>
          %parallel_loop3A_430 = vector.bitcast %parallel_loop3A_429 : vector<16xi32> to vector<16xf32>
          %parallel_loop3A_431 = arith.mulf %parallel_loop3A_430, %parallel_loop3A_212 : vector<16xf32>
          %parallel_loop3A_432 = arith.addf %parallel_loop3A_196, %parallel_loop3A_431 : vector<16xf32>
          %parallel_loop3A_433 = arith.subf %parallel_loop3A_208, %parallel_loop3A_230 : vector<16xf32>
          %parallel_loop3A_434 = math.absf %parallel_loop3A_433 : vector<16xf32>
          %parallel_loop3A_435 = vector.bitcast %parallel_loop3A_434 : vector<16xf32> to vector<16xi32>
          %parallel_loop3A_436 = arith.constant 32768 : i32
          %parallel_loop3A_437 = vector.broadcast %parallel_loop3A_436 : i32 to vector<16xi32>
          %parallel_loop3A_438 = arith.addi %parallel_loop3A_435, %parallel_loop3A_437 : vector<16xi32>
          %parallel_loop3A_439 = arith.constant -65536 : i32
          %parallel_loop3A_440 = vector.broadcast %parallel_loop3A_439 : i32 to vector<16xi32>
          %parallel_loop3A_441 = arith.andi %parallel_loop3A_438, %parallel_loop3A_440 : vector<16xi32>
          %parallel_loop3A_442 = vector.bitcast %parallel_loop3A_441 : vector<16xi32> to vector<16xf32>
          %parallel_loop3A_443 = arith.mulf %parallel_loop3A_442, %parallel_loop3A_212 : vector<16xf32>
          %parallel_loop3A_444 = arith.addf %parallel_loop3A_200, %parallel_loop3A_443 : vector<16xf32>
          %parallel_loop3A_445 = arith.subf %parallel_loop3A_208, %parallel_loop3A_236 : vector<16xf32>
          %parallel_loop3A_446 = math.absf %parallel_loop3A_445 : vector<16xf32>
          %parallel_loop3A_447 = vector.bitcast %parallel_loop3A_446 : vector<16xf32> to vector<16xi32>
          %parallel_loop3A_448 = arith.constant 32768 : i32
          %parallel_loop3A_449 = vector.broadcast %parallel_loop3A_448 : i32 to vector<16xi32>
          %parallel_loop3A_450 = arith.addi %parallel_loop3A_447, %parallel_loop3A_449 : vector<16xi32>
          %parallel_loop3A_451 = arith.constant -65536 : i32
          %parallel_loop3A_452 = vector.broadcast %parallel_loop3A_451 : i32 to vector<16xi32>
          %parallel_loop3A_453 = arith.andi %parallel_loop3A_450, %parallel_loop3A_452 : vector<16xi32>
          %parallel_loop3A_454 = vector.bitcast %parallel_loop3A_453 : vector<16xi32> to vector<16xf32>
          %parallel_loop3A_455 = arith.mulf %parallel_loop3A_454, %parallel_loop3A_212 : vector<16xf32>
          %parallel_loop3A_456 = arith.addf %parallel_loop3A_204, %parallel_loop3A_455 : vector<16xf32>
          scf.yield %parallel_loop3A_276, %parallel_loop3A_324, %parallel_loop3A_372, %parallel_loop3A_420, %parallel_loop3A_288, %parallel_loop3A_336, %parallel_loop3A_384, %parallel_loop3A_432, %parallel_loop3A_300, %parallel_loop3A_348, %parallel_loop3A_396, %parallel_loop3A_444, %parallel_loop3A_312, %parallel_loop3A_360, %parallel_loop3A_408, %parallel_loop3A_456, %parallel_loop3A_243, %parallel_loop3A_250, %parallel_loop3A_257, %parallel_loop3A_264 : vector<16xf32>, vector<16xf32>, vector<16xf32>, vector<16xf32>, vector<16xf32>, vector<16xf32>, vector<16xf32>, vector<16xf32>, vector<16xf32>, vector<16xf32>, vector<16xf32>, vector<16xf32>, vector<16xf32>, vector<16xf32>, vector<16xf32>, vector<16xf32>, vector<16xf32>, vector<16xf32>, vector<16xf32>, vector<16xf32>
        } {sc.loop_unroll_factor = 1 : i64, sc.parallel_access}
        %broadcast_in_dim3A_122 = arith.constant 1.000000e+00 : f32
        %broadcast_in_dim3A_123 = vector.broadcast %broadcast_in_dim3A_122 : f32 to vector<16xf32>
        %mul3A_124 = arith.constant 512 : i32
        %mul3A_125 = vector.broadcast %mul3A_124 : i32 to vector<16xi32>
        %mul3A_126 = arith.muli %iota3A, %mul3A_125 : vector<16xi32>
        %add3A_127 = arith.addi %mul3A_126, %get3A_82 : vector<16xi32>
        tpu.vector_store_idx %arg14[%add3A_127], %broadcast_in_dim3A_123 {add = true} : memref<8192xf32, #tpu.memory_space<vmem>>[vector<16xi32>], vector<16xf32>,
        %add3A_128 = arith.constant 0 : i32
        %add3A_129 = vector.broadcast %add3A_128 : i32 to vector<16xi32>
        %add3A_130 = arith.addi %add3A_129, %add3A_127 : vector<16xi32>
        tpu.vector_store_idx %arg13[%add3A_130], %parallel_loop3A_121#0 {add = true} : memref<32768xf32, #tpu.memory_space<vmem>>[vector<16xi32>], vector<16xf32>,
        %add3A_131 = arith.constant 8192 : i32
        %add3A_132 = vector.broadcast %add3A_131 : i32 to vector<16xi32>
        %add3A_133 = arith.addi %add3A_132, %add3A_127 : vector<16xi32>
        tpu.vector_store_idx %arg13[%add3A_133], %parallel_loop3A_121#4 {add = true} : memref<32768xf32, #tpu.memory_space<vmem>>[vector<16xi32>], vector<16xf32>,
        %add3A_134 = arith.constant 16384 : i32
        %add3A_135 = vector.broadcast %add3A_134 : i32 to vector<16xi32>
        %add3A_136 = arith.addi %add3A_135, %add3A_127 : vector<16xi32>
        tpu.vector_store_idx %arg13[%add3A_136], %parallel_loop3A_121#8 {add = true} : memref<32768xf32, #tpu.memory_space<vmem>>[vector<16xi32>], vector<16xf32>,
        %add3A_137 = arith.constant 24576 : i32
        %add3A_138 = vector.broadcast %add3A_137 : i32 to vector<16xi32>
        %add3A_139 = arith.addi %add3A_138, %add3A_127 : vector<16xi32>
        tpu.vector_store_idx %arg13[%add3A_139], %parallel_loop3A_121#12 {add = true} : memref<32768xf32, #tpu.memory_space<vmem>>[vector<16xi32>], vector<16xf32>,
        %mul3A_140 = arith.constant 512 : i32
        %mul3A_141 = vector.broadcast %mul3A_140 : i32 to vector<16xi32>
        %mul3A_142 = arith.muli %iota3A, %mul3A_141 : vector<16xi32>
        %add3A_143 = arith.addi %mul3A_142, %get3A_88 : vector<16xi32>
        tpu.vector_store_idx %arg14[%add3A_143], %broadcast_in_dim3A_123 {add = true} : memref<8192xf32, #tpu.memory_space<vmem>>[vector<16xi32>], vector<16xf32>,
        %add3A_144 = arith.constant 0 : i32
        %add3A_145 = vector.broadcast %add3A_144 : i32 to vector<16xi32>
        %add3A_146 = arith.addi %add3A_145, %add3A_143 : vector<16xi32>
        tpu.vector_store_idx %arg13[%add3A_146], %parallel_loop3A_121#1 {add = true} : memref<32768xf32, #tpu.memory_space<vmem>>[vector<16xi32>], vector<16xf32>,
        %add3A_147 = arith.constant 8192 : i32
        %add3A_148 = vector.broadcast %add3A_147 : i32 to vector<16xi32>
        %add3A_149 = arith.addi %add3A_148, %add3A_143 : vector<16xi32>
        tpu.vector_store_idx %arg13[%add3A_149], %parallel_loop3A_121#5 {add = true} : memref<32768xf32, #tpu.memory_space<vmem>>[vector<16xi32>], vector<16xf32>,
        %add3A_150 = arith.constant 16384 : i32
        %add3A_151 = vector.broadcast %add3A_150 : i32 to vector<16xi32>
        %add3A_152 = arith.addi %add3A_151, %add3A_143 : vector<16xi32>
        tpu.vector_store_idx %arg13[%add3A_152], %parallel_loop3A_121#9 {add = true} : memref<32768xf32, #tpu.memory_space<vmem>>[vector<16xi32>], vector<16xf32>,
        %add3A_153 = arith.constant 24576 : i32
        %add3A_154 = vector.broadcast %add3A_153 : i32 to vector<16xi32>
        %add3A_155 = arith.addi %add3A_154, %add3A_143 : vector<16xi32>
        tpu.vector_store_idx %arg13[%add3A_155], %parallel_loop3A_121#13 {add = true} : memref<32768xf32, #tpu.memory_space<vmem>>[vector<16xi32>], vector<16xf32>,
        %mul3A_156 = arith.constant 512 : i32
        %mul3A_157 = vector.broadcast %mul3A_156 : i32 to vector<16xi32>
        %mul3A_158 = arith.muli %iota3A, %mul3A_157 : vector<16xi32>
        %add3A_159 = arith.addi %mul3A_158, %get3A_94 : vector<16xi32>
        tpu.vector_store_idx %arg14[%add3A_159], %broadcast_in_dim3A_123 {add = true} : memref<8192xf32, #tpu.memory_space<vmem>>[vector<16xi32>], vector<16xf32>,
        %add3A_160 = arith.constant 0 : i32
        %add3A_161 = vector.broadcast %add3A_160 : i32 to vector<16xi32>
        %add3A_162 = arith.addi %add3A_161, %add3A_159 : vector<16xi32>
        tpu.vector_store_idx %arg13[%add3A_162], %parallel_loop3A_121#2 {add = true} : memref<32768xf32, #tpu.memory_space<vmem>>[vector<16xi32>], vector<16xf32>,
        %add3A_163 = arith.constant 8192 : i32
        %add3A_164 = vector.broadcast %add3A_163 : i32 to vector<16xi32>
        %add3A_165 = arith.addi %add3A_164, %add3A_159 : vector<16xi32>
        tpu.vector_store_idx %arg13[%add3A_165], %parallel_loop3A_121#6 {add = true} : memref<32768xf32, #tpu.memory_space<vmem>>[vector<16xi32>], vector<16xf32>,
        %add3A_166 = arith.constant 16384 : i32
        %add3A_167 = vector.broadcast %add3A_166 : i32 to vector<16xi32>
        %add3A_168 = arith.addi %add3A_167, %add3A_159 : vector<16xi32>
        tpu.vector_store_idx %arg13[%add3A_168], %parallel_loop3A_121#10 {add = true} : memref<32768xf32, #tpu.memory_space<vmem>>[vector<16xi32>], vector<16xf32>,
        %add3A_169 = arith.constant 24576 : i32
        %add3A_170 = vector.broadcast %add3A_169 : i32 to vector<16xi32>
        %add3A_171 = arith.addi %add3A_170, %add3A_159 : vector<16xi32>
        tpu.vector_store_idx %arg13[%add3A_171], %parallel_loop3A_121#14 {add = true} : memref<32768xf32, #tpu.memory_space<vmem>>[vector<16xi32>], vector<16xf32>,
        %mul3A_172 = arith.constant 512 : i32
        %mul3A_173 = vector.broadcast %mul3A_172 : i32 to vector<16xi32>
        %mul3A_174 = arith.muli %iota3A, %mul3A_173 : vector<16xi32>
        %add3A_175 = arith.addi %mul3A_174, %get3A_100 : vector<16xi32>
        tpu.vector_store_idx %arg14[%add3A_175], %broadcast_in_dim3A_123 {add = true} : memref<8192xf32, #tpu.memory_space<vmem>>[vector<16xi32>], vector<16xf32>,
        %add3A_176 = arith.constant 0 : i32
        %add3A_177 = vector.broadcast %add3A_176 : i32 to vector<16xi32>
        %add3A_178 = arith.addi %add3A_177, %add3A_175 : vector<16xi32>
        tpu.vector_store_idx %arg13[%add3A_178], %parallel_loop3A_121#3 {add = true} : memref<32768xf32, #tpu.memory_space<vmem>>[vector<16xi32>], vector<16xf32>,
        %add3A_179 = arith.constant 8192 : i32
        %add3A_180 = vector.broadcast %add3A_179 : i32 to vector<16xi32>
        %add3A_181 = arith.addi %add3A_180, %add3A_175 : vector<16xi32>
        tpu.vector_store_idx %arg13[%add3A_181], %parallel_loop3A_121#7 {add = true} : memref<32768xf32, #tpu.memory_space<vmem>>[vector<16xi32>], vector<16xf32>,
        %add3A_182 = arith.constant 16384 : i32
        %add3A_183 = vector.broadcast %add3A_182 : i32 to vector<16xi32>
        %add3A_184 = arith.addi %add3A_183, %add3A_175 : vector<16xi32>
        tpu.vector_store_idx %arg13[%add3A_184], %parallel_loop3A_121#11 {add = true} : memref<32768xf32, #tpu.memory_space<vmem>>[vector<16xi32>], vector<16xf32>,
        %add3A_185 = arith.constant 24576 : i32
        %add3A_186 = vector.broadcast %add3A_185 : i32 to vector<16xi32>
        %add3A_187 = arith.addi %add3A_186, %add3A_175 : vector<16xi32>
        tpu.vector_store_idx %arg13[%add3A_187], %parallel_loop3A_121#15 {add = true} : memref<32768xf32, #tpu.memory_space<vmem>>[vector<16xi32>], vector<16xf32>,
      } else {
      }
    }
    %scan3A_35 = arith.constant 40 : i32
    %scan3A_36 = arith.constant 0 : i32
    %scan3A_37 = arith.constant 32 : i32
    %scan3A_38 = arith.addi %scan3A_36, %scan3A_37 : i32
    %scan3A_39 = arith.constant 1 : i32
    scf.for %scan3A_41 = %scan3A_36 to %scan3A_38 step %scan3A_39  : i32 {
      %mul3A_42 = arith.constant 1 : i32
      %mul3A_43 = arith.muli %scan3A_41, %mul3A_42 : i32
      %add3A_44 = arith.constant 0 : i32
      %add3A_45 = arith.addi %add3A_44, %mul3A_43 : i32
      %mul3A_46 = arith.constant 16 : i32
      %mul3A_47 = arith.muli %add3A_45, %mul3A_46 : i32
      %get3A = arith.index_cast %mul3A_47 : i32 to index
      %get3A_48 = tpu.vector_load %arg14[%get3A] {strides = array<i32>} : memref<8192xf32, #tpu.memory_space<vmem>>, vector<16xf32>,
      %add3A_49 = arith.constant 512 : i32
      %add3A_50 = arith.addi %add3A_49, %mul3A_47 : i32
      %get3A_51 = arith.index_cast %add3A_50 : i32 to index
      %get3A_52 = tpu.vector_load %arg14[%get3A_51] {strides = array<i32>} : memref<8192xf32, #tpu.memory_space<vmem>>, vector<16xf32>,
      %add3A_53 = arith.addf %get3A_48, %get3A_52 : vector<16xf32>
      %add3A_54 = arith.constant 1024 : i32
      %add3A_55 = arith.addi %add3A_54, %mul3A_47 : i32
      %get3A_56 = arith.index_cast %add3A_55 : i32 to index
      %get3A_57 = tpu.vector_load %arg14[%get3A_56] {strides = array<i32>} : memref<8192xf32, #tpu.memory_space<vmem>>, vector<16xf32>,
      %add3A_58 = arith.addf %add3A_53, %get3A_57 : vector<16xf32>
      %add3A_59 = arith.constant 1536 : i32
      %add3A_60 = arith.addi %add3A_59, %mul3A_47 : i32
      %get3A_61 = arith.index_cast %add3A_60 : i32 to index
      %get3A_62 = tpu.vector_load %arg14[%get3A_61] {strides = array<i32>} : memref<8192xf32, #tpu.memory_space<vmem>>, vector<16xf32>,
      %add3A_63 = arith.addf %add3A_58, %get3A_62 : vector<16xf32>
      %add3A_64 = arith.constant 2048 : i32
      %add3A_65 = arith.addi %add3A_64, %mul3A_47 : i32
      %get3A_66 = arith.index_cast %add3A_65 : i32 to index
      %get3A_67 = tpu.vector_load %arg14[%get3A_66] {strides = array<i32>} : memref<8192xf32, #tpu.memory_space<vmem>>, vector<16xf32>,
      %add3A_68 = arith.addf %add3A_63, %get3A_67 : vector<16xf32>
      %add3A_69 = arith.constant 2560 : i32
      %add3A_70 = arith.addi %add3A_69, %mul3A_47 : i32
      %get3A_71 = arith.index_cast %add3A_70 : i32 to index
      %get3A_72 = tpu.vector_load %arg14[%get3A_71] {strides = array<i32>} : memref<8192xf32, #tpu.memory_space<vmem>>, vector<16xf32>,
      %add3A_73 = arith.addf %add3A_68, %get3A_72 : vector<16xf32>
      %add3A_74 = arith.constant 3072 : i32
      %add3A_75 = arith.addi %add3A_74, %mul3A_47 : i32
      %get3A_76 = arith.index_cast %add3A_75 : i32 to index
      %get3A_77 = tpu.vector_load %arg14[%get3A_76] {strides = array<i32>} : memref<8192xf32, #tpu.memory_space<vmem>>, vector<16xf32>,
      %add3A_78 = arith.addf %add3A_73, %get3A_77 : vector<16xf32>
      %add3A_79 = arith.constant 3584 : i32
      %add3A_80 = arith.addi %add3A_79, %mul3A_47 : i32
      %get3A_81 = arith.index_cast %add3A_80 : i32 to index
      %get3A_82 = tpu.vector_load %arg14[%get3A_81] {strides = array<i32>} : memref<8192xf32, #tpu.memory_space<vmem>>, vector<16xf32>,
      %add3A_83 = arith.addf %add3A_78, %get3A_82 : vector<16xf32>
      %add3A_84 = arith.constant 4096 : i32
      %add3A_85 = arith.addi %add3A_84, %mul3A_47 : i32
      %get3A_86 = arith.index_cast %add3A_85 : i32 to index
      %get3A_87 = tpu.vector_load %arg14[%get3A_86] {strides = array<i32>} : memref<8192xf32, #tpu.memory_space<vmem>>, vector<16xf32>,
      %add3A_88 = arith.addf %add3A_83, %get3A_87 : vector<16xf32>
      %add3A_89 = arith.constant 4608 : i32
      %add3A_90 = arith.addi %add3A_89, %mul3A_47 : i32
      %get3A_91 = arith.index_cast %add3A_90 : i32 to index
      %get3A_92 = tpu.vector_load %arg14[%get3A_91] {strides = array<i32>} : memref<8192xf32, #tpu.memory_space<vmem>>, vector<16xf32>,
      %add3A_93 = arith.addf %add3A_88, %get3A_92 : vector<16xf32>
      %add3A_94 = arith.constant 5120 : i32
      %add3A_95 = arith.addi %add3A_94, %mul3A_47 : i32
      %get3A_96 = arith.index_cast %add3A_95 : i32 to index
      %get3A_97 = tpu.vector_load %arg14[%get3A_96] {strides = array<i32>} : memref<8192xf32, #tpu.memory_space<vmem>>, vector<16xf32>,
      %add3A_98 = arith.addf %add3A_93, %get3A_97 : vector<16xf32>
      %add3A_99 = arith.constant 5632 : i32
      %add3A_100 = arith.addi %add3A_99, %mul3A_47 : i32
      %get3A_101 = arith.index_cast %add3A_100 : i32 to index
      %get3A_102 = tpu.vector_load %arg14[%get3A_101] {strides = array<i32>} : memref<8192xf32, #tpu.memory_space<vmem>>, vector<16xf32>,
      %add3A_103 = arith.addf %add3A_98, %get3A_102 : vector<16xf32>
      %add3A_104 = arith.constant 6144 : i32
      %add3A_105 = arith.addi %add3A_104, %mul3A_47 : i32
      %get3A_106 = arith.index_cast %add3A_105 : i32 to index
      %get3A_107 = tpu.vector_load %arg14[%get3A_106] {strides = array<i32>} : memref<8192xf32, #tpu.memory_space<vmem>>, vector<16xf32>,
      %add3A_108 = arith.addf %add3A_103, %get3A_107 : vector<16xf32>
      %add3A_109 = arith.constant 6656 : i32
      %add3A_110 = arith.addi %add3A_109, %mul3A_47 : i32
      %get3A_111 = arith.index_cast %add3A_110 : i32 to index
      %get3A_112 = tpu.vector_load %arg14[%get3A_111] {strides = array<i32>} : memref<8192xf32, #tpu.memory_space<vmem>>, vector<16xf32>,
      %add3A_113 = arith.addf %add3A_108, %get3A_112 : vector<16xf32>
      %add3A_114 = arith.constant 7168 : i32
      %add3A_115 = arith.addi %add3A_114, %mul3A_47 : i32
      %get3A_116 = arith.index_cast %add3A_115 : i32 to index
      %get3A_117 = tpu.vector_load %arg14[%get3A_116] {strides = array<i32>} : memref<8192xf32, #tpu.memory_space<vmem>>, vector<16xf32>,
      %add3A_118 = arith.addf %add3A_113, %get3A_117 : vector<16xf32>
      %add3A_119 = arith.constant 7680 : i32
      %add3A_120 = arith.addi %add3A_119, %mul3A_47 : i32
      %get3A_121 = arith.index_cast %add3A_120 : i32 to index
      %get3A_122 = tpu.vector_load %arg14[%get3A_121] {strides = array<i32>} : memref<8192xf32, #tpu.memory_space<vmem>>, vector<16xf32>,
      %add3A_123 = arith.addf %add3A_118, %get3A_122 : vector<16xf32>
      %swap3A = arith.index_cast %mul3A_47 : i32 to index
      %swap3A_124 = tpu.vector_load %arg16[%swap3A] {strides = array<i32>} : memref<512xf32, #tpu.memory_space<vmem>>, vector<16xf32>,
      tpu.vector_store %arg16[%swap3A], %add3A_123 {strides = array<i32>} : memref<512xf32, #tpu.memory_space<vmem>>, vector<16xf32>,
      %add3A_125 = arith.constant 0 : i32
      %add3A_126 = arith.addi %add3A_125, %mul3A_47 : i32
      %get3A_127 = arith.index_cast %add3A_126 : i32 to index
      %get3A_128 = tpu.vector_load %arg13[%get3A_127] {strides = array<i32>} : memref<32768xf32, #tpu.memory_space<vmem>>, vector<16xf32>,
      %add3A_129 = arith.constant 512 : i32
      %add3A_130 = arith.addi %add3A_129, %mul3A_47 : i32
      %get3A_131 = arith.index_cast %add3A_130 : i32 to index
      %get3A_132 = tpu.vector_load %arg13[%get3A_131] {strides = array<i32>} : memref<32768xf32, #tpu.memory_space<vmem>>, vector<16xf32>,
      %add3A_133 = arith.addf %get3A_128, %get3A_132 : vector<16xf32>
      %add3A_134 = arith.constant 1024 : i32
      %add3A_135 = arith.addi %add3A_134, %mul3A_47 : i32
      %get3A_136 = arith.index_cast %add3A_135 : i32 to index
      %get3A_137 = tpu.vector_load %arg13[%get3A_136] {strides = array<i32>} : memref<32768xf32, #tpu.memory_space<vmem>>, vector<16xf32>,
      %add3A_138 = arith.addf %add3A_133, %get3A_137 : vector<16xf32>
      %add3A_139 = arith.constant 1536 : i32
      %add3A_140 = arith.addi %add3A_139, %mul3A_47 : i32
      %get3A_141 = arith.index_cast %add3A_140 : i32 to index
      %get3A_142 = tpu.vector_load %arg13[%get3A_141] {strides = array<i32>} : memref<32768xf32, #tpu.memory_space<vmem>>, vector<16xf32>,
      %add3A_143 = arith.addf %add3A_138, %get3A_142 : vector<16xf32>
      %add3A_144 = arith.constant 2048 : i32
      %add3A_145 = arith.addi %add3A_144, %mul3A_47 : i32
      %get3A_146 = arith.index_cast %add3A_145 : i32 to index
      %get3A_147 = tpu.vector_load %arg13[%get3A_146] {strides = array<i32>} : memref<32768xf32, #tpu.memory_space<vmem>>, vector<16xf32>,
      %add3A_148 = arith.addf %add3A_143, %get3A_147 : vector<16xf32>
      %add3A_149 = arith.constant 2560 : i32
      %add3A_150 = arith.addi %add3A_149, %mul3A_47 : i32
      %get3A_151 = arith.index_cast %add3A_150 : i32 to index
      %get3A_152 = tpu.vector_load %arg13[%get3A_151] {strides = array<i32>} : memref<32768xf32, #tpu.memory_space<vmem>>, vector<16xf32>,
      %add3A_153 = arith.addf %add3A_148, %get3A_152 : vector<16xf32>
      %add3A_154 = arith.constant 3072 : i32
      %add3A_155 = arith.addi %add3A_154, %mul3A_47 : i32
      %get3A_156 = arith.index_cast %add3A_155 : i32 to index
      %get3A_157 = tpu.vector_load %arg13[%get3A_156] {strides = array<i32>} : memref<32768xf32, #tpu.memory_space<vmem>>, vector<16xf32>,
      %add3A_158 = arith.addf %add3A_153, %get3A_157 : vector<16xf32>
      %add3A_159 = arith.constant 3584 : i32
      %add3A_160 = arith.addi %add3A_159, %mul3A_47 : i32
      %get3A_161 = arith.index_cast %add3A_160 : i32 to index
      %get3A_162 = tpu.vector_load %arg13[%get3A_161] {strides = array<i32>} : memref<32768xf32, #tpu.memory_space<vmem>>, vector<16xf32>,
      %add3A_163 = arith.addf %add3A_158, %get3A_162 : vector<16xf32>
      %add3A_164 = arith.constant 4096 : i32
      %add3A_165 = arith.addi %add3A_164, %mul3A_47 : i32
      %get3A_166 = arith.index_cast %add3A_165 : i32 to index
      %get3A_167 = tpu.vector_load %arg13[%get3A_166] {strides = array<i32>} : memref<32768xf32, #tpu.memory_space<vmem>>, vector<16xf32>,
      %add3A_168 = arith.addf %add3A_163, %get3A_167 : vector<16xf32>
      %add3A_169 = arith.constant 4608 : i32
      %add3A_170 = arith.addi %add3A_169, %mul3A_47 : i32
      %get3A_171 = arith.index_cast %add3A_170 : i32 to index
      %get3A_172 = tpu.vector_load %arg13[%get3A_171] {strides = array<i32>} : memref<32768xf32, #tpu.memory_space<vmem>>, vector<16xf32>,
      %add3A_173 = arith.addf %add3A_168, %get3A_172 : vector<16xf32>
      %add3A_174 = arith.constant 5120 : i32
      %add3A_175 = arith.addi %add3A_174, %mul3A_47 : i32
      %get3A_176 = arith.index_cast %add3A_175 : i32 to index
      %get3A_177 = tpu.vector_load %arg13[%get3A_176] {strides = array<i32>} : memref<32768xf32, #tpu.memory_space<vmem>>, vector<16xf32>,
      %add3A_178 = arith.addf %add3A_173, %get3A_177 : vector<16xf32>
      %add3A_179 = arith.constant 5632 : i32
      %add3A_180 = arith.addi %add3A_179, %mul3A_47 : i32
      %get3A_181 = arith.index_cast %add3A_180 : i32 to index
      %get3A_182 = tpu.vector_load %arg13[%get3A_181] {strides = array<i32>} : memref<32768xf32, #tpu.memory_space<vmem>>, vector<16xf32>,
      %add3A_183 = arith.addf %add3A_178, %get3A_182 : vector<16xf32>
      %add3A_184 = arith.constant 6144 : i32
      %add3A_185 = arith.addi %add3A_184, %mul3A_47 : i32
      %get3A_186 = arith.index_cast %add3A_185 : i32 to index
      %get3A_187 = tpu.vector_load %arg13[%get3A_186] {strides = array<i32>} : memref<32768xf32, #tpu.memory_space<vmem>>, vector<16xf32>,
      %add3A_188 = arith.addf %add3A_183, %get3A_187 : vector<16xf32>
      %add3A_189 = arith.constant 6656 : i32
      %add3A_190 = arith.addi %add3A_189, %mul3A_47 : i32
      %get3A_191 = arith.index_cast %add3A_190 : i32 to index
      %get3A_192 = tpu.vector_load %arg13[%get3A_191] {strides = array<i32>} : memref<32768xf32, #tpu.memory_space<vmem>>, vector<16xf32>,
      %add3A_193 = arith.addf %add3A_188, %get3A_192 : vector<16xf32>
      %add3A_194 = arith.constant 7168 : i32
      %add3A_195 = arith.addi %add3A_194, %mul3A_47 : i32
      %get3A_196 = arith.index_cast %add3A_195 : i32 to index
      %get3A_197 = tpu.vector_load %arg13[%get3A_196] {strides = array<i32>} : memref<32768xf32, #tpu.memory_space<vmem>>, vector<16xf32>,
      %add3A_198 = arith.addf %add3A_193, %get3A_197 : vector<16xf32>
      %add3A_199 = arith.constant 7680 : i32
      %add3A_200 = arith.addi %add3A_199, %mul3A_47 : i32
      %get3A_201 = arith.index_cast %add3A_200 : i32 to index
      %get3A_202 = tpu.vector_load %arg13[%get3A_201] {strides = array<i32>} : memref<32768xf32, #tpu.memory_space<vmem>>, vector<16xf32>,
      %add3A_203 = arith.addf %add3A_198, %get3A_202 : vector<16xf32>
      %add3A_204 = arith.constant 0 : i32
      %add3A_205 = arith.addi %add3A_204, %mul3A_47 : i32
      %swap3A_206 = arith.index_cast %add3A_205 : i32 to index
      %swap3A_207 = tpu.vector_load %arg15[%swap3A_206] {strides = array<i32>} : memref<2048xf32, #tpu.memory_space<vmem>>, vector<16xf32>,
      tpu.vector_store %arg15[%swap3A_206], %add3A_203 {strides = array<i32>} : memref<2048xf32, #tpu.memory_space<vmem>>, vector<16xf32>,
      %add3A_208 = arith.constant 8192 : i32
      %add3A_209 = arith.addi %add3A_208, %mul3A_47 : i32
      %get3A_210 = arith.index_cast %add3A_209 : i32 to index
      %get3A_211 = tpu.vector_load %arg13[%get3A_210] {strides = array<i32>} : memref<32768xf32, #tpu.memory_space<vmem>>, vector<16xf32>,
      %add3A_212 = arith.constant 8704 : i32
      %add3A_213 = arith.addi %add3A_212, %mul3A_47 : i32
      %get3A_214 = arith.index_cast %add3A_213 : i32 to index
      %get3A_215 = tpu.vector_load %arg13[%get3A_214] {strides = array<i32>} : memref<32768xf32, #tpu.memory_space<vmem>>, vector<16xf32>,
      %add3A_216 = arith.addf %get3A_211, %get3A_215 : vector<16xf32>
      %add3A_217 = arith.constant 9216 : i32
      %add3A_218 = arith.addi %add3A_217, %mul3A_47 : i32
      %get3A_219 = arith.index_cast %add3A_218 : i32 to index
      %get3A_220 = tpu.vector_load %arg13[%get3A_219] {strides = array<i32>} : memref<32768xf32, #tpu.memory_space<vmem>>, vector<16xf32>,
      %add3A_221 = arith.addf %add3A_216, %get3A_220 : vector<16xf32>
      %add3A_222 = arith.constant 9728 : i32
      %add3A_223 = arith.addi %add3A_222, %mul3A_47 : i32
      %get3A_224 = arith.index_cast %add3A_223 : i32 to index
      %get3A_225 = tpu.vector_load %arg13[%get3A_224] {strides = array<i32>} : memref<32768xf32, #tpu.memory_space<vmem>>, vector<16xf32>,
      %add3A_226 = arith.addf %add3A_221, %get3A_225 : vector<16xf32>
      %add3A_227 = arith.constant 10240 : i32
      %add3A_228 = arith.addi %add3A_227, %mul3A_47 : i32
      %get3A_229 = arith.index_cast %add3A_228 : i32 to index
      %get3A_230 = tpu.vector_load %arg13[%get3A_229] {strides = array<i32>} : memref<32768xf32, #tpu.memory_space<vmem>>, vector<16xf32>,
      %add3A_231 = arith.addf %add3A_226, %get3A_230 : vector<16xf32>
      %add3A_232 = arith.constant 10752 : i32
      %add3A_233 = arith.addi %add3A_232, %mul3A_47 : i32
      %get3A_234 = arith.index_cast %add3A_233 : i32 to index
      %get3A_235 = tpu.vector_load %arg13[%get3A_234] {strides = array<i32>} : memref<32768xf32, #tpu.memory_space<vmem>>, vector<16xf32>,
      %add3A_236 = arith.addf %add3A_231, %get3A_235 : vector<16xf32>
      %add3A_237 = arith.constant 11264 : i32
      %add3A_238 = arith.addi %add3A_237, %mul3A_47 : i32
      %get3A_239 = arith.index_cast %add3A_238 : i32 to index
      %get3A_240 = tpu.vector_load %arg13[%get3A_239] {strides = array<i32>} : memref<32768xf32, #tpu.memory_space<vmem>>, vector<16xf32>,
      %add3A_241 = arith.addf %add3A_236, %get3A_240 : vector<16xf32>
      %add3A_242 = arith.constant 11776 : i32
      %add3A_243 = arith.addi %add3A_242, %mul3A_47 : i32
      %get3A_244 = arith.index_cast %add3A_243 : i32 to index
      %get3A_245 = tpu.vector_load %arg13[%get3A_244] {strides = array<i32>} : memref<32768xf32, #tpu.memory_space<vmem>>, vector<16xf32>,
      %add3A_246 = arith.addf %add3A_241, %get3A_245 : vector<16xf32>
      %add3A_247 = arith.constant 12288 : i32
      %add3A_248 = arith.addi %add3A_247, %mul3A_47 : i32
      %get3A_249 = arith.index_cast %add3A_248 : i32 to index
      %get3A_250 = tpu.vector_load %arg13[%get3A_249] {strides = array<i32>} : memref<32768xf32, #tpu.memory_space<vmem>>, vector<16xf32>,
      %add3A_251 = arith.addf %add3A_246, %get3A_250 : vector<16xf32>
      %add3A_252 = arith.constant 12800 : i32
      %add3A_253 = arith.addi %add3A_252, %mul3A_47 : i32
      %get3A_254 = arith.index_cast %add3A_253 : i32 to index
      %get3A_255 = tpu.vector_load %arg13[%get3A_254] {strides = array<i32>} : memref<32768xf32, #tpu.memory_space<vmem>>, vector<16xf32>,
      %add3A_256 = arith.addf %add3A_251, %get3A_255 : vector<16xf32>
      %add3A_257 = arith.constant 13312 : i32
      %add3A_258 = arith.addi %add3A_257, %mul3A_47 : i32
      %get3A_259 = arith.index_cast %add3A_258 : i32 to index
      %get3A_260 = tpu.vector_load %arg13[%get3A_259] {strides = array<i32>} : memref<32768xf32, #tpu.memory_space<vmem>>, vector<16xf32>,
      %add3A_261 = arith.addf %add3A_256, %get3A_260 : vector<16xf32>
      %add3A_262 = arith.constant 13824 : i32
      %add3A_263 = arith.addi %add3A_262, %mul3A_47 : i32
      %get3A_264 = arith.index_cast %add3A_263 : i32 to index
      %get3A_265 = tpu.vector_load %arg13[%get3A_264] {strides = array<i32>} : memref<32768xf32, #tpu.memory_space<vmem>>, vector<16xf32>,
      %add3A_266 = arith.addf %add3A_261, %get3A_265 : vector<16xf32>
      %add3A_267 = arith.constant 14336 : i32
      %add3A_268 = arith.addi %add3A_267, %mul3A_47 : i32
      %get3A_269 = arith.index_cast %add3A_268 : i32 to index
      %get3A_270 = tpu.vector_load %arg13[%get3A_269] {strides = array<i32>} : memref<32768xf32, #tpu.memory_space<vmem>>, vector<16xf32>,
      %add3A_271 = arith.addf %add3A_266, %get3A_270 : vector<16xf32>
      %add3A_272 = arith.constant 14848 : i32
      %add3A_273 = arith.addi %add3A_272, %mul3A_47 : i32
      %get3A_274 = arith.index_cast %add3A_273 : i32 to index
      %get3A_275 = tpu.vector_load %arg13[%get3A_274] {strides = array<i32>} : memref<32768xf32, #tpu.memory_space<vmem>>, vector<16xf32>,
      %add3A_276 = arith.addf %add3A_271, %get3A_275 : vector<16xf32>
      %add3A_277 = arith.constant 15360 : i32
      %add3A_278 = arith.addi %add3A_277, %mul3A_47 : i32
      %get3A_279 = arith.index_cast %add3A_278 : i32 to index
      %get3A_280 = tpu.vector_load %arg13[%get3A_279] {strides = array<i32>} : memref<32768xf32, #tpu.memory_space<vmem>>, vector<16xf32>,
      %add3A_281 = arith.addf %add3A_276, %get3A_280 : vector<16xf32>
      %add3A_282 = arith.constant 15872 : i32
      %add3A_283 = arith.addi %add3A_282, %mul3A_47 : i32
      %get3A_284 = arith.index_cast %add3A_283 : i32 to index
      %get3A_285 = tpu.vector_load %arg13[%get3A_284] {strides = array<i32>} : memref<32768xf32, #tpu.memory_space<vmem>>, vector<16xf32>,
      %add3A_286 = arith.addf %add3A_281, %get3A_285 : vector<16xf32>
      %add3A_287 = arith.constant 512 : i32
      %add3A_288 = arith.addi %add3A_287, %mul3A_47 : i32
      %swap3A_289 = arith.index_cast %add3A_288 : i32 to index
      %swap3A_290 = tpu.vector_load %arg15[%swap3A_289] {strides = array<i32>} : memref<2048xf32, #tpu.memory_space<vmem>>, vector<16xf32>,
      tpu.vector_store %arg15[%swap3A_289], %add3A_286 {strides = array<i32>} : memref<2048xf32, #tpu.memory_space<vmem>>, vector<16xf32>,
      %add3A_291 = arith.constant 16384 : i32
      %add3A_292 = arith.addi %add3A_291, %mul3A_47 : i32
      %get3A_293 = arith.index_cast %add3A_292 : i32 to index
      %get3A_294 = tpu.vector_load %arg13[%get3A_293] {strides = array<i32>} : memref<32768xf32, #tpu.memory_space<vmem>>, vector<16xf32>,
      %add3A_295 = arith.constant 16896 : i32
      %add3A_296 = arith.addi %add3A_295, %mul3A_47 : i32
      %get3A_297 = arith.index_cast %add3A_296 : i32 to index
      %get3A_298 = tpu.vector_load %arg13[%get3A_297] {strides = array<i32>} : memref<32768xf32, #tpu.memory_space<vmem>>, vector<16xf32>,
      %add3A_299 = arith.addf %get3A_294, %get3A_298 : vector<16xf32>
      %add3A_300 = arith.constant 17408 : i32
      %add3A_301 = arith.addi %add3A_300, %mul3A_47 : i32
      %get3A_302 = arith.index_cast %add3A_301 : i32 to index
      %get3A_303 = tpu.vector_load %arg13[%get3A_302] {strides = array<i32>} : memref<32768xf32, #tpu.memory_space<vmem>>, vector<16xf32>,
      %add3A_304 = arith.addf %add3A_299, %get3A_303 : vector<16xf32>
      %add3A_305 = arith.constant 17920 : i32
      %add3A_306 = arith.addi %add3A_305, %mul3A_47 : i32
      %get3A_307 = arith.index_cast %add3A_306 : i32 to index
      %get3A_308 = tpu.vector_load %arg13[%get3A_307] {strides = array<i32>} : memref<32768xf32, #tpu.memory_space<vmem>>, vector<16xf32>,
      %add3A_309 = arith.addf %add3A_304, %get3A_308 : vector<16xf32>
      %add3A_310 = arith.constant 18432 : i32
      %add3A_311 = arith.addi %add3A_310, %mul3A_47 : i32
      %get3A_312 = arith.index_cast %add3A_311 : i32 to index
      %get3A_313 = tpu.vector_load %arg13[%get3A_312] {strides = array<i32>} : memref<32768xf32, #tpu.memory_space<vmem>>, vector<16xf32>,
      %add3A_314 = arith.addf %add3A_309, %get3A_313 : vector<16xf32>
      %add3A_315 = arith.constant 18944 : i32
      %add3A_316 = arith.addi %add3A_315, %mul3A_47 : i32
      %get3A_317 = arith.index_cast %add3A_316 : i32 to index
      %get3A_318 = tpu.vector_load %arg13[%get3A_317] {strides = array<i32>} : memref<32768xf32, #tpu.memory_space<vmem>>, vector<16xf32>,
      %add3A_319 = arith.addf %add3A_314, %get3A_318 : vector<16xf32>
      %add3A_320 = arith.constant 19456 : i32
      %add3A_321 = arith.addi %add3A_320, %mul3A_47 : i32
      %get3A_322 = arith.index_cast %add3A_321 : i32 to index
      %get3A_323 = tpu.vector_load %arg13[%get3A_322] {strides = array<i32>} : memref<32768xf32, #tpu.memory_space<vmem>>, vector<16xf32>,
      %add3A_324 = arith.addf %add3A_319, %get3A_323 : vector<16xf32>
      %add3A_325 = arith.constant 19968 : i32
      %add3A_326 = arith.addi %add3A_325, %mul3A_47 : i32
      %get3A_327 = arith.index_cast %add3A_326 : i32 to index
      %get3A_328 = tpu.vector_load %arg13[%get3A_327] {strides = array<i32>} : memref<32768xf32, #tpu.memory_space<vmem>>, vector<16xf32>,
      %add3A_329 = arith.addf %add3A_324, %get3A_328 : vector<16xf32>
      %add3A_330 = arith.constant 20480 : i32
      %add3A_331 = arith.addi %add3A_330, %mul3A_47 : i32
      %get3A_332 = arith.index_cast %add3A_331 : i32 to index
      %get3A_333 = tpu.vector_load %arg13[%get3A_332] {strides = array<i32>} : memref<32768xf32, #tpu.memory_space<vmem>>, vector<16xf32>,
      %add3A_334 = arith.addf %add3A_329, %get3A_333 : vector<16xf32>
      %add3A_335 = arith.constant 20992 : i32
      %add3A_336 = arith.addi %add3A_335, %mul3A_47 : i32
      %get3A_337 = arith.index_cast %add3A_336 : i32 to index
      %get3A_338 = tpu.vector_load %arg13[%get3A_337] {strides = array<i32>} : memref<32768xf32, #tpu.memory_space<vmem>>, vector<16xf32>,
      %add3A_339 = arith.addf %add3A_334, %get3A_338 : vector<16xf32>
      %add3A_340 = arith.constant 21504 : i32
      %add3A_341 = arith.addi %add3A_340, %mul3A_47 : i32
      %get3A_342 = arith.index_cast %add3A_341 : i32 to index
      %get3A_343 = tpu.vector_load %arg13[%get3A_342] {strides = array<i32>} : memref<32768xf32, #tpu.memory_space<vmem>>, vector<16xf32>,
      %add3A_344 = arith.addf %add3A_339, %get3A_343 : vector<16xf32>
      %add3A_345 = arith.constant 22016 : i32
      %add3A_346 = arith.addi %add3A_345, %mul3A_47 : i32
      %get3A_347 = arith.index_cast %add3A_346 : i32 to index
      %get3A_348 = tpu.vector_load %arg13[%get3A_347] {strides = array<i32>} : memref<32768xf32, #tpu.memory_space<vmem>>, vector<16xf32>,
      %add3A_349 = arith.addf %add3A_344, %get3A_348 : vector<16xf32>
      %add3A_350 = arith.constant 22528 : i32
      %add3A_351 = arith.addi %add3A_350, %mul3A_47 : i32
      %get3A_352 = arith.index_cast %add3A_351 : i32 to index
      %get3A_353 = tpu.vector_load %arg13[%get3A_352] {strides = array<i32>} : memref<32768xf32, #tpu.memory_space<vmem>>, vector<16xf32>,
      %add3A_354 = arith.addf %add3A_349, %get3A_353 : vector<16xf32>
      %add3A_355 = arith.constant 23040 : i32
      %add3A_356 = arith.addi %add3A_355, %mul3A_47 : i32
      %get3A_357 = arith.index_cast %add3A_356 : i32 to index
      %get3A_358 = tpu.vector_load %arg13[%get3A_357] {strides = array<i32>} : memref<32768xf32, #tpu.memory_space<vmem>>, vector<16xf32>,
      %add3A_359 = arith.addf %add3A_354, %get3A_358 : vector<16xf32>
      %add3A_360 = arith.constant 23552 : i32
      %add3A_361 = arith.addi %add3A_360, %mul3A_47 : i32
      %get3A_362 = arith.index_cast %add3A_361 : i32 to index
      %get3A_363 = tpu.vector_load %arg13[%get3A_362] {strides = array<i32>} : memref<32768xf32, #tpu.memory_space<vmem>>, vector<16xf32>,
      %add3A_364 = arith.addf %add3A_359, %get3A_363 : vector<16xf32>
      %add3A_365 = arith.constant 24064 : i32
      %add3A_366 = arith.addi %add3A_365, %mul3A_47 : i32
      %get3A_367 = arith.index_cast %add3A_366 : i32 to index
      %get3A_368 = tpu.vector_load %arg13[%get3A_367] {strides = array<i32>} : memref<32768xf32, #tpu.memory_space<vmem>>, vector<16xf32>,
      %add3A_369 = arith.addf %add3A_364, %get3A_368 : vector<16xf32>
      %add3A_370 = arith.constant 1024 : i32
      %add3A_371 = arith.addi %add3A_370, %mul3A_47 : i32
      %swap3A_372 = arith.index_cast %add3A_371 : i32 to index
      %swap3A_373 = tpu.vector_load %arg15[%swap3A_372] {strides = array<i32>} : memref<2048xf32, #tpu.memory_space<vmem>>, vector<16xf32>,
      tpu.vector_store %arg15[%swap3A_372], %add3A_369 {strides = array<i32>} : memref<2048xf32, #tpu.memory_space<vmem>>, vector<16xf32>,
      %add3A_374 = arith.constant 24576 : i32
      %add3A_375 = arith.addi %add3A_374, %mul3A_47 : i32
      %get3A_376 = arith.index_cast %add3A_375 : i32 to index
      %get3A_377 = tpu.vector_load %arg13[%get3A_376] {strides = array<i32>} : memref<32768xf32, #tpu.memory_space<vmem>>, vector<16xf32>,
      %add3A_378 = arith.constant 25088 : i32
      %add3A_379 = arith.addi %add3A_378, %mul3A_47 : i32
      %get3A_380 = arith.index_cast %add3A_379 : i32 to index
      %get3A_381 = tpu.vector_load %arg13[%get3A_380] {strides = array<i32>} : memref<32768xf32, #tpu.memory_space<vmem>>, vector<16xf32>,
      %add3A_382 = arith.addf %get3A_377, %get3A_381 : vector<16xf32>
      %add3A_383 = arith.constant 25600 : i32
      %add3A_384 = arith.addi %add3A_383, %mul3A_47 : i32
      %get3A_385 = arith.index_cast %add3A_384 : i32 to index
      %get3A_386 = tpu.vector_load %arg13[%get3A_385] {strides = array<i32>} : memref<32768xf32, #tpu.memory_space<vmem>>, vector<16xf32>,
      %add3A_387 = arith.addf %add3A_382, %get3A_386 : vector<16xf32>
      %add3A_388 = arith.constant 26112 : i32
      %add3A_389 = arith.addi %add3A_388, %mul3A_47 : i32
      %get3A_390 = arith.index_cast %add3A_389 : i32 to index
      %get3A_391 = tpu.vector_load %arg13[%get3A_390] {strides = array<i32>} : memref<32768xf32, #tpu.memory_space<vmem>>, vector<16xf32>,
      %add3A_392 = arith.addf %add3A_387, %get3A_391 : vector<16xf32>
      %add3A_393 = arith.constant 26624 : i32
      %add3A_394 = arith.addi %add3A_393, %mul3A_47 : i32
      %get3A_395 = arith.index_cast %add3A_394 : i32 to index
      %get3A_396 = tpu.vector_load %arg13[%get3A_395] {strides = array<i32>} : memref<32768xf32, #tpu.memory_space<vmem>>, vector<16xf32>,
      %add3A_397 = arith.addf %add3A_392, %get3A_396 : vector<16xf32>
      %add3A_398 = arith.constant 27136 : i32
      %add3A_399 = arith.addi %add3A_398, %mul3A_47 : i32
      %get3A_400 = arith.index_cast %add3A_399 : i32 to index
      %get3A_401 = tpu.vector_load %arg13[%get3A_400] {strides = array<i32>} : memref<32768xf32, #tpu.memory_space<vmem>>, vector<16xf32>,
      %add3A_402 = arith.addf %add3A_397, %get3A_401 : vector<16xf32>
      %add3A_403 = arith.constant 27648 : i32
      %add3A_404 = arith.addi %add3A_403, %mul3A_47 : i32
      %get3A_405 = arith.index_cast %add3A_404 : i32 to index
      %get3A_406 = tpu.vector_load %arg13[%get3A_405] {strides = array<i32>} : memref<32768xf32, #tpu.memory_space<vmem>>, vector<16xf32>,
      %add3A_407 = arith.addf %add3A_402, %get3A_406 : vector<16xf32>
      %add3A_408 = arith.constant 28160 : i32
      %add3A_409 = arith.addi %add3A_408, %mul3A_47 : i32
      %get3A_410 = arith.index_cast %add3A_409 : i32 to index
      %get3A_411 = tpu.vector_load %arg13[%get3A_410] {strides = array<i32>} : memref<32768xf32, #tpu.memory_space<vmem>>, vector<16xf32>,
      %add3A_412 = arith.addf %add3A_407, %get3A_411 : vector<16xf32>
      %add3A_413 = arith.constant 28672 : i32
      %add3A_414 = arith.addi %add3A_413, %mul3A_47 : i32
      %get3A_415 = arith.index_cast %add3A_414 : i32 to index
      %get3A_416 = tpu.vector_load %arg13[%get3A_415] {strides = array<i32>} : memref<32768xf32, #tpu.memory_space<vmem>>, vector<16xf32>,
      %add3A_417 = arith.addf %add3A_412, %get3A_416 : vector<16xf32>
      %add3A_418 = arith.constant 29184 : i32
      %add3A_419 = arith.addi %add3A_418, %mul3A_47 : i32
      %get3A_420 = arith.index_cast %add3A_419 : i32 to index
      %get3A_421 = tpu.vector_load %arg13[%get3A_420] {strides = array<i32>} : memref<32768xf32, #tpu.memory_space<vmem>>, vector<16xf32>,
      %add3A_422 = arith.addf %add3A_417, %get3A_421 : vector<16xf32>
      %add3A_423 = arith.constant 29696 : i32
      %add3A_424 = arith.addi %add3A_423, %mul3A_47 : i32
      %get3A_425 = arith.index_cast %add3A_424 : i32 to index
      %get3A_426 = tpu.vector_load %arg13[%get3A_425] {strides = array<i32>} : memref<32768xf32, #tpu.memory_space<vmem>>, vector<16xf32>,
      %add3A_427 = arith.addf %add3A_422, %get3A_426 : vector<16xf32>
      %add3A_428 = arith.constant 30208 : i32
      %add3A_429 = arith.addi %add3A_428, %mul3A_47 : i32
      %get3A_430 = arith.index_cast %add3A_429 : i32 to index
      %get3A_431 = tpu.vector_load %arg13[%get3A_430] {strides = array<i32>} : memref<32768xf32, #tpu.memory_space<vmem>>, vector<16xf32>,
      %add3A_432 = arith.addf %add3A_427, %get3A_431 : vector<16xf32>
      %add3A_433 = arith.constant 30720 : i32
      %add3A_434 = arith.addi %add3A_433, %mul3A_47 : i32
      %get3A_435 = arith.index_cast %add3A_434 : i32 to index
      %get3A_436 = tpu.vector_load %arg13[%get3A_435] {strides = array<i32>} : memref<32768xf32, #tpu.memory_space<vmem>>, vector<16xf32>,
      %add3A_437 = arith.addf %add3A_432, %get3A_436 : vector<16xf32>
      %add3A_438 = arith.constant 31232 : i32
      %add3A_439 = arith.addi %add3A_438, %mul3A_47 : i32
      %get3A_440 = arith.index_cast %add3A_439 : i32 to index
      %get3A_441 = tpu.vector_load %arg13[%get3A_440] {strides = array<i32>} : memref<32768xf32, #tpu.memory_space<vmem>>, vector<16xf32>,
      %add3A_442 = arith.addf %add3A_437, %get3A_441 : vector<16xf32>
      %add3A_443 = arith.constant 31744 : i32
      %add3A_444 = arith.addi %add3A_443, %mul3A_47 : i32
      %get3A_445 = arith.index_cast %add3A_444 : i32 to index
      %get3A_446 = tpu.vector_load %arg13[%get3A_445] {strides = array<i32>} : memref<32768xf32, #tpu.memory_space<vmem>>, vector<16xf32>,
      %add3A_447 = arith.addf %add3A_442, %get3A_446 : vector<16xf32>
      %add3A_448 = arith.constant 32256 : i32
      %add3A_449 = arith.addi %add3A_448, %mul3A_47 : i32
      %get3A_450 = arith.index_cast %add3A_449 : i32 to index
      %get3A_451 = tpu.vector_load %arg13[%get3A_450] {strides = array<i32>} : memref<32768xf32, #tpu.memory_space<vmem>>, vector<16xf32>,
      %add3A_452 = arith.addf %add3A_447, %get3A_451 : vector<16xf32>
      %add3A_453 = arith.constant 1536 : i32
      %add3A_454 = arith.addi %add3A_453, %mul3A_47 : i32
      %swap3A_455 = arith.index_cast %add3A_454 : i32 to index
      %swap3A_456 = tpu.vector_load %arg15[%swap3A_455] {strides = array<i32>} : memref<2048xf32, #tpu.memory_space<vmem>>, vector<16xf32>,
      tpu.vector_store %arg15[%swap3A_455], %add3A_452 {strides = array<i32>} : memref<2048xf32, #tpu.memory_space<vmem>>, vector<16xf32>,
    }
    %scan3A_40 = arith.constant 32 : i32
    "tpu.region"() ({
      %run_scoped3A = tpu.sem_alloc : memref<!tpu.dma_semaphore, #tpu.memory_space<semaphore_mem>>
      %dma_start3A_41 = arith.constant 0 : i32
      %dma_start3A_42 = tpu.memref_slice %arg6[%add3A, %dma_start3A_41] : memref<32x2048xf32, #tpu.memory_space<hbm>> -> memref<1x2048xf32, #tpu.memory_space<hbm>>
      %dma_start3A_43 = tpu.memref_squeeze %dma_start3A_42 : memref<1x2048xf32, #tpu.memory_space<hbm>> -> memref<2048xf32, #tpu.memory_space<hbm>>
      %dma_start3A_44 = arith.constant 0 : i32
      %dma_start3A_45 = tpu.memref_slice %arg6[%add3A, %dma_start3A_44] : memref<32x2048xf32, #tpu.memory_space<hbm>> -> memref<1x2048xf32, #tpu.memory_space<hbm>>
      %dma_start3A_46 = tpu.memref_squeeze %dma_start3A_45 : memref<1x2048xf32, #tpu.memory_space<hbm>> -> memref<2048xf32, #tpu.memory_space<hbm>>
      tpu.enqueue_dma source(%arg15 : memref<2048xf32, #tpu.memory_space<vmem>>) target(%dma_start3A_46 : memref<2048xf32, #tpu.memory_space<hbm>>) target_semaphore(%run_scoped3A : memref<!tpu.dma_semaphore, #tpu.memory_space<semaphore_mem>>)
      %dma_wait3A = arith.constant 0 : i32
      %dma_wait3A_47 = tpu.memref_slice %arg6[%add3A, %dma_wait3A] : memref<32x2048xf32, #tpu.memory_space<hbm>> -> memref<1x2048xf32, #tpu.memory_space<hbm>>
      %dma_wait3A_48 = tpu.memref_squeeze %dma_wait3A_47 : memref<1x2048xf32, #tpu.memory_space<hbm>> -> memref<2048xf32, #tpu.memory_space<hbm>>
      %dma_wait3A_49 = arith.constant 0 : i32
      %dma_wait3A_50 = tpu.memref_slice %arg6[%add3A, %dma_wait3A_49] : memref<32x2048xf32, #tpu.memory_space<hbm>> -> memref<1x2048xf32, #tpu.memory_space<hbm>>
      %dma_wait3A_51 = tpu.memref_squeeze %dma_wait3A_50 : memref<1x2048xf32, #tpu.memory_space<hbm>> -> memref<2048xf32, #tpu.memory_space<hbm>>
      tpu.wait_dma2 semaphore(%run_scoped3A : memref<!tpu.dma_semaphore, #tpu.memory_space<semaphore_mem>>) src(%arg15 : memref<2048xf32, #tpu.memory_space<vmem>>) dst(%dma_wait3A_51 : memref<2048xf32, #tpu.memory_space<hbm>>)
      tpu.yield
    }) : () -> ()
    "tpu.region"() ({
      %run_scoped3A = tpu.sem_alloc : memref<!tpu.dma_semaphore, #tpu.memory_space<semaphore_mem>>
      %dma_start3A_41 = arith.constant 0 : i32
      %dma_start3A_42 = tpu.memref_slice %arg7[%add3A, %dma_start3A_41] : memref<32x512xf32, #tpu.memory_space<hbm>> -> memref<1x512xf32, #tpu.memory_space<hbm>>
      %dma_start3A_43 = tpu.memref_squeeze %dma_start3A_42 : memref<1x512xf32, #tpu.memory_space<hbm>> -> memref<512xf32, #tpu.memory_space<hbm>>
      %dma_start3A_44 = arith.constant 0 : i32
      %dma_start3A_45 = tpu.memref_slice %arg7[%add3A, %dma_start3A_44] : memref<32x512xf32, #tpu.memory_space<hbm>> -> memref<1x512xf32, #tpu.memory_space<hbm>>
      %dma_start3A_46 = tpu.memref_squeeze %dma_start3A_45 : memref<1x512xf32, #tpu.memory_space<hbm>> -> memref<512xf32, #tpu.memory_space<hbm>>
      tpu.enqueue_dma source(%arg16 : memref<512xf32, #tpu.memory_space<vmem>>) target(%dma_start3A_46 : memref<512xf32, #tpu.memory_space<hbm>>) target_semaphore(%run_scoped3A : memref<!tpu.dma_semaphore, #tpu.memory_space<semaphore_mem>>)
      %dma_wait3A = arith.constant 0 : i32
      %dma_wait3A_47 = tpu.memref_slice %arg7[%add3A, %dma_wait3A] : memref<32x512xf32, #tpu.memory_space<hbm>> -> memref<1x512xf32, #tpu.memory_space<hbm>>
      %dma_wait3A_48 = tpu.memref_squeeze %dma_wait3A_47 : memref<1x512xf32, #tpu.memory_space<hbm>> -> memref<512xf32, #tpu.memory_space<hbm>>
      %dma_wait3A_49 = arith.constant 0 : i32
      %dma_wait3A_50 = tpu.memref_slice %arg7[%add3A, %dma_wait3A_49] : memref<32x512xf32, #tpu.memory_space<hbm>> -> memref<1x512xf32, #tpu.memory_space<hbm>>
      %dma_wait3A_51 = tpu.memref_squeeze %dma_wait3A_50 : memref<1x512xf32, #tpu.memory_space<hbm>> -> memref<512xf32, #tpu.memory_space<hbm>>
      tpu.wait_dma2 semaphore(%run_scoped3A : memref<!tpu.dma_semaphore, #tpu.memory_space<semaphore_mem>>) src(%arg16 : memref<512xf32, #tpu.memory_space<vmem>>) dst(%dma_wait3A_51 : memref<512xf32, #tpu.memory_space<hbm>>)
      tpu.yield
    }) : () -> ()
    return
  }
}

#map = affine_map<(d0, d1) -> (0, 0)>
#map1 = affine_map<(d0, d1) -> (0)>
module attributes {stable_mosaic.version = 14 : i64} {
  func.func @_final_call(%arg0: i32, %arg1: i32, %arg2: memref<32x2048xf32, #tpu.memory_space<hbm>>, %arg3: memref<32x512xf32, #tpu.memory_space<hbm>>, %arg4: memref<16xf32, #tpu.memory_space<hbm>>, %arg5: memref<2048xf32, #tpu.memory_space<hbm>>, %arg6: memref<16xi32, #tpu.memory_space<hbm>>, %arg7: memref<16xf32, #tpu.memory_space<hbm>>, %arg8: memref<2048xf32, #tpu.memory_space<vmem>>, %arg9: memref<2048xf32, #tpu.memory_space<vmem>>, %arg10: memref<2048xf32, #tpu.memory_space<vmem>>, %arg11: memref<512xf32, #tpu.memory_space<vmem>>, %arg12: memref<512xf32, #tpu.memory_space<vmem>>, %arg13: memref<512xf32, #tpu.memory_space<vmem>>, %arg14: memref<16xi32, #tpu.memory_space<vmem>>, %arg15: memref<16xf32, #tpu.memory_space<vmem>>, %arg16: memref<16xf32, #tpu.memory_space<vmem>>, %arg17: memref<!tpu.dma_semaphore, #tpu.memory_space<semaphore_mem>>, %arg18: memref<!tpu.dma_semaphore, #tpu.memory_space<semaphore_mem>>, %arg19: memref<!tpu.dma_semaphore, #tpu.memory_space<semaphore_mem>>, %arg20: memref<!tpu.dma_semaphore, #tpu.memory_space<semaphore_mem>>) attributes {dimension_semantics = [#tpu.dimension_semantics<core_parallel>, #tpu.dimension_semantics<subcore_parallel>], iteration_bounds = array<i64: 2, 16>, scalar_prefetch = 0 : i64, scratch_operands = 13 : i64, tpu.core_type = #tpu.core_type<sc_vector_subcore>, window_params = [{transform_indices = #map}, {transform_indices = #map}, {transform_indices = #map1}, {transform_indices = #map1}, {transform_indices = #map1}, {transform_indices = #map1}]} {
    %mul3A = arith.constant 2 : i32
    %mul3A_0 = arith.muli %arg1, %mul3A : i32
    %add3A = arith.addi %mul3A_0, %arg0 : i32
    %eq3A = arith.constant 0 : i32
    %eq3A_1 = arith.cmpi eq, %add3A, %eq3A : i32
    %convert_element_type3A = arith.extui %eq3A_1 : i1 to i32
    %cond3A = arith.constant 0 : i32
    %cond3A_2 = arith.cmpi ne, %convert_element_type3A, %cond3A : i32
    scf.if %cond3A_2 {
      %dma_start3A = arith.constant 1 : i32
      %dma_start3A_3 = arith.constant 0 : i32
      %dma_start3A_4 = tpu.memref_slice %arg2[%dma_start3A, %dma_start3A_3] : memref<32x2048xf32, #tpu.memory_space<hbm>> -> memref<1x2048xf32, #tpu.memory_space<hbm>>
      %dma_start3A_5 = tpu.memref_squeeze %dma_start3A_4 : memref<1x2048xf32, #tpu.memory_space<hbm>> -> memref<2048xf32, #tpu.memory_space<hbm>>
      %dma_start3A_6 = arith.constant 0 : i32
      %dma_start3A_7 = tpu.memref_slice %arg2[%dma_start3A, %dma_start3A_6] : memref<32x2048xf32, #tpu.memory_space<hbm>> -> memref<1x2048xf32, #tpu.memory_space<hbm>>
      %dma_start3A_8 = tpu.memref_squeeze %dma_start3A_7 : memref<1x2048xf32, #tpu.memory_space<hbm>> -> memref<2048xf32, #tpu.memory_space<hbm>>
      tpu.enqueue_dma source(%dma_start3A_8 : memref<2048xf32, #tpu.memory_space<hbm>>) target(%arg8 : memref<2048xf32, #tpu.memory_space<vmem>>) target_semaphore(%arg17 : memref<!tpu.dma_semaphore, #tpu.memory_space<semaphore_mem>>)
      %dma_start3A_9 = arith.constant 1 : i32
      %dma_start3A_10 = arith.constant 0 : i32
      %dma_start3A_11 = tpu.memref_slice %arg3[%dma_start3A_9, %dma_start3A_10] : memref<32x512xf32, #tpu.memory_space<hbm>> -> memref<1x512xf32, #tpu.memory_space<hbm>>
      %dma_start3A_12 = tpu.memref_squeeze %dma_start3A_11 : memref<1x512xf32, #tpu.memory_space<hbm>> -> memref<512xf32, #tpu.memory_space<hbm>>
      %dma_start3A_13 = arith.constant 0 : i32
      %dma_start3A_14 = tpu.memref_slice %arg3[%dma_start3A_9, %dma_start3A_13] : memref<32x512xf32, #tpu.memory_space<hbm>> -> memref<1x512xf32, #tpu.memory_space<hbm>>
      %dma_start3A_15 = tpu.memref_squeeze %dma_start3A_14 : memref<1x512xf32, #tpu.memory_space<hbm>> -> memref<512xf32, #tpu.memory_space<hbm>>
      tpu.enqueue_dma source(%dma_start3A_15 : memref<512xf32, #tpu.memory_space<hbm>>) target(%arg11 : memref<512xf32, #tpu.memory_space<vmem>>) target_semaphore(%arg19 : memref<!tpu.dma_semaphore, #tpu.memory_space<semaphore_mem>>)
      %run_scoped3A = arith.constant 0 : i32
      "tpu.region"() ({
        %run_scoped3A_195 = tpu.sem_alloc : memref<!tpu.dma_semaphore, #tpu.memory_space<semaphore_mem>>
        %dma_start3A_196 = arith.constant 0 : i32
        %dma_start3A_197 = tpu.memref_slice %arg2[%run_scoped3A, %dma_start3A_196] : memref<32x2048xf32, #tpu.memory_space<hbm>> -> memref<1x2048xf32, #tpu.memory_space<hbm>>
        %dma_start3A_198 = tpu.memref_squeeze %dma_start3A_197 : memref<1x2048xf32, #tpu.memory_space<hbm>> -> memref<2048xf32, #tpu.memory_space<hbm>>
        %dma_start3A_199 = arith.constant 0 : i32
        %dma_start3A_200 = tpu.memref_slice %arg2[%run_scoped3A, %dma_start3A_199] : memref<32x2048xf32, #tpu.memory_space<hbm>> -> memref<1x2048xf32, #tpu.memory_space<hbm>>
        %dma_start3A_201 = tpu.memref_squeeze %dma_start3A_200 : memref<1x2048xf32, #tpu.memory_space<hbm>> -> memref<2048xf32, #tpu.memory_space<hbm>>
        tpu.enqueue_dma source(%dma_start3A_201 : memref<2048xf32, #tpu.memory_space<hbm>>) target(%arg10 : memref<2048xf32, #tpu.memory_space<vmem>>) target_semaphore(%run_scoped3A_195 : memref<!tpu.dma_semaphore, #tpu.memory_space<semaphore_mem>>)
        %dma_wait3A = arith.constant 0 : i32
        %dma_wait3A_202 = tpu.memref_slice %arg2[%run_scoped3A, %dma_wait3A] : memref<32x2048xf32, #tpu.memory_space<hbm>> -> memref<1x2048xf32, #tpu.memory_space<hbm>>
        %dma_wait3A_203 = tpu.memref_squeeze %dma_wait3A_202 : memref<1x2048xf32, #tpu.memory_space<hbm>> -> memref<2048xf32, #tpu.memory_space<hbm>>
        %dma_wait3A_204 = arith.constant 0 : i32
        %dma_wait3A_205 = tpu.memref_slice %arg2[%run_scoped3A, %dma_wait3A_204] : memref<32x2048xf32, #tpu.memory_space<hbm>> -> memref<1x2048xf32, #tpu.memory_space<hbm>>
        %dma_wait3A_206 = tpu.memref_squeeze %dma_wait3A_205 : memref<1x2048xf32, #tpu.memory_space<hbm>> -> memref<2048xf32, #tpu.memory_space<hbm>>
        tpu.wait_dma2 semaphore(%run_scoped3A_195 : memref<!tpu.dma_semaphore, #tpu.memory_space<semaphore_mem>>) src(%dma_wait3A_206 : memref<2048xf32, #tpu.memory_space<hbm>>) dst(%arg10 : memref<2048xf32, #tpu.memory_space<vmem>>)
        tpu.yield
      }) : () -> ()
      %run_scoped3A_16 = arith.constant 0 : i32
      "tpu.region"() ({
        %run_scoped3A_195 = tpu.sem_alloc : memref<!tpu.dma_semaphore, #tpu.memory_space<semaphore_mem>>
        %dma_start3A_196 = arith.constant 0 : i32
        %dma_start3A_197 = tpu.memref_slice %arg3[%run_scoped3A_16, %dma_start3A_196] : memref<32x512xf32, #tpu.memory_space<hbm>> -> memref<1x512xf32, #tpu.memory_space<hbm>>
        %dma_start3A_198 = tpu.memref_squeeze %dma_start3A_197 : memref<1x512xf32, #tpu.memory_space<hbm>> -> memref<512xf32, #tpu.memory_space<hbm>>
        %dma_start3A_199 = arith.constant 0 : i32
        %dma_start3A_200 = tpu.memref_slice %arg3[%run_scoped3A_16, %dma_start3A_199] : memref<32x512xf32, #tpu.memory_space<hbm>> -> memref<1x512xf32, #tpu.memory_space<hbm>>
        %dma_start3A_201 = tpu.memref_squeeze %dma_start3A_200 : memref<1x512xf32, #tpu.memory_space<hbm>> -> memref<512xf32, #tpu.memory_space<hbm>>
        tpu.enqueue_dma source(%dma_start3A_201 : memref<512xf32, #tpu.memory_space<hbm>>) target(%arg13 : memref<512xf32, #tpu.memory_space<vmem>>) target_semaphore(%run_scoped3A_195 : memref<!tpu.dma_semaphore, #tpu.memory_space<semaphore_mem>>)
        %dma_wait3A = arith.constant 0 : i32
        %dma_wait3A_202 = tpu.memref_slice %arg3[%run_scoped3A_16, %dma_wait3A] : memref<32x512xf32, #tpu.memory_space<hbm>> -> memref<1x512xf32, #tpu.memory_space<hbm>>
        %dma_wait3A_203 = tpu.memref_squeeze %dma_wait3A_202 : memref<1x512xf32, #tpu.memory_space<hbm>> -> memref<512xf32, #tpu.memory_space<hbm>>
        %dma_wait3A_204 = arith.constant 0 : i32
        %dma_wait3A_205 = tpu.memref_slice %arg3[%run_scoped3A_16, %dma_wait3A_204] : memref<32x512xf32, #tpu.memory_space<hbm>> -> memref<1x512xf32, #tpu.memory_space<hbm>>
        %dma_wait3A_206 = tpu.memref_squeeze %dma_wait3A_205 : memref<1x512xf32, #tpu.memory_space<hbm>> -> memref<512xf32, #tpu.memory_space<hbm>>
        tpu.wait_dma2 semaphore(%run_scoped3A_195 : memref<!tpu.dma_semaphore, #tpu.memory_space<semaphore_mem>>) src(%dma_wait3A_206 : memref<512xf32, #tpu.memory_space<hbm>>) dst(%arg13 : memref<512xf32, #tpu.memory_space<vmem>>)
        tpu.yield
      }) : () -> ()
      "tpu.region"() ({
        %run_scoped3A_195 = tpu.sem_alloc : memref<!tpu.dma_semaphore, #tpu.memory_space<semaphore_mem>>
        tpu.enqueue_dma source(%arg4 : memref<16xf32, #tpu.memory_space<hbm>>) target(%arg16 : memref<16xf32, #tpu.memory_space<vmem>>) target_semaphore(%run_scoped3A_195 : memref<!tpu.dma_semaphore, #tpu.memory_space<semaphore_mem>>)
        tpu.wait_dma2 semaphore(%run_scoped3A_195 : memref<!tpu.dma_semaphore, #tpu.memory_space<semaphore_mem>>) src(%arg4 : memref<16xf32, #tpu.memory_space<hbm>>) dst(%arg16 : memref<16xf32, #tpu.memory_space<vmem>>)
        tpu.yield
      }) : () -> ()
      %get3A = arith.constant 0 : index
      %get3A_17 = tpu.vector_load %arg16[%get3A] {strides = array<i32>} : memref<16xf32, #tpu.memory_space<vmem>>, vector<16xf32>,
      %iota3A = tpu.iota {dimensions = array<i32: 0>} : vector<16xi32>
      %scan3A = arith.constant 0 : i32
      %scan3A_18 = arith.constant 16 : i32
      %scan3A_19 = arith.addi %scan3A, %scan3A_18 : i32
      %scan3A_20 = arith.constant 1 : i32
      scf.for %scan3A_195 = %scan3A to %scan3A_19 step %scan3A_20  : i32 {
        %mul3A_196 = arith.constant 1 : i32
        %mul3A_197 = arith.muli %scan3A_195, %mul3A_196 : i32
        %add3A_198 = arith.constant 0 : i32
        %add3A_199 = arith.addi %add3A_198, %mul3A_197 : i32
        %mul3A_200 = arith.constant 2 : i32
        %mul3A_201 = arith.muli %add3A_199, %mul3A_200 : i32
        %add3A_202 = arith.constant 1 : i32
        %add3A_203 = arith.addi %add3A_202, %mul3A_201 : i32
        %add3A_204 = arith.constant 0 : i32
        %add3A_205 = arith.addi %add3A_203, %add3A_204 : i32
        %lt3A_206 = arith.constant 32 : i32
        %lt3A_207 = arith.cmpi slt, %add3A_205, %lt3A_206 : i32
        %convert_element_type3A_208 = arith.extui %lt3A_207 : i1 to i32
        %cond3A_209 = arith.constant 0 : i32
        %cond3A_210 = arith.cmpi ne, %convert_element_type3A_208, %cond3A_209 : i32
        scf.if %cond3A_210 {
          %add3A_222 = arith.constant 1 : i32
          %add3A_223 = arith.addi %add3A_205, %add3A_222 : i32
          %lt3A_224 = arith.constant 32 : i32
          %lt3A_225 = arith.cmpi slt, %add3A_223, %lt3A_224 : i32
          %convert_element_type3A_226 = arith.extui %lt3A_225 : i1 to i32
          %cond3A_227 = arith.constant 0 : i32
          %cond3A_228 = arith.cmpi ne, %convert_element_type3A_226, %cond3A_227 : i32
          scf.if %cond3A_228 {
            %add3A_250 = arith.constant 1 : i32
            %add3A_251 = arith.addi %add3A_205, %add3A_250 : i32
            %dma_start3A_252 = arith.constant 0 : i32
            %dma_start3A_253 = tpu.memref_slice %arg2[%add3A_251, %dma_start3A_252] : memref<32x2048xf32, #tpu.memory_space<hbm>> -> memref<1x2048xf32, #tpu.memory_space<hbm>>
            %dma_start3A_254 = tpu.memref_squeeze %dma_start3A_253 : memref<1x2048xf32, #tpu.memory_space<hbm>> -> memref<2048xf32, #tpu.memory_space<hbm>>
            %dma_start3A_255 = arith.constant 0 : i32
            %dma_start3A_256 = tpu.memref_slice %arg2[%add3A_251, %dma_start3A_255] : memref<32x2048xf32, #tpu.memory_space<hbm>> -> memref<1x2048xf32, #tpu.memory_space<hbm>>
            %dma_start3A_257 = tpu.memref_squeeze %dma_start3A_256 : memref<1x2048xf32, #tpu.memory_space<hbm>> -> memref<2048xf32, #tpu.memory_space<hbm>>
            tpu.enqueue_dma source(%dma_start3A_257 : memref<2048xf32, #tpu.memory_space<hbm>>) target(%arg9 : memref<2048xf32, #tpu.memory_space<vmem>>) target_semaphore(%arg18 : memref<!tpu.dma_semaphore, #tpu.memory_space<semaphore_mem>>)
            %add3A_258 = arith.constant 1 : i32
            %add3A_259 = arith.addi %add3A_205, %add3A_258 : i32
            %dma_start3A_260 = arith.constant 0 : i32
            %dma_start3A_261 = tpu.memref_slice %arg3[%add3A_259, %dma_start3A_260] : memref<32x512xf32, #tpu.memory_space<hbm>> -> memref<1x512xf32, #tpu.memory_space<hbm>>
            %dma_start3A_262 = tpu.memref_squeeze %dma_start3A_261 : memref<1x512xf32, #tpu.memory_space<hbm>> -> memref<512xf32, #tpu.memory_space<hbm>>
            %dma_start3A_263 = arith.constant 0 : i32
            %dma_start3A_264 = tpu.memref_slice %arg3[%add3A_259, %dma_start3A_263] : memref<32x512xf32, #tpu.memory_space<hbm>> -> memref<1x512xf32, #tpu.memory_space<hbm>>
            %dma_start3A_265 = tpu.memref_squeeze %dma_start3A_264 : memref<1x512xf32, #tpu.memory_space<hbm>> -> memref<512xf32, #tpu.memory_space<hbm>>
            tpu.enqueue_dma source(%dma_start3A_265 : memref<512xf32, #tpu.memory_space<hbm>>) target(%arg12 : memref<512xf32, #tpu.memory_space<vmem>>) target_semaphore(%arg20 : memref<!tpu.dma_semaphore, #tpu.memory_space<semaphore_mem>>)
          } else {
          }
          %dma_wait3A = arith.constant 0 : i32
          %dma_wait3A_229 = tpu.memref_slice %arg2[%add3A_205, %dma_wait3A] : memref<32x2048xf32, #tpu.memory_space<hbm>> -> memref<1x2048xf32, #tpu.memory_space<hbm>>
          %dma_wait3A_230 = tpu.memref_squeeze %dma_wait3A_229 : memref<1x2048xf32, #tpu.memory_space<hbm>> -> memref<2048xf32, #tpu.memory_space<hbm>>
          %dma_wait3A_231 = arith.constant 0 : i32
          %dma_wait3A_232 = tpu.memref_slice %arg2[%add3A_205, %dma_wait3A_231] : memref<32x2048xf32, #tpu.memory_space<hbm>> -> memref<1x2048xf32, #tpu.memory_space<hbm>>
          %dma_wait3A_233 = tpu.memref_squeeze %dma_wait3A_232 : memref<1x2048xf32, #tpu.memory_space<hbm>> -> memref<2048xf32, #tpu.memory_space<hbm>>
          tpu.wait_dma2 semaphore(%arg17 : memref<!tpu.dma_semaphore, #tpu.memory_space<semaphore_mem>>) src(%dma_wait3A_233 : memref<2048xf32, #tpu.memory_space<hbm>>) dst(%arg8 : memref<2048xf32, #tpu.memory_space<vmem>>)
          %dma_wait3A_234 = arith.constant 0 : i32
          %dma_wait3A_235 = tpu.memref_slice %arg3[%add3A_205, %dma_wait3A_234] : memref<32x512xf32, #tpu.memory_space<hbm>> -> memref<1x512xf32, #tpu.memory_space<hbm>>
          %dma_wait3A_236 = tpu.memref_squeeze %dma_wait3A_235 : memref<1x512xf32, #tpu.memory_space<hbm>> -> memref<512xf32, #tpu.memory_space<hbm>>
          %dma_wait3A_237 = arith.constant 0 : i32
          %dma_wait3A_238 = tpu.memref_slice %arg3[%add3A_205, %dma_wait3A_237] : memref<32x512xf32, #tpu.memory_space<hbm>> -> memref<1x512xf32, #tpu.memory_space<hbm>>
          %dma_wait3A_239 = tpu.memref_squeeze %dma_wait3A_238 : memref<1x512xf32, #tpu.memory_space<hbm>> -> memref<512xf32, #tpu.memory_space<hbm>>
          tpu.wait_dma2 semaphore(%arg19 : memref<!tpu.dma_semaphore, #tpu.memory_space<semaphore_mem>>) src(%dma_wait3A_239 : memref<512xf32, #tpu.memory_space<hbm>>) dst(%arg11 : memref<512xf32, #tpu.memory_space<vmem>>)
          %scan3A_240 = arith.constant 0 : i32
          %scan3A_241 = arith.constant 128 : i32
          %scan3A_242 = arith.addi %scan3A_240, %scan3A_241 : i32
          %scan3A_243 = arith.constant 1 : i32
          scf.for %scan3A_250 = %scan3A_240 to %scan3A_242 step %scan3A_243  : i32 {
            %mul3A_251 = arith.constant 1 : i32
            %mul3A_252 = arith.muli %scan3A_250, %mul3A_251 : i32
            %add3A_253 = arith.constant 0 : i32
            %add3A_254 = arith.addi %add3A_253, %mul3A_252 : i32
            %mul3A_255 = arith.constant 16 : i32
            %mul3A_256 = arith.muli %add3A_254, %mul3A_255 : i32
            %get3A_257 = arith.index_cast %mul3A_256 : i32 to index
            %get3A_258 = tpu.vector_load %arg10[%get3A_257] {strides = array<i32>} : memref<2048xf32, #tpu.memory_space<vmem>>, vector<16xf32>,
            %get3A_259 = arith.index_cast %mul3A_256 : i32 to index
            %get3A_260 = tpu.vector_load %arg8[%get3A_259] {strides = array<i32>} : memref<2048xf32, #tpu.memory_space<vmem>>, vector<16xf32>,
            %add3A_261 = arith.addf %get3A_258, %get3A_260 : vector<16xf32>
            %swap3A_262 = arith.index_cast %mul3A_256 : i32 to index
            %swap3A_263 = tpu.vector_load %arg10[%swap3A_262] {strides = array<i32>} : memref<2048xf32, #tpu.memory_space<vmem>>, vector<16xf32>,
            tpu.vector_store %arg10[%swap3A_262], %add3A_261 {strides = array<i32>} : memref<2048xf32, #tpu.memory_space<vmem>>, vector<16xf32>,
          }
          %scan3A_244 = arith.constant 128 : i32
          %scan3A_245 = arith.constant 0 : i32
          %scan3A_246 = arith.constant 32 : i32
          %scan3A_247 = arith.addi %scan3A_245, %scan3A_246 : i32
          %scan3A_248 = arith.constant 1 : i32
          scf.for %scan3A_250 = %scan3A_245 to %scan3A_247 step %scan3A_248  : i32 {
            %mul3A_251 = arith.constant 1 : i32
            %mul3A_252 = arith.muli %scan3A_250, %mul3A_251 : i32
            %add3A_253 = arith.constant 0 : i32
            %add3A_254 = arith.addi %add3A_253, %mul3A_252 : i32
            %mul3A_255 = arith.constant 16 : i32
            %mul3A_256 = arith.muli %add3A_254, %mul3A_255 : i32
            %get3A_257 = arith.index_cast %mul3A_256 : i32 to index
            %get3A_258 = tpu.vector_load %arg13[%get3A_257] {strides = array<i32>} : memref<512xf32, #tpu.memory_space<vmem>>, vector<16xf32>,
            %get3A_259 = arith.index_cast %mul3A_256 : i32 to index
            %get3A_260 = tpu.vector_load %arg11[%get3A_259] {strides = array<i32>} : memref<512xf32, #tpu.memory_space<vmem>>, vector<16xf32>,
            %add3A_261 = arith.addf %get3A_258, %get3A_260 : vector<16xf32>
            %swap3A_262 = arith.index_cast %mul3A_256 : i32 to index
            %swap3A_263 = tpu.vector_load %arg13[%swap3A_262] {strides = array<i32>} : memref<512xf32, #tpu.memory_space<vmem>>, vector<16xf32>,
            tpu.vector_store %arg13[%swap3A_262], %add3A_261 {strides = array<i32>} : memref<512xf32, #tpu.memory_space<vmem>>, vector<16xf32>,
          }
          %scan3A_249 = arith.constant 32 : i32
        } else {
        }
        %mul3A_211 = arith.constant 2 : i32
        %mul3A_212 = arith.muli %add3A_199, %mul3A_211 : i32
        %add3A_213 = arith.constant 1 : i32
        %add3A_214 = arith.addi %add3A_213, %mul3A_212 : i32
        %add3A_215 = arith.constant 1 : i32
        %add3A_216 = arith.addi %add3A_214, %add3A_215 : i32
        %lt3A_217 = arith.constant 32 : i32
        %lt3A_218 = arith.cmpi slt, %add3A_216, %lt3A_217 : i32
        %convert_element_type3A_219 = arith.extui %lt3A_218 : i1 to i32
        %cond3A_220 = arith.constant 0 : i32
        %cond3A_221 = arith.cmpi ne, %convert_element_type3A_219, %cond3A_220 : i32
        scf.if %cond3A_221 {
          %add3A_222 = arith.constant 1 : i32
          %add3A_223 = arith.addi %add3A_216, %add3A_222 : i32
          %lt3A_224 = arith.constant 32 : i32
          %lt3A_225 = arith.cmpi slt, %add3A_223, %lt3A_224 : i32
          %convert_element_type3A_226 = arith.extui %lt3A_225 : i1 to i32
          %cond3A_227 = arith.constant 0 : i32
          %cond3A_228 = arith.cmpi ne, %convert_element_type3A_226, %cond3A_227 : i32
          scf.if %cond3A_228 {
            %add3A_250 = arith.constant 1 : i32
            %add3A_251 = arith.addi %add3A_216, %add3A_250 : i32
            %dma_start3A_252 = arith.constant 0 : i32
            %dma_start3A_253 = tpu.memref_slice %arg2[%add3A_251, %dma_start3A_252] : memref<32x2048xf32, #tpu.memory_space<hbm>> -> memref<1x2048xf32, #tpu.memory_space<hbm>>
            %dma_start3A_254 = tpu.memref_squeeze %dma_start3A_253 : memref<1x2048xf32, #tpu.memory_space<hbm>> -> memref<2048xf32, #tpu.memory_space<hbm>>
            %dma_start3A_255 = arith.constant 0 : i32
            %dma_start3A_256 = tpu.memref_slice %arg2[%add3A_251, %dma_start3A_255] : memref<32x2048xf32, #tpu.memory_space<hbm>> -> memref<1x2048xf32, #tpu.memory_space<hbm>>
            %dma_start3A_257 = tpu.memref_squeeze %dma_start3A_256 : memref<1x2048xf32, #tpu.memory_space<hbm>> -> memref<2048xf32, #tpu.memory_space<hbm>>
            tpu.enqueue_dma source(%dma_start3A_257 : memref<2048xf32, #tpu.memory_space<hbm>>) target(%arg8 : memref<2048xf32, #tpu.memory_space<vmem>>) target_semaphore(%arg17 : memref<!tpu.dma_semaphore, #tpu.memory_space<semaphore_mem>>)
            %add3A_258 = arith.constant 1 : i32
            %add3A_259 = arith.addi %add3A_216, %add3A_258 : i32
            %dma_start3A_260 = arith.constant 0 : i32
            %dma_start3A_261 = tpu.memref_slice %arg3[%add3A_259, %dma_start3A_260] : memref<32x512xf32, #tpu.memory_space<hbm>> -> memref<1x512xf32, #tpu.memory_space<hbm>>
            %dma_start3A_262 = tpu.memref_squeeze %dma_start3A_261 : memref<1x512xf32, #tpu.memory_space<hbm>> -> memref<512xf32, #tpu.memory_space<hbm>>
            %dma_start3A_263 = arith.constant 0 : i32
            %dma_start3A_264 = tpu.memref_slice %arg3[%add3A_259, %dma_start3A_263] : memref<32x512xf32, #tpu.memory_space<hbm>> -> memref<1x512xf32, #tpu.memory_space<hbm>>
            %dma_start3A_265 = tpu.memref_squeeze %dma_start3A_264 : memref<1x512xf32, #tpu.memory_space<hbm>> -> memref<512xf32, #tpu.memory_space<hbm>>
            tpu.enqueue_dma source(%dma_start3A_265 : memref<512xf32, #tpu.memory_space<hbm>>) target(%arg11 : memref<512xf32, #tpu.memory_space<vmem>>) target_semaphore(%arg19 : memref<!tpu.dma_semaphore, #tpu.memory_space<semaphore_mem>>)
          } else {
          }
          %dma_wait3A = arith.constant 0 : i32
          %dma_wait3A_229 = tpu.memref_slice %arg2[%add3A_216, %dma_wait3A] : memref<32x2048xf32, #tpu.memory_space<hbm>> -> memref<1x2048xf32, #tpu.memory_space<hbm>>
          %dma_wait3A_230 = tpu.memref_squeeze %dma_wait3A_229 : memref<1x2048xf32, #tpu.memory_space<hbm>> -> memref<2048xf32, #tpu.memory_space<hbm>>
          %dma_wait3A_231 = arith.constant 0 : i32
          %dma_wait3A_232 = tpu.memref_slice %arg2[%add3A_216, %dma_wait3A_231] : memref<32x2048xf32, #tpu.memory_space<hbm>> -> memref<1x2048xf32, #tpu.memory_space<hbm>>
          %dma_wait3A_233 = tpu.memref_squeeze %dma_wait3A_232 : memref<1x2048xf32, #tpu.memory_space<hbm>> -> memref<2048xf32, #tpu.memory_space<hbm>>
          tpu.wait_dma2 semaphore(%arg18 : memref<!tpu.dma_semaphore, #tpu.memory_space<semaphore_mem>>) src(%dma_wait3A_233 : memref<2048xf32, #tpu.memory_space<hbm>>) dst(%arg9 : memref<2048xf32, #tpu.memory_space<vmem>>)
          %dma_wait3A_234 = arith.constant 0 : i32
          %dma_wait3A_235 = tpu.memref_slice %arg3[%add3A_216, %dma_wait3A_234] : memref<32x512xf32, #tpu.memory_space<hbm>> -> memref<1x512xf32, #tpu.memory_space<hbm>>
          %dma_wait3A_236 = tpu.memref_squeeze %dma_wait3A_235 : memref<1x512xf32, #tpu.memory_space<hbm>> -> memref<512xf32, #tpu.memory_space<hbm>>
          %dma_wait3A_237 = arith.constant 0 : i32
          %dma_wait3A_238 = tpu.memref_slice %arg3[%add3A_216, %dma_wait3A_237] : memref<32x512xf32, #tpu.memory_space<hbm>> -> memref<1x512xf32, #tpu.memory_space<hbm>>
          %dma_wait3A_239 = tpu.memref_squeeze %dma_wait3A_238 : memref<1x512xf32, #tpu.memory_space<hbm>> -> memref<512xf32, #tpu.memory_space<hbm>>
          tpu.wait_dma2 semaphore(%arg20 : memref<!tpu.dma_semaphore, #tpu.memory_space<semaphore_mem>>) src(%dma_wait3A_239 : memref<512xf32, #tpu.memory_space<hbm>>) dst(%arg12 : memref<512xf32, #tpu.memory_space<vmem>>)
          %scan3A_240 = arith.constant 0 : i32
          %scan3A_241 = arith.constant 128 : i32
          %scan3A_242 = arith.addi %scan3A_240, %scan3A_241 : i32
          %scan3A_243 = arith.constant 1 : i32
          scf.for %scan3A_250 = %scan3A_240 to %scan3A_242 step %scan3A_243  : i32 {
            %mul3A_251 = arith.constant 1 : i32
            %mul3A_252 = arith.muli %scan3A_250, %mul3A_251 : i32
            %add3A_253 = arith.constant 0 : i32
            %add3A_254 = arith.addi %add3A_253, %mul3A_252 : i32
            %mul3A_255 = arith.constant 16 : i32
            %mul3A_256 = arith.muli %add3A_254, %mul3A_255 : i32
            %get3A_257 = arith.index_cast %mul3A_256 : i32 to index
            %get3A_258 = tpu.vector_load %arg10[%get3A_257] {strides = array<i32>} : memref<2048xf32, #tpu.memory_space<vmem>>, vector<16xf32>,
            %get3A_259 = arith.index_cast %mul3A_256 : i32 to index
            %get3A_260 = tpu.vector_load %arg9[%get3A_259] {strides = array<i32>} : memref<2048xf32, #tpu.memory_space<vmem>>, vector<16xf32>,
            %add3A_261 = arith.addf %get3A_258, %get3A_260 : vector<16xf32>
            %swap3A_262 = arith.index_cast %mul3A_256 : i32 to index
            %swap3A_263 = tpu.vector_load %arg10[%swap3A_262] {strides = array<i32>} : memref<2048xf32, #tpu.memory_space<vmem>>, vector<16xf32>,
            tpu.vector_store %arg10[%swap3A_262], %add3A_261 {strides = array<i32>} : memref<2048xf32, #tpu.memory_space<vmem>>, vector<16xf32>,
          }
          %scan3A_244 = arith.constant 128 : i32
          %scan3A_245 = arith.constant 0 : i32
          %scan3A_246 = arith.constant 32 : i32
          %scan3A_247 = arith.addi %scan3A_245, %scan3A_246 : i32
          %scan3A_248 = arith.constant 1 : i32
          scf.for %scan3A_250 = %scan3A_245 to %scan3A_247 step %scan3A_248  : i32 {
            %mul3A_251 = arith.constant 1 : i32
            %mul3A_252 = arith.muli %scan3A_250, %mul3A_251 : i32
            %add3A_253 = arith.constant 0 : i32
            %add3A_254 = arith.addi %add3A_253, %mul3A_252 : i32
            %mul3A_255 = arith.constant 16 : i32
            %mul3A_256 = arith.muli %add3A_254, %mul3A_255 : i32
            %get3A_257 = arith.index_cast %mul3A_256 : i32 to index
            %get3A_258 = tpu.vector_load %arg13[%get3A_257] {strides = array<i32>} : memref<512xf32, #tpu.memory_space<vmem>>, vector<16xf32>,
            %get3A_259 = arith.index_cast %mul3A_256 : i32 to index
            %get3A_260 = tpu.vector_load %arg12[%get3A_259] {strides = array<i32>} : memref<512xf32, #tpu.memory_space<vmem>>, vector<16xf32>,
            %add3A_261 = arith.addf %get3A_258, %get3A_260 : vector<16xf32>
            %swap3A_262 = arith.index_cast %mul3A_256 : i32 to index
            %swap3A_263 = tpu.vector_load %arg13[%swap3A_262] {strides = array<i32>} : memref<512xf32, #tpu.memory_space<vmem>>, vector<16xf32>,
            tpu.vector_store %arg13[%swap3A_262], %add3A_261 {strides = array<i32>} : memref<512xf32, #tpu.memory_space<vmem>>, vector<16xf32>,
          }
          %scan3A_249 = arith.constant 32 : i32
        } else {
        }
      }
      %scan3A_21 = arith.constant 16 : i32
      %scan3A_22 = arith.constant 0 : i32
      %scan3A_23 = arith.constant 32 : i32
      %scan3A_24 = arith.addi %scan3A_22, %scan3A_23 : i32
      %scan3A_25 = arith.constant 1 : i32
      scf.for %scan3A_195 = %scan3A_22 to %scan3A_24 step %scan3A_25  : i32 {
        %mul3A_196 = arith.constant 1 : i32
        %mul3A_197 = arith.muli %scan3A_195, %mul3A_196 : i32
        %add3A_198 = arith.constant 0 : i32
        %add3A_199 = arith.addi %add3A_198, %mul3A_197 : i32
        %mul3A_200 = arith.constant 16 : i32
        %mul3A_201 = arith.muli %add3A_199, %mul3A_200 : i32
        %get3A_202 = arith.index_cast %mul3A_201 : i32 to index
        %get3A_203 = tpu.vector_load %arg13[%get3A_202] {strides = array<i32>} : memref<512xf32, #tpu.memory_space<vmem>>, vector<16xf32>,
        %max3A = arith.constant 1.000000e+00 : f32
        %max3A_204 = vector.broadcast %max3A : f32 to vector<16xf32>
        %max3A_205 = arith.maximumf %get3A_203, %max3A_204 : vector<16xf32>
        %swap3A_206 = arith.index_cast %mul3A_201 : i32 to index
        %swap3A_207 = tpu.vector_load %arg13[%swap3A_206] {strides = array<i32>} : memref<512xf32, #tpu.memory_space<vmem>>, vector<16xf32>,
        tpu.vector_store %arg13[%swap3A_206], %max3A_205 {strides = array<i32>} : memref<512xf32, #tpu.memory_space<vmem>>, vector<16xf32>,
      }
      %scan3A_26 = arith.constant 32 : i32
      %broadcast_in_dim3A = arith.constant 0 : i32
      %broadcast_in_dim3A_27 = vector.broadcast %broadcast_in_dim3A : i32 to vector<16xi32>
      %broadcast_in_dim3A_28 = arith.constant 0.000000e+00 : f32
      %broadcast_in_dim3A_29 = vector.broadcast %broadcast_in_dim3A_28 : f32 to vector<16xf32>
      %broadcast_in_dim3A_30 = arith.constant -3.400000e+38 : f32
      %broadcast_in_dim3A_31 = vector.broadcast %broadcast_in_dim3A_30 : f32 to vector<16xf32>
      %broadcast_in_dim3A_32 = arith.constant 0 : i32
      %broadcast_in_dim3A_33 = vector.broadcast %broadcast_in_dim3A_32 : i32 to vector<16xi32>
      %scan3A_34 = arith.constant 0 : i32
      %scan3A_35 = arith.constant 32 : i32
      %scan3A_36 = arith.addi %scan3A_34, %scan3A_35 : i32
      %scan3A_37 = arith.constant 1 : i32
      %scan3A_38:2 = scf.for %scan3A_195 = %scan3A_34 to %scan3A_36 step %scan3A_37 iter_args(%scan3A_196 = %broadcast_in_dim3A_31, %scan3A_197 = %broadcast_in_dim3A_33) -> (vector<16xf32>, vector<16xi32>)  : i32 {
        %mul3A_198 = arith.constant 1 : i32
        %mul3A_199 = arith.muli %scan3A_195, %mul3A_198 : i32
        %add3A_200 = arith.constant 0 : i32
        %add3A_201 = arith.addi %add3A_200, %mul3A_199 : i32
        %mul3A_202 = arith.constant 16 : i32
        %mul3A_203 = arith.muli %add3A_201, %mul3A_202 : i32
        %add3A_204 = arith.constant 0 : i32
        %add3A_205 = arith.addi %add3A_204, %mul3A_203 : i32
        %get3A_206 = arith.index_cast %add3A_205 : i32 to index
        %get3A_207 = tpu.vector_load %arg10[%get3A_206] {strides = array<i32>} : memref<2048xf32, #tpu.memory_space<vmem>>, vector<16xf32>,
        %get3A_208 = arith.index_cast %mul3A_203 : i32 to index
        %get3A_209 = tpu.vector_load %arg13[%get3A_208] {strides = array<i32>} : memref<512xf32, #tpu.memory_space<vmem>>, vector<16xf32>,
        %div3A = arith.divf %get3A_207, %get3A_209 : vector<16xf32>
        %add3A_210 = arith.addf %div3A, %get3A_17 : vector<16xf32>
        %add3A_211 = arith.constant 0 : i32
        %add3A_212 = arith.addi %add3A_211, %mul3A_203 : i32
        %swap3A_213 = arith.index_cast %add3A_212 : i32 to index
        %swap3A_214 = tpu.vector_load %arg10[%swap3A_213] {strides = array<i32>} : memref<2048xf32, #tpu.memory_space<vmem>>, vector<16xf32>,
        tpu.vector_store %arg10[%swap3A_213], %add3A_210 {strides = array<i32>} : memref<2048xf32, #tpu.memory_space<vmem>>, vector<16xf32>,
        %add3A_215 = vector.broadcast %mul3A_203 : i32 to vector<16xi32>
        %add3A_216 = arith.addi %add3A_215, %iota3A : vector<16xi32>
        %lt3A_217 = arith.constant 500 : i32
        %lt3A_218 = vector.broadcast %lt3A_217 : i32 to vector<16xi32>
        %lt3A_219 = arith.cmpi slt, %add3A_216, %lt3A_218 : vector<16xi32>
        %jit3A_220 = arith.constant -3.400000e+38 : f32
        %broadcast_in_dim3A_221 = vector.broadcast %jit3A_220 : f32 to vector<16xf32>
        %select_n3A_222 = arith.select %lt3A_219, %add3A_210, %broadcast_in_dim3A_221 : vector<16xi1>, vector<16xf32>
        %gt3A = arith.cmpf ogt, %select_n3A_222, %scan3A_196 : vector<16xf32>
        %select_n3A_223 = arith.select %gt3A, %select_n3A_222, %scan3A_196 : vector<16xi1>, vector<16xf32>
        %select_n3A_224 = arith.select %gt3A, %add3A_216, %scan3A_197 : vector<16xi1>, vector<16xi32>
        scf.yield %select_n3A_223, %select_n3A_224 : vector<16xf32>, vector<16xi32>
      }
      %scan3A_39 = arith.constant 32 : i32
      %reduce_max3A = arith.constant true
      %reduce_max3A_40 = vector.broadcast %reduce_max3A : i1 to vector<16xi1>
      %reduce_max3A_41 = tpu.scan <max>, %scan3A_38#0 masked %reduce_max3A_40 : vector<16xf32>, vector<16xi1> -> vector<16xf32>
      %reduce_max3A_42 = vector.extract %reduce_max3A_41[15] : f32 from vector<16xf32>
      %eq3A_43 = vector.broadcast %reduce_max3A_42 : f32 to vector<16xf32>
      %eq3A_44 = arith.cmpf oeq, %scan3A_38#0, %eq3A_43 : vector<16xf32>
      %jit3A = arith.constant 1073741824 : i32
      %broadcast_in_dim3A_45 = vector.broadcast %jit3A : i32 to vector<16xi32>
      %select_n3A = arith.select %eq3A_44, %scan3A_38#1, %broadcast_in_dim3A_45 : vector<16xi1>, vector<16xi32>
      %reduce_min3A = arith.constant true
      %reduce_min3A_46 = vector.broadcast %reduce_min3A : i1 to vector<16xi1>
      %reduce_min3A_47 = arith.constant -2147483648 : i32
      %reduce_min3A_48 = vector.broadcast %reduce_min3A_47 : i32 to vector<16xi32>
      %reduce_min3A_49 = arith.xori %select_n3A, %reduce_min3A_48 : vector<16xi32>
      %reduce_min3A_50 = tpu.scan <min>, %reduce_min3A_49 masked %reduce_min3A_46 : vector<16xi32>, vector<16xi1> -> vector<16xi32>
      %reduce_min3A_51 = arith.xori %reduce_min3A_50, %reduce_min3A_48 : vector<16xi32>
      %reduce_min3A_52 = vector.extract %reduce_min3A_51[15] : i32 from vector<16xi32>
      %abs3A = math.absf %reduce_max3A_42 : f32
      %lt3A = arith.constant 5.000000e-01 : f32
      %lt3A_53 = arith.cmpf olt, %abs3A, %lt3A : f32
      %jit3A_54 = arith.constant -1 : i32
      %select_n3A_55 = arith.select %lt3A_53, %jit3A_54, %reduce_min3A_52 : i32
      %eq3A_56 = arith.constant 0 : i32
      %eq3A_57 = vector.broadcast %eq3A_56 : i32 to vector<16xi32>
      %eq3A_58 = arith.cmpi eq, %iota3A, %eq3A_57 : vector<16xi32>
      %broadcast_in_dim3A_59 = vector.broadcast %select_n3A_55 : i32 to vector<16xi32>
      %select_n3A_60 = arith.select %eq3A_58, %broadcast_in_dim3A_59, %broadcast_in_dim3A_27 : vector<16xi1>, vector<16xi32>
      %eq3A_61 = arith.constant 0 : i32
      %eq3A_62 = vector.broadcast %eq3A_61 : i32 to vector<16xi32>
      %eq3A_63 = arith.cmpi eq, %iota3A, %eq3A_62 : vector<16xi32>
      %broadcast_in_dim3A_64 = vector.broadcast %reduce_max3A_42 : f32 to vector<16xf32>
      %select_n3A_65 = arith.select %eq3A_63, %broadcast_in_dim3A_64, %broadcast_in_dim3A_29 : vector<16xi1>, vector<16xf32>
      %broadcast_in_dim3A_66 = arith.constant -3.400000e+38 : f32
      %broadcast_in_dim3A_67 = vector.broadcast %broadcast_in_dim3A_66 : f32 to vector<16xf32>
      %broadcast_in_dim3A_68 = arith.constant 0 : i32
      %broadcast_in_dim3A_69 = vector.broadcast %broadcast_in_dim3A_68 : i32 to vector<16xi32>
      %scan3A_70 = arith.constant 0 : i32
      %scan3A_71 = arith.constant 32 : i32
      %scan3A_72 = arith.addi %scan3A_70, %scan3A_71 : i32
      %scan3A_73 = arith.constant 1 : i32
      %scan3A_74:2 = scf.for %scan3A_195 = %scan3A_70 to %scan3A_72 step %scan3A_73 iter_args(%scan3A_196 = %broadcast_in_dim3A_67, %scan3A_197 = %broadcast_in_dim3A_69) -> (vector<16xf32>, vector<16xi32>)  : i32 {
        %mul3A_198 = arith.constant 1 : i32
        %mul3A_199 = arith.muli %scan3A_195, %mul3A_198 : i32
        %add3A_200 = arith.constant 0 : i32
        %add3A_201 = arith.addi %add3A_200, %mul3A_199 : i32
        %mul3A_202 = arith.constant 16 : i32
        %mul3A_203 = arith.muli %add3A_201, %mul3A_202 : i32
        %add3A_204 = arith.constant 512 : i32
        %add3A_205 = arith.addi %add3A_204, %mul3A_203 : i32
        %get3A_206 = arith.index_cast %add3A_205 : i32 to index
        %get3A_207 = tpu.vector_load %arg10[%get3A_206] {strides = array<i32>} : memref<2048xf32, #tpu.memory_space<vmem>>, vector<16xf32>,
        %get3A_208 = arith.index_cast %mul3A_203 : i32 to index
        %get3A_209 = tpu.vector_load %arg13[%get3A_208] {strides = array<i32>} : memref<512xf32, #tpu.memory_space<vmem>>, vector<16xf32>,
        %div3A = arith.divf %get3A_207, %get3A_209 : vector<16xf32>
        %add3A_210 = arith.addf %div3A, %get3A_17 : vector<16xf32>
        %add3A_211 = arith.constant 512 : i32
        %add3A_212 = arith.addi %add3A_211, %mul3A_203 : i32
        %swap3A_213 = arith.index_cast %add3A_212 : i32 to index
        %swap3A_214 = tpu.vector_load %arg10[%swap3A_213] {strides = array<i32>} : memref<2048xf32, #tpu.memory_space<vmem>>, vector<16xf32>,
        tpu.vector_store %arg10[%swap3A_213], %add3A_210 {strides = array<i32>} : memref<2048xf32, #tpu.memory_space<vmem>>, vector<16xf32>,
        %add3A_215 = vector.broadcast %mul3A_203 : i32 to vector<16xi32>
        %add3A_216 = arith.addi %add3A_215, %iota3A : vector<16xi32>
        %lt3A_217 = arith.constant 500 : i32
        %lt3A_218 = vector.broadcast %lt3A_217 : i32 to vector<16xi32>
        %lt3A_219 = arith.cmpi slt, %add3A_216, %lt3A_218 : vector<16xi32>
        %jit3A_220 = arith.constant -3.400000e+38 : f32
        %broadcast_in_dim3A_221 = vector.broadcast %jit3A_220 : f32 to vector<16xf32>
        %select_n3A_222 = arith.select %lt3A_219, %add3A_210, %broadcast_in_dim3A_221 : vector<16xi1>, vector<16xf32>
        %gt3A = arith.cmpf ogt, %select_n3A_222, %scan3A_196 : vector<16xf32>
        %select_n3A_223 = arith.select %gt3A, %select_n3A_222, %scan3A_196 : vector<16xi1>, vector<16xf32>
        %select_n3A_224 = arith.select %gt3A, %add3A_216, %scan3A_197 : vector<16xi1>, vector<16xi32>
        scf.yield %select_n3A_223, %select_n3A_224 : vector<16xf32>, vector<16xi32>
      }
      %scan3A_75 = arith.constant 32 : i32
      %reduce_max3A_76 = arith.constant true
      %reduce_max3A_77 = vector.broadcast %reduce_max3A_76 : i1 to vector<16xi1>
      %reduce_max3A_78 = tpu.scan <max>, %scan3A_74#0 masked %reduce_max3A_77 : vector<16xf32>, vector<16xi1> -> vector<16xf32>
      %reduce_max3A_79 = vector.extract %reduce_max3A_78[15] : f32 from vector<16xf32>
      %eq3A_80 = vector.broadcast %reduce_max3A_79 : f32 to vector<16xf32>
      %eq3A_81 = arith.cmpf oeq, %scan3A_74#0, %eq3A_80 : vector<16xf32>
      %jit3A_82 = arith.constant 1073741824 : i32
      %broadcast_in_dim3A_83 = vector.broadcast %jit3A_82 : i32 to vector<16xi32>
      %select_n3A_84 = arith.select %eq3A_81, %scan3A_74#1, %broadcast_in_dim3A_83 : vector<16xi1>, vector<16xi32>
      %reduce_min3A_85 = arith.constant true
      %reduce_min3A_86 = vector.broadcast %reduce_min3A_85 : i1 to vector<16xi1>
      %reduce_min3A_87 = arith.constant -2147483648 : i32
      %reduce_min3A_88 = vector.broadcast %reduce_min3A_87 : i32 to vector<16xi32>
      %reduce_min3A_89 = arith.xori %select_n3A_84, %reduce_min3A_88 : vector<16xi32>
      %reduce_min3A_90 = tpu.scan <min>, %reduce_min3A_89 masked %reduce_min3A_86 : vector<16xi32>, vector<16xi1> -> vector<16xi32>
      %reduce_min3A_91 = arith.xori %reduce_min3A_90, %reduce_min3A_88 : vector<16xi32>
      %reduce_min3A_92 = vector.extract %reduce_min3A_91[15] : i32 from vector<16xi32>
      %abs3A_93 = math.absf %reduce_max3A_79 : f32
      %lt3A_94 = arith.constant 5.000000e-01 : f32
      %lt3A_95 = arith.cmpf olt, %abs3A_93, %lt3A_94 : f32
      %jit3A_96 = arith.constant -1 : i32
      %select_n3A_97 = arith.select %lt3A_95, %jit3A_96, %reduce_min3A_92 : i32
      %eq3A_98 = arith.constant 1 : i32
      %eq3A_99 = vector.broadcast %eq3A_98 : i32 to vector<16xi32>
      %eq3A_100 = arith.cmpi eq, %iota3A, %eq3A_99 : vector<16xi32>
      %broadcast_in_dim3A_101 = vector.broadcast %select_n3A_97 : i32 to vector<16xi32>
      %select_n3A_102 = arith.select %eq3A_100, %broadcast_in_dim3A_101, %select_n3A_60 : vector<16xi1>, vector<16xi32>
      %eq3A_103 = arith.constant 1 : i32
      %eq3A_104 = vector.broadcast %eq3A_103 : i32 to vector<16xi32>
      %eq3A_105 = arith.cmpi eq, %iota3A, %eq3A_104 : vector<16xi32>
      %broadcast_in_dim3A_106 = vector.broadcast %reduce_max3A_79 : f32 to vector<16xf32>
      %select_n3A_107 = arith.select %eq3A_105, %broadcast_in_dim3A_106, %select_n3A_65 : vector<16xi1>, vector<16xf32>
      %broadcast_in_dim3A_108 = arith.constant -3.400000e+38 : f32
      %broadcast_in_dim3A_109 = vector.broadcast %broadcast_in_dim3A_108 : f32 to vector<16xf32>
      %broadcast_in_dim3A_110 = arith.constant 0 : i32
      %broadcast_in_dim3A_111 = vector.broadcast %broadcast_in_dim3A_110 : i32 to vector<16xi32>
      %scan3A_112 = arith.constant 0 : i32
      %scan3A_113 = arith.constant 32 : i32
      %scan3A_114 = arith.addi %scan3A_112, %scan3A_113 : i32
      %scan3A_115 = arith.constant 1 : i32
      %scan3A_116:2 = scf.for %scan3A_195 = %scan3A_112 to %scan3A_114 step %scan3A_115 iter_args(%scan3A_196 = %broadcast_in_dim3A_109, %scan3A_197 = %broadcast_in_dim3A_111) -> (vector<16xf32>, vector<16xi32>)  : i32 {
        %mul3A_198 = arith.constant 1 : i32
        %mul3A_199 = arith.muli %scan3A_195, %mul3A_198 : i32
        %add3A_200 = arith.constant 0 : i32
        %add3A_201 = arith.addi %add3A_200, %mul3A_199 : i32
        %mul3A_202 = arith.constant 16 : i32
        %mul3A_203 = arith.muli %add3A_201, %mul3A_202 : i32
        %add3A_204 = arith.constant 1024 : i32
        %add3A_205 = arith.addi %add3A_204, %mul3A_203 : i32
        %get3A_206 = arith.index_cast %add3A_205 : i32 to index
        %get3A_207 = tpu.vector_load %arg10[%get3A_206] {strides = array<i32>} : memref<2048xf32, #tpu.memory_space<vmem>>, vector<16xf32>,
        %get3A_208 = arith.index_cast %mul3A_203 : i32 to index
        %get3A_209 = tpu.vector_load %arg13[%get3A_208] {strides = array<i32>} : memref<512xf32, #tpu.memory_space<vmem>>, vector<16xf32>,
        %div3A = arith.divf %get3A_207, %get3A_209 : vector<16xf32>
        %add3A_210 = arith.addf %div3A, %get3A_17 : vector<16xf32>
        %add3A_211 = arith.constant 1024 : i32
        %add3A_212 = arith.addi %add3A_211, %mul3A_203 : i32
        %swap3A_213 = arith.index_cast %add3A_212 : i32 to index
        %swap3A_214 = tpu.vector_load %arg10[%swap3A_213] {strides = array<i32>} : memref<2048xf32, #tpu.memory_space<vmem>>, vector<16xf32>,
        tpu.vector_store %arg10[%swap3A_213], %add3A_210 {strides = array<i32>} : memref<2048xf32, #tpu.memory_space<vmem>>, vector<16xf32>,
        %add3A_215 = vector.broadcast %mul3A_203 : i32 to vector<16xi32>
        %add3A_216 = arith.addi %add3A_215, %iota3A : vector<16xi32>
        %lt3A_217 = arith.constant 500 : i32
        %lt3A_218 = vector.broadcast %lt3A_217 : i32 to vector<16xi32>
        %lt3A_219 = arith.cmpi slt, %add3A_216, %lt3A_218 : vector<16xi32>
        %jit3A_220 = arith.constant -3.400000e+38 : f32
        %broadcast_in_dim3A_221 = vector.broadcast %jit3A_220 : f32 to vector<16xf32>
        %select_n3A_222 = arith.select %lt3A_219, %add3A_210, %broadcast_in_dim3A_221 : vector<16xi1>, vector<16xf32>
        %gt3A = arith.cmpf ogt, %select_n3A_222, %scan3A_196 : vector<16xf32>
        %select_n3A_223 = arith.select %gt3A, %select_n3A_222, %scan3A_196 : vector<16xi1>, vector<16xf32>
        %select_n3A_224 = arith.select %gt3A, %add3A_216, %scan3A_197 : vector<16xi1>, vector<16xi32>
        scf.yield %select_n3A_223, %select_n3A_224 : vector<16xf32>, vector<16xi32>
      }
      %scan3A_117 = arith.constant 32 : i32
      %reduce_max3A_118 = arith.constant true
      %reduce_max3A_119 = vector.broadcast %reduce_max3A_118 : i1 to vector<16xi1>
      %reduce_max3A_120 = tpu.scan <max>, %scan3A_116#0 masked %reduce_max3A_119 : vector<16xf32>, vector<16xi1> -> vector<16xf32>
      %reduce_max3A_121 = vector.extract %reduce_max3A_120[15] : f32 from vector<16xf32>
      %eq3A_122 = vector.broadcast %reduce_max3A_121 : f32 to vector<16xf32>
      %eq3A_123 = arith.cmpf oeq, %scan3A_116#0, %eq3A_122 : vector<16xf32>
      %jit3A_124 = arith.constant 1073741824 : i32
      %broadcast_in_dim3A_125 = vector.broadcast %jit3A_124 : i32 to vector<16xi32>
      %select_n3A_126 = arith.select %eq3A_123, %scan3A_116#1, %broadcast_in_dim3A_125 : vector<16xi1>, vector<16xi32>
      %reduce_min3A_127 = arith.constant true
      %reduce_min3A_128 = vector.broadcast %reduce_min3A_127 : i1 to vector<16xi1>
      %reduce_min3A_129 = arith.constant -2147483648 : i32
      %reduce_min3A_130 = vector.broadcast %reduce_min3A_129 : i32 to vector<16xi32>
      %reduce_min3A_131 = arith.xori %select_n3A_126, %reduce_min3A_130 : vector<16xi32>
      %reduce_min3A_132 = tpu.scan <min>, %reduce_min3A_131 masked %reduce_min3A_128 : vector<16xi32>, vector<16xi1> -> vector<16xi32>
      %reduce_min3A_133 = arith.xori %reduce_min3A_132, %reduce_min3A_130 : vector<16xi32>
      %reduce_min3A_134 = vector.extract %reduce_min3A_133[15] : i32 from vector<16xi32>
      %abs3A_135 = math.absf %reduce_max3A_121 : f32
      %lt3A_136 = arith.constant 5.000000e-01 : f32
      %lt3A_137 = arith.cmpf olt, %abs3A_135, %lt3A_136 : f32
      %jit3A_138 = arith.constant -1 : i32
      %select_n3A_139 = arith.select %lt3A_137, %jit3A_138, %reduce_min3A_134 : i32
      %eq3A_140 = arith.constant 2 : i32
      %eq3A_141 = vector.broadcast %eq3A_140 : i32 to vector<16xi32>
      %eq3A_142 = arith.cmpi eq, %iota3A, %eq3A_141 : vector<16xi32>
      %broadcast_in_dim3A_143 = vector.broadcast %select_n3A_139 : i32 to vector<16xi32>
      %select_n3A_144 = arith.select %eq3A_142, %broadcast_in_dim3A_143, %select_n3A_102 : vector<16xi1>, vector<16xi32>
      %eq3A_145 = arith.constant 2 : i32
      %eq3A_146 = vector.broadcast %eq3A_145 : i32 to vector<16xi32>
      %eq3A_147 = arith.cmpi eq, %iota3A, %eq3A_146 : vector<16xi32>
      %broadcast_in_dim3A_148 = vector.broadcast %reduce_max3A_121 : f32 to vector<16xf32>
      %select_n3A_149 = arith.select %eq3A_147, %broadcast_in_dim3A_148, %select_n3A_107 : vector<16xi1>, vector<16xf32>
      %broadcast_in_dim3A_150 = arith.constant -3.400000e+38 : f32
      %broadcast_in_dim3A_151 = vector.broadcast %broadcast_in_dim3A_150 : f32 to vector<16xf32>
      %broadcast_in_dim3A_152 = arith.constant 0 : i32
      %broadcast_in_dim3A_153 = vector.broadcast %broadcast_in_dim3A_152 : i32 to vector<16xi32>
      %scan3A_154 = arith.constant 0 : i32
      %scan3A_155 = arith.constant 32 : i32
      %scan3A_156 = arith.addi %scan3A_154, %scan3A_155 : i32
      %scan3A_157 = arith.constant 1 : i32
      %scan3A_158:2 = scf.for %scan3A_195 = %scan3A_154 to %scan3A_156 step %scan3A_157 iter_args(%scan3A_196 = %broadcast_in_dim3A_151, %scan3A_197 = %broadcast_in_dim3A_153) -> (vector<16xf32>, vector<16xi32>)  : i32 {
        %mul3A_198 = arith.constant 1 : i32
        %mul3A_199 = arith.muli %scan3A_195, %mul3A_198 : i32
        %add3A_200 = arith.constant 0 : i32
        %add3A_201 = arith.addi %add3A_200, %mul3A_199 : i32
        %mul3A_202 = arith.constant 16 : i32
        %mul3A_203 = arith.muli %add3A_201, %mul3A_202 : i32
        %add3A_204 = arith.constant 1536 : i32
        %add3A_205 = arith.addi %add3A_204, %mul3A_203 : i32
        %get3A_206 = arith.index_cast %add3A_205 : i32 to index
        %get3A_207 = tpu.vector_load %arg10[%get3A_206] {strides = array<i32>} : memref<2048xf32, #tpu.memory_space<vmem>>, vector<16xf32>,
        %get3A_208 = arith.index_cast %mul3A_203 : i32 to index
        %get3A_209 = tpu.vector_load %arg13[%get3A_208] {strides = array<i32>} : memref<512xf32, #tpu.memory_space<vmem>>, vector<16xf32>,
        %div3A = arith.divf %get3A_207, %get3A_209 : vector<16xf32>
        %add3A_210 = arith.addf %div3A, %get3A_17 : vector<16xf32>
        %add3A_211 = arith.constant 1536 : i32
        %add3A_212 = arith.addi %add3A_211, %mul3A_203 : i32
        %swap3A_213 = arith.index_cast %add3A_212 : i32 to index
        %swap3A_214 = tpu.vector_load %arg10[%swap3A_213] {strides = array<i32>} : memref<2048xf32, #tpu.memory_space<vmem>>, vector<16xf32>,
        tpu.vector_store %arg10[%swap3A_213], %add3A_210 {strides = array<i32>} : memref<2048xf32, #tpu.memory_space<vmem>>, vector<16xf32>,
        %add3A_215 = vector.broadcast %mul3A_203 : i32 to vector<16xi32>
        %add3A_216 = arith.addi %add3A_215, %iota3A : vector<16xi32>
        %lt3A_217 = arith.constant 500 : i32
        %lt3A_218 = vector.broadcast %lt3A_217 : i32 to vector<16xi32>
        %lt3A_219 = arith.cmpi slt, %add3A_216, %lt3A_218 : vector<16xi32>
        %jit3A_220 = arith.constant -3.400000e+38 : f32
        %broadcast_in_dim3A_221 = vector.broadcast %jit3A_220 : f32 to vector<16xf32>
        %select_n3A_222 = arith.select %lt3A_219, %add3A_210, %broadcast_in_dim3A_221 : vector<16xi1>, vector<16xf32>
        %gt3A = arith.cmpf ogt, %select_n3A_222, %scan3A_196 : vector<16xf32>
        %select_n3A_223 = arith.select %gt3A, %select_n3A_222, %scan3A_196 : vector<16xi1>, vector<16xf32>
        %select_n3A_224 = arith.select %gt3A, %add3A_216, %scan3A_197 : vector<16xi1>, vector<16xi32>
        scf.yield %select_n3A_223, %select_n3A_224 : vector<16xf32>, vector<16xi32>
      }
      %scan3A_159 = arith.constant 32 : i32
      %reduce_max3A_160 = arith.constant true
      %reduce_max3A_161 = vector.broadcast %reduce_max3A_160 : i1 to vector<16xi1>
      %reduce_max3A_162 = tpu.scan <max>, %scan3A_158#0 masked %reduce_max3A_161 : vector<16xf32>, vector<16xi1> -> vector<16xf32>
      %reduce_max3A_163 = vector.extract %reduce_max3A_162[15] : f32 from vector<16xf32>
      %eq3A_164 = vector.broadcast %reduce_max3A_163 : f32 to vector<16xf32>
      %eq3A_165 = arith.cmpf oeq, %scan3A_158#0, %eq3A_164 : vector<16xf32>
      %jit3A_166 = arith.constant 1073741824 : i32
      %broadcast_in_dim3A_167 = vector.broadcast %jit3A_166 : i32 to vector<16xi32>
      %select_n3A_168 = arith.select %eq3A_165, %scan3A_158#1, %broadcast_in_dim3A_167 : vector<16xi1>, vector<16xi32>
      %reduce_min3A_169 = arith.constant true
      %reduce_min3A_170 = vector.broadcast %reduce_min3A_169 : i1 to vector<16xi1>
      %reduce_min3A_171 = arith.constant -2147483648 : i32
      %reduce_min3A_172 = vector.broadcast %reduce_min3A_171 : i32 to vector<16xi32>
      %reduce_min3A_173 = arith.xori %select_n3A_168, %reduce_min3A_172 : vector<16xi32>
      %reduce_min3A_174 = tpu.scan <min>, %reduce_min3A_173 masked %reduce_min3A_170 : vector<16xi32>, vector<16xi1> -> vector<16xi32>
      %reduce_min3A_175 = arith.xori %reduce_min3A_174, %reduce_min3A_172 : vector<16xi32>
      %reduce_min3A_176 = vector.extract %reduce_min3A_175[15] : i32 from vector<16xi32>
      %abs3A_177 = math.absf %reduce_max3A_163 : f32
      %lt3A_178 = arith.constant 5.000000e-01 : f32
      %lt3A_179 = arith.cmpf olt, %abs3A_177, %lt3A_178 : f32
      %jit3A_180 = arith.constant -1 : i32
      %select_n3A_181 = arith.select %lt3A_179, %jit3A_180, %reduce_min3A_176 : i32
      %eq3A_182 = arith.constant 3 : i32
      %eq3A_183 = vector.broadcast %eq3A_182 : i32 to vector<16xi32>
      %eq3A_184 = arith.cmpi eq, %iota3A, %eq3A_183 : vector<16xi32>
      %broadcast_in_dim3A_185 = vector.broadcast %select_n3A_181 : i32 to vector<16xi32>
      %select_n3A_186 = arith.select %eq3A_184, %broadcast_in_dim3A_185, %select_n3A_144 : vector<16xi1>, vector<16xi32>
      %eq3A_187 = arith.constant 3 : i32
      %eq3A_188 = vector.broadcast %eq3A_187 : i32 to vector<16xi32>
      %eq3A_189 = arith.cmpi eq, %iota3A, %eq3A_188 : vector<16xi32>
      %broadcast_in_dim3A_190 = vector.broadcast %reduce_max3A_163 : f32 to vector<16xf32>
      %select_n3A_191 = arith.select %eq3A_189, %broadcast_in_dim3A_190, %select_n3A_149 : vector<16xi1>, vector<16xf32>
      %swap3A = arith.constant 0 : index
      %swap3A_192 = tpu.vector_load %arg14[%swap3A] {strides = array<i32>} : memref<16xi32, #tpu.memory_space<vmem>>, vector<16xi32>,
      tpu.vector_store %arg14[%swap3A], %select_n3A_186 {strides = array<i32>} : memref<16xi32, #tpu.memory_space<vmem>>, vector<16xi32>,
      %swap3A_193 = arith.constant 0 : index
      %swap3A_194 = tpu.vector_load %arg15[%swap3A_193] {strides = array<i32>} : memref<16xf32, #tpu.memory_space<vmem>>, vector<16xf32>,
      tpu.vector_store %arg15[%swap3A_193], %select_n3A_191 {strides = array<i32>} : memref<16xf32, #tpu.memory_space<vmem>>, vector<16xf32>,
      "tpu.region"() ({
        %run_scoped3A_195 = tpu.sem_alloc : memref<!tpu.dma_semaphore, #tpu.memory_space<semaphore_mem>>
        tpu.enqueue_dma source(%arg10 : memref<2048xf32, #tpu.memory_space<vmem>>) target(%arg5 : memref<2048xf32, #tpu.memory_space<hbm>>) target_semaphore(%run_scoped3A_195 : memref<!tpu.dma_semaphore, #tpu.memory_space<semaphore_mem>>)
        tpu.wait_dma2 semaphore(%run_scoped3A_195 : memref<!tpu.dma_semaphore, #tpu.memory_space<semaphore_mem>>) src(%arg10 : memref<2048xf32, #tpu.memory_space<vmem>>) dst(%arg5 : memref<2048xf32, #tpu.memory_space<hbm>>)
        tpu.yield
      }) : () -> ()
      "tpu.region"() ({
        %run_scoped3A_195 = tpu.sem_alloc : memref<!tpu.dma_semaphore, #tpu.memory_space<semaphore_mem>>
        tpu.enqueue_dma source(%arg14 : memref<16xi32, #tpu.memory_space<vmem>>) target(%arg6 : memref<16xi32, #tpu.memory_space<hbm>>) target_semaphore(%run_scoped3A_195 : memref<!tpu.dma_semaphore, #tpu.memory_space<semaphore_mem>>)
        tpu.wait_dma2 semaphore(%run_scoped3A_195 : memref<!tpu.dma_semaphore, #tpu.memory_space<semaphore_mem>>) src(%arg14 : memref<16xi32, #tpu.memory_space<vmem>>) dst(%arg6 : memref<16xi32, #tpu.memory_space<hbm>>)
        tpu.yield
      }) : () -> ()
      "tpu.region"() ({
        %run_scoped3A_195 = tpu.sem_alloc : memref<!tpu.dma_semaphore, #tpu.memory_space<semaphore_mem>>
        tpu.enqueue_dma source(%arg15 : memref<16xf32, #tpu.memory_space<vmem>>) target(%arg7 : memref<16xf32, #tpu.memory_space<hbm>>) target_semaphore(%run_scoped3A_195 : memref<!tpu.dma_semaphore, #tpu.memory_space<semaphore_mem>>)
        tpu.wait_dma2 semaphore(%run_scoped3A_195 : memref<!tpu.dma_semaphore, #tpu.memory_space<semaphore_mem>>) src(%arg15 : memref<16xf32, #tpu.memory_space<vmem>>) dst(%arg7 : memref<16xf32, #tpu.memory_space<hbm>>)
        tpu.yield
      }) : () -> ()
    } else {
    }
    return
  }
}

</mosaic_0001>

<sc_bundles>
// kernel: kernel.4.cloned.1.call-start
scs
__scs_entry_jumppad:
0x0: {  	(pc) =	sbr.rel $0x88, $3  }
0x1: {  	(tag) =	ssettag $0x0;
	lr =	simm.s32 $0x1  }
0x2: {  	[smem:$0x3F9C] =	sst lr;
	_ =	strace $0xD0000000  }
0x3: {  	_ = 	snop  }
0x4: {  	_ = 	snop  }
0x5: {  	_ = 	snop  }
0x6: {  	_ = 	snop  }
0x7: {  	_ = 	snop  }
__scs_overlays_trampoline_lowered:
0x8: {  	[smem:$0x3FAB] =	sst s0  }
0x9: {  	[smem:$0x3FAC] =	sst s1  }
0xa: {  	[smem:$0x3FAD] =	sst s2  }
0xb: {  	[smem:$0x3FAE] =	sst s3  }
0xc: {  	[smem:$0x3FAF] =	sst s4  }
0xd: {  	[smem:$0x3FB0] =	sst s5  }
0xe: {  	[smem:$0x3FB1] =	sst s6  }
0xf: {  	[smem:$0x3FB2] =	sst s7  }
0x10: {  	[smem:$0x3FB3] =	sst s8  }
0x11: {  	[smem:$0x3FB4] =	sst s9;
	s0 =	simm.s32 @!p0 $0x0  }
0x12: {  	s1 =	sld [smem:$0x3F9A];
	s0 =	simm.s32 @p0 $0x1  }
0x13: {  	[smem:$0x3FB5] =	sst s0;
	s0 =	simm.s32 @!p1 $0x0  }
0x14: {  	s2 =	sld [smem:$0x3F99];
	s0 =	simm.s32 @p1 $0x1  }
0x15: {  	[smem:$0x3FB6] =	sst s0;
	s0 =	simm.s32 @!p2 $0x0  }
0x16: {  	s3 =	sld [smem:$0x3FDB];
	s0 =	simm.s32 @p2 $0x1  }
0x17: {  	s4 =	simm.s32 $0x1BF5;
	[smem:$0x3FB8] =	sst s0  }
0x18: {  	s0 =	sld [smem:$0x3F9B];
	_ =	swait.ge [sflag:s4], $0x0  }
0x19: {  	s7 =	sld [smem:$0x3F9C]  }
0x1a: {  	s8 =	sadd.s32 $0xFFFFE003, lr  }
0x1b: {  	s9 =	sadd.s32 $0xFFFFFEF7, lr;
	s5 =	simm.s32 $0xFFFFFFFF;
	p2 =	slt.u32 s8, $0xFFFFF086  }
0x1c: {  	p1 =	slt.u32 s9, $0xF7A;
	s5 =	simm.s32 @!p2 $0x0  }
0x1d: {  	s5 =	simm.s32 @p1 $0x1;
	p0 =	seq.s32 s7, s2  }
0x1e: {  	s7 =	smul.u32 @!p0 $0xF7A, s2;
	p2 =	seq.s32 @!p0 s5, $0x0  }
0x1f: {  	s9 =	smul.u32 $0xF7A, s1;
	s8 =	simm.s32 @!p0 $0x1BF5;
	p2 =	por !p2, p0  }
0x20: {  	[sflag:s8] =	ssyncset.s32 @!p0 $0xFFFFF086;
	s6 =	sadd.s32 @!p0 s3, s7;
	s7 =	simm.s32 @!p0 $0x108  }
0x21: {  	s3 =	sadd.s32 s3, s9;
	s6 =	sadd.s32 @!p0 $0x88, s6;
	s7 =	simm.s32 @p2 $0x1082  }
0x22: {  	[simem:s7], [sflag:s8] =	dma.local @!p0 [hbm:s6], $0xF7A  }
0x23: {  	s9 =	sor.u32 $0xD0000000, s2;
	s6 =	simm.s32 $0x108;
	_ =	swait.ge @!p0 [sflag:s8], $0x0  }
0x24: {  	s3 =	sadd.s32 $0x88, s3;
	s6 =	simm.s32 @!p1 $0x1082;
	[sflag:s4] =	ssyncset.s32 $0xFFFFF086  }
0x25: {  	[simem:s6], [sflag:s4] =	dma.local [hbm:s3], $0xF7A  }
0x26: {  	[smem:$0x3F9C] =	sst s1;
	(tag) =	ssettag s2;
	_ =	strace s9  }
0x27: {  	s1 =	sld [smem:$0x3FAC]  }
0x28: {  	s2 =	sld [smem:$0x3FAD]  }
0x29: {  	s4 =	sld [smem:$0x3FAF]  }
0x2a: {  	p0 =	seq.s32 s5, $0x0;
	s5 =	sld [smem:$0x3FB0]  }
0x2b: {  	s6 =	sld [smem:$0x3FB1]  }
0x2c: {  	s7 =	sld [smem:$0x3FB2]  }
0x2d: {  	s3 =	simm.s32 $0x108;
	s8 =	sld [smem:$0x3FB3]  }
0x2e: {  	s3 =	simm.s32 @!p0 $0x1082;
	s9 =	sld [smem:$0x3FB4]  }
0x2f: {  	lr =	sadd.s32 s0, s3;
	s0 =	sld [smem:$0x3FAB]  }
0x30: {  	s3 =	sld [smem:$0x3FAE]  }
0x31: {  	[smem:$0x3FB7] =	sst s10  }
0x32: {  	s10 =	sld [smem:$0x3FB5];
	_ =	sdelay $0x3  }
0x33: {  	p0 =	seq.s32 s10, $0x1;
	s10 =	sld [smem:$0x3FB7];
	_ =	sdelay $0x3  }
0x34: {  	[smem:$0x3FB7] =	sst s10  }
0x35: {  	s10 =	sld [smem:$0x3FB6];
	_ =	sdelay $0x3  }
0x36: {  	p1 =	seq.s32 s10, $0x1;
	s10 =	sld [smem:$0x3FB7];
	_ =	sdelay $0x3  }
0x37: {  	[smem:$0x3FB7] =	sst s10  }
0x38: {  	s10 =	sld [smem:$0x3FB8]  }
0x39: {  	_ = 	snop;
	(pc) =	sbr.ind lr, $3  }
0x3a: {  	_ = 	snop  }
0x3b: {  	_ = 	snop  }
0x3c: {  	p2 =	seq.s32 s10, $0x1;
	s10 =	sld [smem:$0x3FB7]  }
0x3d: {  	_ =	shalt  }
0x3e: {  	_ =	shalt  }
0x3f: {  	_ =	shalt  }
0x40: {  	_ =	shalt  }
0x41: {  	_ =	shalt  }
0x42: {  	_ =	shalt  }
0x43: {  	_ =	shalt  }
0x44: {  	_ =	shalt  }
0x45: {  	_ =	shalt  }
0x46: {  	_ =	shalt  }
0x47: {  	_ =	shalt  }
0x48: {  	_ =	shalt  }
0x49: {  	_ =	shalt  }
0x4a: {  	_ =	shalt  }
0x4b: {  	_ =	shalt  }
0x4c: {  	_ =	shalt  }
0x4d: {  	_ =	shalt  }
0x4e: {  	_ =	shalt  }
0x4f: {  	_ =	shalt  }
0x50: {  	_ =	shalt  }
0x51: {  	_ =	shalt  }
0x52: {  	_ =	shalt  }
0x53: {  	_ =	shalt  }
0x54: {  	_ =	shalt  }
0x55: {  	_ =	shalt  }
0x56: {  	_ =	shalt  }
0x57: {  	_ =	shalt  }
0x58: {  	_ =	shalt  }
0x59: {  	_ =	shalt  }
0x5a: {  	_ =	shalt  }
0x5b: {  	_ =	shalt  }
0x5c: {  	_ =	shalt  }
0x5d: {  	_ =	shalt  }
0x5e: {  	_ =	shalt  }
0x5f: {  	_ =	shalt  }
0x60: {  	_ =	shalt  }
0x61: {  	_ =	shalt  }
0x62: {  	_ =	shalt  }
0x63: {  	_ =	shalt  }
0x64: {  	_ =	shalt  }
0x65: {  	_ =	shalt  }
0x66: {  	_ =	shalt  }
0x67: {  	_ =	shalt  }
0x68: {  	_ =	shalt  }
0x69: {  	_ =	shalt  }
0x6a: {  	_ =	shalt  }
0x6b: {  	_ =	shalt  }
0x6c: {  	_ =	shalt  }
0x6d: {  	_ =	shalt  }
0x6e: {  	_ =	shalt  }
0x6f: {  	_ =	shalt  }
0x70: {  	_ =	shalt  }
0x71: {  	_ =	shalt  }
0x72: {  	_ =	shalt  }
0x73: {  	_ =	shalt  }
0x74: {  	_ =	shalt  }
0x75: {  	_ =	shalt  }
0x76: {  	_ =	shalt  }
0x77: {  	_ =	shalt  }
0x78: {  	_ =	shalt  }
0x79: {  	_ =	shalt  }
0x7a: {  	_ =	shalt  }
0x7b: {  	_ =	shalt  }
0x7c: {  	_ =	shalt  }
0x7d: {  	_ =	shalt  }
0x7e: {  	_ =	shalt  }
0x7f: {  	_ =	shalt  }
0x80: {  	_ =	shalt  }
0x81: {  	_ =	shalt  }
0x82: {  	_ =	shalt  }
0x83: {  	_ =	shalt  }
0x84: {  	_ =	shalt  }
0x85: {  	_ =	shalt  }
0x86: {  	_ =	shalt  }
0x87: {  	_ =	shalt  }
.Lfunc_end0:
.L_simem_size_0:
called_computation_lowered:
.L_overlay_start_0:
0x88: {  	s2 =	sld [smem:$0x3FD9]  }
0x89: {  	s3 =	sld [smem:$0x3FFE];
	_ =	sdelay $0x1  }
0x8a: {  	s1 =	srdreg.scid  }
0x8b: {  	s0 =	sand.u32 $0x1, s1  }
0x8c: {  	s14 =	sshll.u32 s0, $0xA;
	s2 =	sadd.s32 s3, s2  }
0x8d: {  	s2 =	sadd.s32 s2, s14  }
0x8e: {  	[smem:$0x3FC3] =	sst s2  }
0x8f: {  	_ = 	snop  }
0x90: {  	s2 =	sld [smem:$0x3FD0];
	_ =	sdelay $0x1  }
0x91: {  	s15 =	sld [smem:$0x3FC8]  }
0x92: {  	s5 =	simm.s32 $0xA;
	s6 =	simm.s32 $0x10;
	s4 =	sld [smem:$0x3FC5]  }
0x93: {  	[smem:s6], [sflag:s5] =	dma.local [hbm:s2], $0x1  }
0x94: {  	_ =	swait.eq [sflag:s5], $0x1  }
0x95: {  	[sflag:s5] =	ssyncset.done $0x0  }
0x96: {  	[sflag:s5] =	ssyncadd.s32 $0xFFFFFFFF  }
0x97: {  	s16 =	sld [smem:$0x10];
	(tm) =	ssettm $0x1  }
0x98: {  	s17 =	sld [smem:$0x3FFB];
	_ =	sdelay $0x3  }
0x99: {  	_ =	strace s17  }
0x9a: {  	s5 =	sld [smem:$0x3FFC];
	_ =	sdelay $0x3  }
0x9b: {  	_ =	strace s5  }
0x9c: {  	s5 =	sld [smem:$0x3FFD];
	_ =	sdelay $0x3  }
0x9d: {  	_ =	strace s5  }
0x9e: {  	_ =	strace $0x8FFFFFFF  }
0x9f: {  	s18 =	sld [smem:$0x3FDB];
	_ =	sdelay $0x1  }
0xa0: {  	s19 =	simm.s32 $_scs_section_size  }
0xa1: {  	s7 =	simm.s32 $_size__tile_overlayer_lowered;
	s8 =	simm.s32 $_tile_overlayer_lowered  }
0xa2: {  	s22 =	simm.s32 $0x1BFF;
	s21 =	sshll.u32 s8, $0x1;
	s5 =	sadd.s32 s19, s18  }
0xa3: {  	s9 =	simm.s32 $0x0;
	s20 =	sshll.u32 s7, $0x1;
	s7 =	sadd.s32 s21, s5  }
0xa4: {  	[timem:s9], [sflag:s22] =	dma.local [hbm:s7], s20  }
0xa5: {  	_ =	swait.ge [sflag:s22], s20  }
0xa6: {  	s6 =	ssub.s32 $0x0, s20;
	[sflag:s22] =	ssyncset.done $0x0  }
0xa7: {  	[sflag:s22] =	ssyncadd.s32 s6;
	_ =	sdelay $0x1  }
0xa8: {  	s23 =	simm.s32 $0x1B8B  }
0xa9: {  	_ =	swait.ge [sflag:s23], $0x1  }
0xaa: {  	[sflag:s23] =	ssyncset.done $0x0  }
0xab: {  	s25 =	simm.s32 $0x1B8E;
	s24 =	sld [smem:$0x3FFE];
	[sflag:s23] =	ssyncadd.s32 $0xFFFFFFFF  }
0xac: {  	s26 =	simm.s32 $execute0_lowered;
	[smem:$0x3FD2] =	sst s25  }
0xad: {  	s7 =	sshll.u32 s26, $0x1;
	_ =	strace $0x80000046;
	[dreg:$0x1] =	wrdreg $0xFFFFFFFF  }
0xae: {  	s28 =	simm.s32 $_size_execute0_lowered;
	s5 =	sadd.s32 s5, s7;
	[dreg:$0x0] =	wrdreg $0x0  }
0xaf: {  	s7 =	sshll.u32 s28, $0x1;
	[dreg:$0x2] =	wrdreg s5  }
0xb0: {  	[dreg:$0x3] =	wrdreg s7  }
0xb1: {  	[dreg:$0x4] =	wrdreg $0xC0  }
0xb2: {  	_ =	task [dreg:s9], $0x5FFFF  }
0xb3: {  	[dreg:$0x1] =	wrdreg $0xFFFFFFFF  }
0xb4: {  	[dreg:$0x0] =	wrdreg $0x60  }
0xb5: {  	[dreg:$0x2] =	wrdreg s24  }
0xb6: {  	[dreg:$0x3] =	wrdreg s16  }
0xb7: {  	[dreg:$0x4] =	wrdreg s15  }
0xb8: {  	[dreg:$0x5] =	wrdreg s4  }
0xb9: {  	[dreg:$0x6] =	wrdreg $0x9  }
0xba: {  	_ =	task.clear_ibuf [dreg:s9], $0x7FFFF;
	_ =	strace $0x90000046  }
0xbb: {  	s29 =	simm.s32 $0x9;
	_ =	strace $0x80000048  }
0xbc: {  	_ =	swait.ge [sflag:s29], $0x1  }
0xbd: {  	[sflag:s29] =	ssyncadd.s32 $0xFFFFFFFF  }
0xbe: {  	_ =	strace $0x90000048  }
0xbf: {  	_ =	sfence  }
0xc0: {  	s30 =	sld [smem:$0x0];
	_ =	sdelay $0x2  }
0xc1: {  	s31 =	sshll.u32 s1, $0xD;
	s1 =	sshrl.u32 s1, $0x2  }
0xc2: {  	s3 =	sand.u32 $0x4000, s31;
	s1 =	sadd.s32 s1, s30  }
0xc3: {  	s0 =	sor.u32 s3, s0;
	s1 =	sshll.u32 s1, $0x11  }
0xc4: {  	s0 =	sor.u32 s1, s0  }
0xc5: {  	s0 =	sadd.s32 $0x8F2B, s0  }
0xc6: {  	[sflag:s0] =	ssyncadd.remote.s32 $0x1  }
0xc7: {  	_ =	sfence.sel $0xFFFF  }
0xc8: {  	[dreg:$0x0] =	wrdreg $0xFFFFFFFF;
	(pc) =	sbr.abs _section_cstart, $3  }
0xc9: {  	[dreg:$0x1] =	wrdreg $0xFFFFFFFF  }
0xca: {  	_ =	task.clear_ibuf [dreg:s9], $0x2FFFF;
	_ =	strace $0x9FFFFFFF  }
0xcb: {  	(tm) =	ssettm $0x7FFFFFFF  }
tec
execute0_lowered:
.L_overlay_start_1:
0x0: {  	(tag) =	ssettag $0x1  }
0x1: {  	s0 =	rddreg [dreg:$0x0]  }
0x2: {  	s3 =	rddreg [dreg:$0x2];
	s1 =	srdreg.scid  }
0x3: {  	s6 =	stileid.u32;
	s2 =	rddreg [dreg:$0x3];
	s4 =	simm.s32 $0x0  }
0x4: {  	s14 =	simm.s32 $0x3;
	s16 =	simm.s32 $0x2800;
	s17 =	simm.s32 $0x1  }
0x5: {  	s18 =	simm.s32 $0xFD00;
	s19 =	simm.s32 $0x7D00;
	s20 =	simm.s32 $0x2  }
0x6: {  	s21 =	simm.s32 $0x4880;
	s22 =	simm.s32 $0x80;
	s23 =	simm.s32 $0x400  }
0x7: {  	s26 =	simm.s32 $0x0;
	s1 =	sand.u32 $0x1, s1;
	s5 =	sshll.u32 s6, $0x1  }
0x8: {  	[smem:$0x7FF] =	sst s4;
	s6 =	sshrl.u32 s6, $0x2;
	s10 =	sor.u32 s1, s5  }
0x9: {  	_ =	strace $0x80000047;
	s7 =	sshll.u32 s6, $0xE;
	s6 =	sshll.u32 s6, $0xC  }
0xa: {  	s1 =	ssub.s32 $0x2, s1;
	s5 =	sshll.u32 s10, $0x7;
	s31 =	smul.u32 $0x278, s10  }
0xb: {  	s30 =	sshrl.u32 s1, $0x1;
	p0 =	seq.s32 s10, $0x1F;
	s9 =	smul.u32 $0x13C00, s10  }
0xc: {  	s10 =	smul.u32 $0x9E000, s10;
	s8 =	sand.u32 $0x380, s5;
	s5 =	sadd.s32 $0x1000, s0  }
0xd: {  	v3 =	vlaneseq.u32;
	s1 =	ssub.s32 s1, s30;
	s7 =	sor.u32 s7, s8;
	s6 =	sor.u32 s6, s8  }
0xe: {  	v0 =	vmul.u32 $0x80, v3;
	s8 =	sadd.s32 $0x4C88, s2;
	s9 =	sadd.s32 s3, s9;
	s7 =	sshrl.u32 s7, $0x3  }
0xf: {  	v1 =	vimm.f32 $0.0e+00;
	v6 =	vimm.f32 $1.000000000e+00;
	v3 =	vmul.u32 $0x200, v3;
	s13 =	smax.u32 s1, $0x1;
	s6 =	sshrl.u32 s6, $0x3;
	s11 =	sadd.s32 s7, s0  }
0x10: {  	v2 =	vor.u32 $0x800, v0;
	v4 =	vor.u32 $0x1000, v0;
	v5 =	vor.u32 $0x1800, v0;
	s0 =	sadd.s32 s6, s0;
	s6 =	simm.s32 $0x33;
	s7 =	sadd.s32 s2, s31  }
0x11: {  	v7 =	vor.u32 $0x2000, v3;
	v8 =	vor.u32 $0x4000, v3;
	v9 =	vor.u32 $0x6000, v3;
	s6 =	simm.s32 @!p0 $0x4F;
	s11 =	sadd.s32 $0x1400, s11;
	s12 =	sadd.s32 $0x3400, s0  }
.LBB2_1:
0x12: {  	[tilespmem:s4], [sflag:$0x3] =	stream.linear.gather [hbm4b:s5+s4], $0x2000, $0x38;
	[tilespmem:$0x12700] =	vst v63  }
0x13: {  	_ =	swait.ge [sflag:s14], $0x2000  }
0x14: {  	[sflag:s14] =	ssyncset.done $0x0  }
0x15: {  	[sflag:s14] =	ssyncadd.s32 $0xFFFFE000  }
0x16: {  	s1 =	simm.s32 $0x2000;
	s0 =	rddreg [dreg:$0x1]  }
0x17: {  	[tilespmem:s1], [sflag:$0x3] =	stream.linear.gather [hbm4b:s0+s4], $0x800, $0x38;
	[tilespmem:$0x12700] =	vst v63  }
0x18: {  	_ =	swait.ge [sflag:s14], $0x800  }
0x19: {  	[sflag:s14] =	ssyncset.done $0x0  }
0x1a: {  	s0 =	simm.s32 @p0 $0x0;
	s1 =	simm.s32 @p0 $0x6900;
	[sflag:s14] =	ssyncadd.s32 $0xFFFFF800  }
0x1b: {  	[tilespmem:s1], [sflag:$0x3] =	stream.linear.gather @p0 [hbm4b:s8+s0], $0xCC0, $0x38;
	[tilespmem:$0x12700] =	vst v63  }
0x1c: {  	s0 =	simm.s32 @p0 $0x3  }
0x1d: {  	_ =	swait.ge @p0 [sflag:s0], $0xCC0  }
0x1e: {  	[sflag:s0] =	ssyncset.done @p0 $0x0  }
0x1f: {  	s1 =	simm.s32 @!p0 $0x6900;
	[sflag:s0] =	ssyncadd.s32 @p0 $0xFFFFF340;
	s0 =	simm.s32 @!p0 $0x0  }
0x20: {  	[tilespmem:s1], [sflag:$0x3] =	stream.linear.gather @!p0 [hbm4b:s7+s0], $0x13C0, $0x38;
	[tilespmem:$0x12700] =	vst v63  }
0x21: {  	s0 =	simm.s32 @!p0 $0x3  }
0x22: {  	_ =	swait.ge @!p0 [sflag:s0], $0x13C0  }
0x23: {  	[sflag:s0] =	ssyncset.done @!p0 $0x0  }
0x24: {  	s1 =	simm.s32 $0x200;
	[sflag:s0] =	ssyncadd.s32 @!p0 $0xFFFFEC40;
	s0 =	simm.s32 $0x0  }
.LBB2_2:
0x25: {  	p1 =	sne.s32 s1, $0x1FE00;
	[tilespmem:s0+$0x7D70] =	vst v1  }
0x26: {  	[tilespmem:s0+$0x7D00] =	vst v1  }
0x27: {  	[tilespmem:s0+$0x7D10] =	vst v1  }
.Ltmp0:
0x28: {  	[tilespmem:s0+$0x7D20] =	vst v1;
	(pc) =	sbr.rel @p1 .LBB2_2-.Ltmp0, $4  }
0x29: {  	[tilespmem:s0+$0x7D30] =	vst v1  }
0x2a: {  	[tilespmem:s0+$0x7D40] =	vst v1  }
0x2b: {  	[tilespmem:s0+$0x7D50] =	vst v1  }
0x2c: {  	[tilespmem:s0+$0x7D60] =	vst v1;
	s0 =	sshra.s32 s1, $0x2;
	s1 =	sadd.s32 $0x200, s1  }
0x2d: {  	[tilespmem:s0+$0x7D70] =	vst v1  }
0x2e: {  	[tilespmem:s0+$0x7D00] =	vst v1  }
0x2f: {  	[tilespmem:s0+$0x7D10] =	vst v1  }
0x30: {  	[tilespmem:s0+$0x7D20] =	vst v1  }
0x31: {  	[tilespmem:s0+$0x7D30] =	vst v1  }
0x32: {  	[tilespmem:s0+$0x7D40] =	vst v1  }
0x33: {  	[tilespmem:s0+$0x7D50] =	vst v1  }
0x34: {  	[tilespmem:s0+$0x7D60] =	vst v1;
	s0 =	simm.s32 $0x0;
	s1 =	simm.s32 $0x200  }
.LBB2_4:
0x35: {  	p1 =	sne.s32 s1, $0x7E00;
	[tilespmem:s0+$0xFD70] =	vst v1  }
0x36: {  	[tilespmem:s0+$0xFD00] =	vst v1  }
0x37: {  	[tilespmem:s0+$0xFD10] =	vst v1  }
.Ltmp1:
0x38: {  	[tilespmem:s0+$0xFD20] =	vst v1;
	(pc) =	sbr.rel @p1 .LBB2_4-.Ltmp1, $4  }
0x39: {  	[tilespmem:s0+$0xFD30] =	vst v1  }
0x3a: {  	[tilespmem:s0+$0xFD40] =	vst v1  }
0x3b: {  	[tilespmem:s0+$0xFD50] =	vst v1  }
0x3c: {  	[tilespmem:s0+$0xFD60] =	vst v1;
	s0 =	sshra.s32 s1, $0x2;
	s1 =	sadd.s32 $0x200, s1  }
0x3d: {  	[tilespmem:s0+$0xFD70] =	vst v1  }
0x3e: {  	[tilespmem:s0+$0xFD00] =	vst v1  }
0x3f: {  	[tilespmem:s0+$0xFD10] =	vst v1  }
0x40: {  	[tilespmem:s0+$0xFD20] =	vst v1  }
.Ltmp2:
0x41: {  	[tilespmem:s0+$0xFD30] =	vst v1;
	(pc) =	sbr.rel .LBB2_6-.Ltmp2, $4  }
0x42: {  	[tilespmem:s0+$0xFD40] =	vst v1  }
0x43: {  	[tilespmem:s0+$0xFD50] =	vst v1  }
0x44: {  	[tilespmem:s0+$0xFD60] =	vst v1;
	s28 =	simm.s32 $0x0  }
0x45: {  	[tilespmem:s16], [sflag:$0x1] =	stream.linear.gather [hbm4b:s9+s28], $0x2000, $0x38;
	[tilespmem:$0x12700] =	vst v63  }
.LBB2_14:
0x46: {  	s28 =	sadd.s32 $0x1, s28  }
0x47: {  	p1 =	sne.s32 s28, $0x28  }
.Ltmp3:
0x48: {  	_ = 	snop;
	(pc) =	sbr.rel @!p1 .LBB2_15-.Ltmp3, $1  }
0x49: {  	_ =	sdelay $0x3  }
.LBB2_6:
0x4a: {  	s0 =	sshll.u32 s28, $0x1  }
0x4b: {  	p2 =	sge.u32 s0, s6  }
.Ltmp4:
0x4c: {  	_ = 	snop;
	(pc) =	sbr.rel @p2 .LBB2_10-.Ltmp4, $3  }
0x4d: {  	_ =	sdelay $0x1  }
0x4e: {  	s29 =	sshllo.u32 s28, $0x1  }
0x4f: {  	p1 =	sge.u32 s29, s6  }
0x50: {  	s1 =	sshll.u32 @!p1 s29, $0xD  }
0x51: {  	s1 =	sadd.s32 @!p1 s10, s1  }
0x52: {  	s1 =	sshrl.u32 @!p1 s1, $0x3  }
0x53: {  	s2 =	simm.s32 @!p1 $0x0;
	s30 =	simm.s32 @!p1 $0x4880;
	s1 =	sadd.s32 @!p1 s3, s1  }
0x54: {  	[tilespmem:s30], [sflag:$0x2] =	stream.linear.gather @!p1 [hbm4b:s1+s2], $0x2000, $0x38;
	[tilespmem:$0x12700] =	vst v63  }
0x55: {  	_ =	swait.ge [sflag:s17], $0x2000  }
0x56: {  	[sflag:s17] =	ssyncset.done $0x0  }
0x57: {  	[sflag:s17] =	ssyncadd.s32 $0xFFFFE000  }
0x58: {  	v14 =	vld.idx.msk [tilespmem:v0+s16+$0x0], $0xffff  }
0x59: {  	v16 =	vld.idx.msk [tilespmem:v2+s16+$0x0], $0xffff  }
0x5a: {  	v11 =	vld.idx.msk [tilespmem:v4+s16+$0x0], $0xffff  }
0x5b: {  	s24 =	simm.s32 $0x0;
	v12 =	vld.idx.msk [tilespmem:v5+s16+$0x0], $0xffff  }
0x5c: {  	s1 =	sand.u32 $0x7F0, s24;
	v13 =	vld [tilespmem:s24+$0x0]  }
0x5d: {  	v15 =	vld [tilespmem:s1+$0x1800]  }
0x5e: {  	v17 =	vld [tilespmem:s1+$0x1000];
	_ =	sdelay $0x1  }
0x5f: {  	v18 =	vld [tilespmem:s1+$0x800]  }
0x60: {  	s25 =	simm.s32 $0x1;
	v10 =	vimm.f32 $0.0e+00;
	v20 =	vsub.f32 v14, v13;
	v21 =	vsub.f32 v12, v13  }
0x61: {  	s15 =	simm.s32 $0x1001;
	v19 =	vadd.s32 s25, v0;
	v22 =	vsub.f32 v16, v13;
	v23 =	vsub.f32 v11, v13  }
0x62: {  	v26 =	vadd.s32 s15, v0;
	s30 =	simm.s32 $0x801;
	v25 =	vsub.f32 v14, v15;
	v28 =	vsub.f32 v14, v17  }
0x63: {  	v24 =	vadd.s32 s30, v0;
	s24 =	simm.s32 $0x1801;
	v29 =	vsub.f32 v16, v15;
	v31 =	vsub.f32 v11, v17  }
0x64: {  	v27 =	vadd.s32 s24, v0;
	v32 =	vsub.f32 v12, v18;
	v33 =	vsub.f32 v11, v15  }
0x65: {  	v34 =	vsub.f32 v11, v18;
	v14 =	vsub.f32 v14, v18;
	v13 =	vand.u32 $0x7FFFFFFF, v21  }
0x66: {  	v21 =	vsub.f32 v12, v17;
	v20 =	vand.u32 $0x7FFFFFFF, v20;
	v23 =	vand.u32 $0x7FFFFFFF, v23  }
0x67: {  	v25 =	vand.u32 $0x7FFFFFFF, v25;
	v12 =	vsub.f32 v12, v15;
	v15 =	vand.u32 $0x7FFFFFFF, v29  }
0x68: {  	v29 =	vand.u32 $0x7FFFFFFF, v33;
	v17 =	vsub.f32 v16, v17;
	v31 =	vand.u32 $0x7FFFFFFF, v31  }
0x69: {  	v16 =	vsub.f32 v16, v18;
	v14 =	vand.u32 $0x7FFFFFFF, v14;
	v32 =	vand.u32 $0x7FFFFFFF, v32  }
0x6a: {  	v30 =	vadd.s32 $0x8000, v13;
	v23 =	vadd.s32 $0x8000, v23;
	v15 =	vadd.s32 $0x8000, v15  }
0x6b: {  	s2 =	simm.s32 $0x2000;
	v29 =	vadd.s32 $0x8000, v29;
	v20 =	vadd.s32 $0x8000, v20;
	v25 =	vadd.s32 $0x8000, v25  }
0x6c: {  	v13 =	vld [tilespmem:s2+$0x0];
	v62 =	vadd.s32 $0x8000, v14;
	v21 =	vand.u32 $0x7FFFFFFF, v21;
	v23 =	vand.u32 $0xFFFF0000, v23  }
0x6d: {  	v12 =	vand.u32 $0x7FFFFFFF, v12;
	v15 =	vand.u32 $0xFFFF0000, v15;
	v61 =	vand.u32 $0x7FFFFFFF, v17  }
0x6e: {  	v17 =	vand.u32 $0xFFFF0000, v29;
	v20 =	vand.u32 $0xFFFF0000, v20;
	v16 =	vand.u32 $0x7FFFFFFF, v16  }
0x6f: {  	v18 =	vand.u32 $0xFFFF0000, v25;
	v21 =	vadd.s32 $0x8000, v21;
	v16 =	vadd.s32 $0x8000, v16  }
0x70: {  	v63 =	vadd.s32 $0x8000, v61;
	v21 =	vand.u32 $0xFFFF0000, v21;
	v40 =	vand.u32 $0xFFFF0000, v16  }
0x71: {  	v33 =	vand.u32 $0xFFFF0000, v63;
	v15 =	vmul.f32 v15, v13;
	v11 =	vmul.f32 v17, v13  }
0x72: {  	v17 =	vadd.s32 $0x8000, v12;
	v21 =	vmul.f32 v21, v13;
	v18 =	vmul.f32 v18, v13  }
0x73: {  	v41 =	vmul.f32 v33, v13;
	v33 =	vld.idx.msk [tilespmem:v24+s16+$0x0], $0xffff;
	v24 =	vimm.f32 $0.0e+00;
	v12 =	vadd.f32 v15, v10  }
0x74: {  	v15 =	vadd.s32 $0x8000, v31;
	v11 =	vadd.f32 v11, v10;
	v31 =	vmul.f32 v23, v13  }
0x75: {  	v23 =	vand.u32 $0x7FFFFFFF, v28;
	v16 =	vadd.f32 v21, v10;
	v29 =	vand.u32 $0xFFFF0000, v15  }
0x76: {  	v15 =	vmul.f32 v20, v13;
	v20 =	vand.u32 $0x7FFFFFFF, v22;
	v22 =	vand.u32 $0xFFFF0000, v17  }
0x77: {  	s25 =	sshll.u32 s28, $0x7;
	v36 =	vadd.s32 $0x8000, v23;
	v23 =	vand.u32 $0x7FFFFFFF, v34;
	v34 =	vand.u32 $0xFFFF0000, v62  }
0x78: {  	s1 =	sand.u32 $0x3FFFFF80, s25;
	v20 =	vadd.s32 $0x8000, v20;
	v28 =	vmul.f32 v22, v13;
	v22 =	vadd.f32 v18, v10  }
0x79: {  	v25 =	vld [tilespmem:s1+$0x6900];
	v18 =	vadd.s32 $0x8000, v32;
	v39 =	vmul.f32 v34, v13;
	v21 =	vadd.f32 v31, v10  }
0x7a: {  	v34 =	vld.idx.msk [tilespmem:v27+s16+$0x0], $0xffff;
	v31 =	vimm.f32 $0.0e+00;
	v27 =	vimm.f32 $0.0e+00;
	v20 =	vand.u32 $0xFFFF0000, v20  }
0x7b: {  	v32 =	vld.idx.msk [tilespmem:v19+s16+$0x0], $0xffff;
	v17 =	vadd.f32 v15, v10;
	v35 =	vand.u32 $0xFFFF0000, v18;
	v15 =	vmul.f32 v20, v13  }
0x7c: {  	v20 =	vand.u32 $0xFFFF0000, v30;
	v30 =	vadd.s32 $0x8000, v23;
	v37 =	vmul.f32 v35, v13;
	v35 =	vld.idx.msk [tilespmem:v26+s16+$0x0], $0xffff  }
0x7d: {  	v18 =	vld [tilespmem:s1+$0x6930];
	v19 =	vadd.f32 v28, v10;
	v26 =	vimm.f32 $0.0e+00;
	v20 =	vmul.f32 v20, v13  }
0x7e: {  	v23 =	vld [tilespmem:s1+$0x6910];
	v28 =	vimm.f32 $0.0e+00;
	v30 =	vand.u32 $0xFFFF0000, v30;
	v15 =	vadd.f32 v15, v10  }
0x7f: {  	s31 =	simm.s32 $0x10;
	s30 =	simm.s32 $0x10;
	v38 =	vmul.f32 v30, v13;
	v30 =	vimm.f32 $0.0e+00;
	v14 =	vadd.f32 v20, v10;
	v20 =	vld [tilespmem:s1+$0x6920];
	s1 =	simm.s32 $0x1802  }
.LBB2_8:
0x80: {  	v42 =	vld [tilespmem:s31+$0x0];
	s15 =	sand.u32 $0x7F0, s30;
	p2 =	sne.s32 s1, $0x1880;
	v36 =	vand.u32 $0xFFFF0000, v36;
	v40 =	vmul.f32 v40, v13;
	v10 =	vadd.f32 v41, v10;
	s2 =	sadd.s32 $0x10, s2;
	v41 =	vmovc v32;
	v43 =	vmovc v33  }
0x81: {  	s24 =	sadd.s32 $0xFFFFE800, s1;
	s25 =	smov.u32 s1;
	s1 =	sadd.s32 $0x1, s1;
	v44 =	vld [tilespmem:s15+$0x1800];
	v36 =	vmul.f32 v36, v13;
	v26 =	vadd.f32 v38, v26;
	v13 =	vmul.f32 v29, v13;
	v29 =	vmovc v35  }
0x82: {  	v30 =	vadd.f32 v39, v30;
	v45 =	vadd.s32 s24, v0;
	s24 =	sadd.s32 $0xFFFFF000, s25;
	v38 =	vld [tilespmem:s15+$0x1000];
	v28 =	vadd.f32 v40, v28  }
0x83: {  	v24 =	vadd.f32 v37, v24;
	v40 =	vadd.s32 s24, v0;
	v39 =	vld [tilespmem:s15+$0x800];
	s15 =	sadd.s32 $0xFFFFF800, s25;
	v31 =	vadd.f32 v36, v31  }
0x84: {  	v27 =	vadd.f32 v13, v27;
	v36 =	vadd.s32 s15, v0  }
0x85: {  	v37 =	vsub.f32 v32, v42;
	v13 =	vsub.f32 v34, v42  }
0x86: {  	v46 =	vadd.s32 s25, v0;
	v47 =	vsub.f32 v33, v42;
	v42 =	vsub.f32 v35, v42  }
0x87: {  	v32 =	vld.idx.msk [tilespmem:v45+s16+$0x0], $0xffff;
	v45 =	vsub.f32 v41, v44;
	v13 =	vand.u32 $0x7FFFFFFF, v13;
	v48 =	vsub.f32 v34, v38  }
0x88: {  	v49 =	vsub.f32 v43, v44;
	v33 =	vld.idx.msk [tilespmem:v40+s16+$0x0], $0xffff;
	v40 =	vsub.f32 v41, v38;
	v50 =	vadd.s32 $0x8000, v13  }
0x89: {  	v51 =	vsub.f32 v34, v39;
	v35 =	vld.idx.msk [tilespmem:v36+s16+$0x0], $0xffff;
	v36 =	vsub.f32 v29, v38;
	v48 =	vand.u32 $0x7FFFFFFF, v48  }
0x8a: {  	v52 =	vsub.f32 v29, v44;
	v37 =	vand.u32 $0x7FFFFFFF, v37;
	v42 =	vand.u32 $0x7FFFFFFF, v42;
	v13 =	vld [tilespmem:s2+$0x0]  }
0x8b: {  	v44 =	vsub.f32 v34, v44;
	v42 =	vadd.s32 $0x8000, v42;
	v45 =	vand.u32 $0x7FFFFFFF, v45;
	v34 =	vld.idx.msk [tilespmem:v46+s16+$0x0], $0xffff  }
0x8c: {  	v42 =	vand.u32 $0xFFFF0000, v42;
	v46 =	vand.u32 $0x7FFFFFFF, v49;
	v49 =	vand.u32 $0x7FFFFFFF, v52  }
0x8d: {  	v38 =	vsub.f32 v43, v38;
	v44 =	vand.u32 $0x7FFFFFFF, v44;
	v46 =	vadd.s32 $0x8000, v46  }
0x8e: {  	v36 =	vand.u32 $0x7FFFFFFF, v36;
	v49 =	vadd.s32 $0x8000, v49;
	v46 =	vand.u32 $0xFFFF0000, v46  }
0x8f: {  	v38 =	vand.u32 $0x7FFFFFFF, v38;
	v49 =	vand.u32 $0xFFFF0000, v49;
	v46 =	vmul.f32 v46, v13  }
0x90: {  	v44 =	vadd.s32 $0x8000, v44;
	v52 =	vsub.f32 v29, v39;
	v49 =	vmul.f32 v49, v13  }
0x91: {  	v29 =	vadd.s32 $0x8000, v37;
	v36 =	vadd.s32 $0x8000, v36;
	v12 =	vadd.f32 v46, v12  }
0x92: {  	v37 =	vand.u32 $0xFFFF0000, v29;
	v29 =	vand.u32 $0xFFFF0000, v36;
	v11 =	vadd.f32 v49, v11  }
0x93: {  	v36 =	vmul.f32 v37, v13;
	v37 =	vand.u32 $0x7FFFFFFF, v47;
	v46 =	vadd.s32 $0x8000, v48  }
0x94: {  	v44 =	vand.u32 $0xFFFF0000, v44;
	v42 =	vmul.f32 v42, v13;
	v37 =	vadd.s32 $0x8000, v37  }
0x95: {  	v40 =	vand.u32 $0x7FFFFFFF, v40;
	v45 =	vadd.s32 $0x8000, v45;
	v37 =	vand.u32 $0xFFFF0000, v37  }
0x96: {  	v47 =	vand.u32 $0xFFFF0000, v50;
	v17 =	vadd.f32 v36, v17;
	v37 =	vmul.f32 v37, v13  }
0x97: {  	v36 =	vadd.s32 $0x8000, v40;
	v40 =	vand.u32 $0x7FFFFFFF, v52;
	v46 =	vand.u32 $0xFFFF0000, v46  }
0x98: {  	v15 =	vadd.f32 v37, v15;
	v37 =	vsub.f32 v43, v39;
	v43 =	vmul.f32 v44, v13  }
0x99: {  	v39 =	vsub.f32 v41, v39;
	v41 =	vand.u32 $0xFFFF0000, v45;
	v44 =	vmul.f32 v46, v13  }
0x9a: {  	v40 =	vadd.s32 $0x8000, v40;
	v45 =	vmul.f32 v47, v13;
	v41 =	vmul.f32 v41, v13  }
0x9b: {  	v46 =	vand.u32 $0x7FFFFFFF, v51;
	v39 =	vand.u32 $0x7FFFFFFF, v39;
	v37 =	vand.u32 $0x7FFFFFFF, v37  }
0x9c: {  	v39 =	vadd.s32 $0x8000, v39;
	v22 =	vadd.f32 v41, v22;
	v37 =	vadd.s32 $0x8000, v37  }
.Ltmp5:
0x9d: {  	v47 =	vand.u32 $0xFFFF0000, v40;
	v40 =	vadd.s32 $0x8000, v46;
	v14 =	vadd.f32 v45, v14;
	(pc) =	sbr.rel @p2 .LBB2_8-.Ltmp5, $4  }
0x9e: {  	v38 =	vadd.s32 $0x8000, v38;
	v45 =	vand.u32 $0xFFFF0000, v40;
	v39 =	vand.u32 $0xFFFF0000, v39  }
0x9f: {  	v16 =	vadd.f32 v44, v16;
	v40 =	vand.u32 $0xFFFF0000, v37;
	v37 =	vand.u32 $0xFFFF0000, v38  }
0xa0: {  	v21 =	vadd.f32 v42, v21;
	v39 =	vmul.f32 v39, v13;
	v41 =	vmul.f32 v37, v13  }
0xa1: {  	s30 =	sadd.s32 $0x10, s30;
	s31 =	sadd.s32 $0x10, s31;
	v19 =	vadd.f32 v43, v19;
	v38 =	vmul.f32 v47, v13;
	v37 =	vmul.f32 v45, v13  }
0xa2: {  	v32 =	vadd.s32 v3, v25;
	_ =	sdelay $0x1  }
0xa3: {  	v33 =	vadd.s32 v7, v25  }
0xa4: {  	v34 =	vand.u32 $0xFFFF0000, v36;
	v35 =	vadd.s32 v8, v25  }
0xa5: {  	v48 =	vadd.s32 v9, v25;
	v34 =	vmul.f32 v34, v13  }
0xa6: {  	v30 =	vadd.f32 v39, v30;
	v49 =	vadd.s32 v3, v23;
	[tilespmem:v32+s18+$0x0] =	vst.idx.add.f32.msk $0xffff, v6  }
0xa7: {  	v50 =	vadd.f32 v34, v31;
	[tilespmem:v32+s19+$0x0] =	vst.idx.add.f32.msk $0xffff, v17  }
0xa8: {  	v51 =	vadd.s32 v7, v23;
	[tilespmem:v33+s19+$0x0] =	vst.idx.add.f32.msk $0xffff, v30  }
0xa9: {  	v52 =	vmul.f32 v40, v13;
	v53 =	vadd.s32 v8, v23;
	[tilespmem:v35+s19+$0x0] =	vst.idx.add.f32.msk $0xffff, v50  }
0xaa: {  	v54 =	vadd.s32 v9, v23;
	[tilespmem:v48+s19+$0x0] =	vst.idx.add.f32.msk $0xffff, v22  }
0xab: {  	v56 =	vadd.s32 v3, v20;
	v55 =	vadd.f32 v52, v28;
	[tilespmem:v49+s18+$0x0] =	vst.idx.add.f32.msk $0xffff, v6  }
0xac: {  	v10 =	vadd.f32 v41, v10;
	[tilespmem:v49+s19+$0x0] =	vst.idx.add.f32.msk $0xffff, v15  }
0xad: {  	v57 =	vadd.s32 v7, v20;
	[tilespmem:v51+s19+$0x0] =	vst.idx.add.f32.msk $0xffff, v55  }
0xae: {  	[tilespmem:v53+s19+$0x0] =	vst.idx.add.f32.msk $0xffff, v10;
	v10 =	vadd.s32 v8, v20  }
0xaf: {  	v58 =	vmul.f32 v29, v13;
	v59 =	vadd.s32 v9, v20;
	[tilespmem:v54+s19+$0x0] =	vst.idx.add.f32.msk $0xffff, v12  }
0xb0: {  	v61 =	vadd.s32 v3, v18;
	v60 =	vadd.f32 v38, v26;
	[tilespmem:v56+s18+$0x0] =	vst.idx.add.f32.msk $0xffff, v6  }
0xb1: {  	v13 =	vadd.f32 v58, v27;
	[tilespmem:v56+s19+$0x0] =	vst.idx.add.f32.msk $0xffff, v21  }
0xb2: {  	v62 =	vadd.s32 v7, v18;
	[tilespmem:v57+s19+$0x0] =	vst.idx.add.f32.msk $0xffff, v60  }
0xb3: {  	[tilespmem:v10+s19+$0x0] =	vst.idx.add.f32.msk $0xffff, v13;
	v10 =	vadd.s32 v8, v18  }
0xb4: {  	[tilespmem:v59+s19+$0x0] =	vst.idx.add.f32.msk $0xffff, v11;
	v11 =	vadd.s32 v9, v18  }
0xb5: {  	v63 =	vadd.f32 v37, v24;
	[tilespmem:v61+s18+$0x0] =	vst.idx.add.f32.msk $0xffff, v6  }
0xb6: {  	[tilespmem:v61+s19+$0x0] =	vst.idx.add.f32.msk $0xffff, v14  }
0xb7: {  	[tilespmem:v62+s19+$0x0] =	vst.idx.add.f32.msk $0xffff, v63  }
0xb8: {  	[tilespmem:v10+s19+$0x0] =	vst.idx.add.f32.msk $0xffff, v16  }
0xb9: {  	[tilespmem:v11+s19+$0x0] =	vst.idx.add.f32.msk $0xffff, v19  }
.LBB2_10:
.Ltmp6:
0xba: {  	(pc) =	sbr.rel @p1 .LBB2_14-.Ltmp6, $1  }
0xbb: {  	_ =	sdelay $0x3  }
0xbc: {  	s0 =	sadd.s32 $0x2, s0  }
0xbd: {  	p1 =	sge.u32 s0, s6  }
0xbe: {  	s0 =	sshll.u32 @!p1 s0, $0xD  }
0xbf: {  	s0 =	sadd.s32 @!p1 s10, s0  }
0xc0: {  	s0 =	sshrl.u32 @!p1 s0, $0x3  }
0xc1: {  	s1 =	simm.s32 @!p1 $0x0;
	s2 =	simm.s32 @!p1 $0x2800;
	s0 =	sadd.s32 @!p1 s3, s0  }
0xc2: {  	[tilespmem:s2], [sflag:$0x1] =	stream.linear.gather @!p1 [hbm4b:s0+s1], $0x2000, $0x38;
	[tilespmem:$0x12700] =	vst v63  }
0xc3: {  	_ =	swait.ge [sflag:s20], $0x2000  }
0xc4: {  	[sflag:s20] =	ssyncset.done $0x0  }
0xc5: {  	[sflag:s20] =	ssyncadd.s32 $0xFFFFE000  }
0xc6: {  	v15 =	vld.idx.msk [tilespmem:v0+s21+$0x0], $0xffff  }
0xc7: {  	v17 =	vld.idx.msk [tilespmem:v2+s21+$0x0], $0xffff  }
0xc8: {  	v11 =	vld.idx.msk [tilespmem:v4+s21+$0x0], $0xffff  }
0xc9: {  	s25 =	simm.s32 $0x0;
	v12 =	vld.idx.msk [tilespmem:v5+s21+$0x0], $0xffff  }
0xca: {  	s0 =	sand.u32 $0x7F0, s25;
	v13 =	vld [tilespmem:s25+$0x0]  }
0xcb: {  	v14 =	vld [tilespmem:s0+$0x1800]  }
0xcc: {  	v16 =	vld [tilespmem:s0+$0x1000];
	_ =	sdelay $0x1  }
0xcd: {  	v18 =	vld [tilespmem:s0+$0x800]  }
0xce: {  	s30 =	simm.s32 $0x1;
	v10 =	vimm.f32 $0.0e+00;
	v20 =	vsub.f32 v15, v13;
	v21 =	vsub.f32 v12, v13  }
0xcf: {  	s31 =	simm.s32 $0x801;
	v19 =	vadd.s32 s30, v0;
	v22 =	vsub.f32 v17, v13;
	v23 =	vsub.f32 v11, v13  }
0xd0: {  	s15 =	simm.s32 $0x1001;
	v25 =	vadd.s32 s31, v0;
	v24 =	vsub.f32 v15, v14;
	v28 =	vsub.f32 v15, v16  }
0xd1: {  	s24 =	simm.s32 $0x1801;
	v26 =	vadd.s32 s15, v0;
	v29 =	vsub.f32 v17, v14;
	v31 =	vsub.f32 v11, v16  }
0xd2: {  	v27 =	vadd.s32 s24, v0;
	v32 =	vsub.f32 v12, v18;
	v33 =	vsub.f32 v11, v14  }
0xd3: {  	v34 =	vsub.f32 v11, v18;
	v15 =	vsub.f32 v15, v18;
	v13 =	vand.u32 $0x7FFFFFFF, v21  }
0xd4: {  	v21 =	vsub.f32 v12, v16;
	v20 =	vand.u32 $0x7FFFFFFF, v20;
	v23 =	vand.u32 $0x7FFFFFFF, v23  }
0xd5: {  	v24 =	vand.u32 $0x7FFFFFFF, v24;
	v12 =	vsub.f32 v12, v14;
	v14 =	vand.u32 $0x7FFFFFFF, v29  }
0xd6: {  	v29 =	vand.u32 $0x7FFFFFFF, v33;
	v16 =	vsub.f32 v17, v16;
	v31 =	vand.u32 $0x7FFFFFFF, v31  }
0xd7: {  	v28 =	vand.u32 $0x7FFFFFFF, v28;
	v17 =	vsub.f32 v17, v18;
	v15 =	vand.u32 $0x7FFFFFFF, v15  }
0xd8: {  	v32 =	vand.u32 $0x7FFFFFFF, v32;
	v30 =	vadd.s32 $0x8000, v13;
	v23 =	vadd.s32 $0x8000, v23  }
0xd9: {  	v14 =	vadd.s32 $0x8000, v14;
	v29 =	vadd.s32 $0x8000, v29;
	v20 =	vadd.s32 $0x8000, v20  }
0xda: {  	s0 =	simm.s32 $0x2000;
	v24 =	vadd.s32 $0x8000, v24;
	v36 =	vadd.s32 $0x8000, v28;
	v28 =	vand.u32 $0x7FFFFFFF, v34  }
0xdb: {  	v13 =	vld [tilespmem:s0+$0x0];
	v62 =	vadd.s32 $0x8000, v15;
	v21 =	vand.u32 $0x7FFFFFFF, v21;
	v23 =	vand.u32 $0xFFFF0000, v23  }
0xdc: {  	v12 =	vand.u32 $0x7FFFFFFF, v12;
	v14 =	vand.u32 $0xFFFF0000, v14;
	v61 =	vand.u32 $0x7FFFFFFF, v16  }
0xdd: {  	v16 =	vand.u32 $0xFFFF0000, v29;
	v20 =	vand.u32 $0xFFFF0000, v20;
	v18 =	vand.u32 $0xFFFF0000, v24  }
0xde: {  	v28 =	vadd.s32 $0x8000, v28;
	v17 =	vand.u32 $0x7FFFFFFF, v17;
	v34 =	vand.u32 $0xFFFF0000, v62  }
0xdf: {  	v21 =	vadd.s32 $0x8000, v21;
	v17 =	vadd.s32 $0x8000, v17;
	v28 =	vand.u32 $0xFFFF0000, v28  }
0xe0: {  	v63 =	vadd.s32 $0x8000, v61;
	v21 =	vand.u32 $0xFFFF0000, v21;
	v14 =	vmul.f32 v14, v13  }
0xe1: {  	v40 =	vand.u32 $0xFFFF0000, v17;
	v11 =	vmul.f32 v16, v13;
	v23 =	vmul.f32 v23, v13  }
0xe2: {  	v33 =	vand.u32 $0xFFFF0000, v63;
	v18 =	vmul.f32 v18, v13;
	v39 =	vmul.f32 v34, v13  }
0xe3: {  	v16 =	vadd.s32 $0x8000, v12;
	v41 =	vmul.f32 v33, v13;
	v33 =	vld.idx.msk [tilespmem:v25+s21+$0x0], $0xffff;
	v38 =	vmul.f32 v28, v13  }
0xe4: {  	v28 =	vimm.f32 $0.0e+00;
	v34 =	vld.idx.msk [tilespmem:v27+s21+$0x0], $0xffff;
	v25 =	vimm.f32 $0.0e+00;
	v27 =	vimm.f32 $0.0e+00  }
0xe5: {  	v12 =	vadd.f32 v14, v10;
	v14 =	vadd.s32 $0x8000, v31;
	v11 =	vadd.f32 v11, v10  }
0xe6: {  	v31 =	vmul.f32 v21, v13;
	v21 =	vadd.f32 v18, v10;
	v18 =	vadd.s32 $0x8000, v32  }
0xe7: {  	s25 =	sshll.u32 s29, $0x6;
	v29 =	vand.u32 $0xFFFF0000, v14;
	v14 =	vmul.f32 v20, v13;
	v20 =	vand.u32 $0x7FFFFFFF, v22  }
0xe8: {  	v24 =	vld [tilespmem:s25+$0x6900];
	v23 =	vadd.f32 v23, v10;
	v35 =	vand.u32 $0xFFFF0000, v18;
	v20 =	vadd.s32 $0x8000, v20  }
0xe9: {  	v32 =	vld.idx.msk [tilespmem:v19+s21+$0x0], $0xffff;
	v22 =	vand.u32 $0xFFFF0000, v16;
	v37 =	vmul.f32 v35, v13;
	v20 =	vand.u32 $0xFFFF0000, v20  }
0xea: {  	s1 =	sor.u32 $0x70, s25;
	v35 =	vld.idx.msk [tilespmem:v26+s21+$0x0], $0xffff;
	v16 =	vadd.f32 v14, v10;
	v14 =	vmul.f32 v20, v13;
	v20 =	vand.u32 $0xFFFF0000, v30  }
0xeb: {  	s30 =	sor.u32 $0x50, s25;
	v18 =	vld [tilespmem:s1+$0x6900];
	v17 =	vadd.f32 v31, v10;
	v30 =	vmul.f32 v22, v13;
	v20 =	vmul.f32 v20, v13  }
0xec: {  	s31 =	sor.u32 $0x60, s25;
	v26 =	vimm.f32 $0.0e+00;
	v31 =	vimm.f32 $0.0e+00;
	v22 =	vld [tilespmem:s30+$0x6900];
	v14 =	vadd.f32 v14, v10  }
0xed: {  	s2 =	simm.s32 $0x10;
	s29 =	simm.s32 $0x10;
	s1 =	simm.s32 $0x1802;
	v19 =	vadd.f32 v30, v10;
	v30 =	vimm.f32 $0.0e+00;
	v15 =	vadd.f32 v20, v10;
	v20 =	vld [tilespmem:s31+$0x6900]  }
.LBB2_12:
0xee: {  	v42 =	vld [tilespmem:s29+$0x0];
	s15 =	sand.u32 $0x7F0, s2;
	p1 =	sne.s32 s1, $0x1880;
	v36 =	vand.u32 $0xFFFF0000, v36;
	v40 =	vmul.f32 v40, v13;
	v10 =	vadd.f32 v41, v10;
	s0 =	sadd.s32 $0x10, s0;
	v41 =	vmovc v32;
	v43 =	vmovc v33  }
0xef: {  	s24 =	sadd.s32 $0xFFFFE800, s1;
	s25 =	smov.u32 s1;
	s1 =	sadd.s32 $0x1, s1;
	v44 =	vld [tilespmem:s15+$0x1800];
	v36 =	vmul.f32 v36, v13;
	v26 =	vadd.f32 v38, v26;
	v13 =	vmul.f32 v29, v13;
	v29 =	vmovc v35  }
0xf0: {  	v30 =	vadd.f32 v39, v30;
	v45 =	vadd.s32 s24, v0;
	s24 =	sadd.s32 $0xFFFFF000, s25;
	v38 =	vld [tilespmem:s15+$0x1000];
	v28 =	vadd.f32 v40, v28  }
0xf1: {  	v25 =	vadd.f32 v37, v25;
	v40 =	vadd.s32 s24, v0;
	v39 =	vld [tilespmem:s15+$0x800];
	s15 =	sadd.s32 $0xFFFFF800, s25;
	v31 =	vadd.f32 v36, v31  }
0xf2: {  	v27 =	vadd.f32 v13, v27;
	v36 =	vadd.s32 s15, v0  }
0xf3: {  	v37 =	vsub.f32 v32, v42;
	v13 =	vsub.f32 v34, v42  }
0xf4: {  	v46 =	vadd.s32 s25, v0;
	v47 =	vsub.f32 v33, v42;
	v42 =	vsub.f32 v35, v42  }
0xf5: {  	v32 =	vld.idx.msk [tilespmem:v45+s21+$0x0], $0xffff;
	v45 =	vsub.f32 v41, v44;
	v13 =	vand.u32 $0x7FFFFFFF, v13;
	v48 =	vsub.f32 v34, v38  }
0xf6: {  	v49 =	vsub.f32 v43, v44;
	v33 =	vld.idx.msk [tilespmem:v40+s21+$0x0], $0xffff;
	v40 =	vsub.f32 v41, v38;
	v50 =	vadd.s32 $0x8000, v13  }
0xf7: {  	v51 =	vsub.f32 v34, v39;
	v35 =	vld.idx.msk [tilespmem:v36+s21+$0x0], $0xffff;
	v36 =	vsub.f32 v29, v38;
	v48 =	vand.u32 $0x7FFFFFFF, v48  }
0xf8: {  	v52 =	vsub.f32 v29, v44;
	v37 =	vand.u32 $0x7FFFFFFF, v37;
	v42 =	vand.u32 $0x7FFFFFFF, v42;
	v13 =	vld [tilespmem:s0+$0x0]  }
0xf9: {  	v44 =	vsub.f32 v34, v44;
	v42 =	vadd.s32 $0x8000, v42;
	v45 =	vand.u32 $0x7FFFFFFF, v45;
	v34 =	vld.idx.msk [tilespmem:v46+s21+$0x0], $0xffff  }
0xfa: {  	v42 =	vand.u32 $0xFFFF0000, v42;
	v46 =	vand.u32 $0x7FFFFFFF, v49;
	v49 =	vand.u32 $0x7FFFFFFF, v52  }
0xfb: {  	v38 =	vsub.f32 v43, v38;
	v44 =	vand.u32 $0x7FFFFFFF, v44;
	v46 =	vadd.s32 $0x8000, v46  }
0xfc: {  	v36 =	vand.u32 $0x7FFFFFFF, v36;
	v49 =	vadd.s32 $0x8000, v49;
	v46 =	vand.u32 $0xFFFF0000, v46  }
0xfd: {  	v38 =	vand.u32 $0x7FFFFFFF, v38;
	v49 =	vand.u32 $0xFFFF0000, v49;
	v46 =	vmul.f32 v46, v13  }
0xfe: {  	v44 =	vadd.s32 $0x8000, v44;
	v52 =	vsub.f32 v29, v39;
	v49 =	vmul.f32 v49, v13  }
0xff: {  	v29 =	vadd.s32 $0x8000, v37;
	v36 =	vadd.s32 $0x8000, v36;
	v12 =	vadd.f32 v46, v12  }
0x100: {  	v37 =	vand.u32 $0xFFFF0000, v29;
	v29 =	vand.u32 $0xFFFF0000, v36;
	v11 =	vadd.f32 v49, v11  }
0x101: {  	v36 =	vmul.f32 v37, v13;
	v37 =	vand.u32 $0x7FFFFFFF, v47;
	v46 =	vadd.s32 $0x8000, v48  }
0x102: {  	v44 =	vand.u32 $0xFFFF0000, v44;
	v42 =	vmul.f32 v42, v13;
	v37 =	vadd.s32 $0x8000, v37  }
0x103: {  	v40 =	vand.u32 $0x7FFFFFFF, v40;
	v45 =	vadd.s32 $0x8000, v45;
	v37 =	vand.u32 $0xFFFF0000, v37  }
0x104: {  	v47 =	vand.u32 $0xFFFF0000, v50;
	v16 =	vadd.f32 v36, v16;
	v37 =	vmul.f32 v37, v13  }
0x105: {  	v36 =	vadd.s32 $0x8000, v40;
	v40 =	vand.u32 $0x7FFFFFFF, v52;
	v46 =	vand.u32 $0xFFFF0000, v46  }
0x106: {  	v14 =	vadd.f32 v37, v14;
	v37 =	vsub.f32 v43, v39;
	v43 =	vmul.f32 v44, v13  }
0x107: {  	v39 =	vsub.f32 v41, v39;
	v41 =	vand.u32 $0xFFFF0000, v45;
	v44 =	vmul.f32 v46, v13  }
0x108: {  	v40 =	vadd.s32 $0x8000, v40;
	v45 =	vmul.f32 v47, v13;
	v41 =	vmul.f32 v41, v13  }
0x109: {  	v46 =	vand.u32 $0x7FFFFFFF, v51;
	v39 =	vand.u32 $0x7FFFFFFF, v39;
	v37 =	vand.u32 $0x7FFFFFFF, v37  }
0x10a: {  	v39 =	vadd.s32 $0x8000, v39;
	v21 =	vadd.f32 v41, v21;
	v37 =	vadd.s32 $0x8000, v37  }
.Ltmp7:
0x10b: {  	v47 =	vand.u32 $0xFFFF0000, v40;
	v40 =	vadd.s32 $0x8000, v46;
	v15 =	vadd.f32 v45, v15;
	(pc) =	sbr.rel @p1 .LBB2_12-.Ltmp7, $4  }
0x10c: {  	v38 =	vadd.s32 $0x8000, v38;
	v45 =	vand.u32 $0xFFFF0000, v40;
	v39 =	vand.u32 $0xFFFF0000, v39  }
0x10d: {  	v17 =	vadd.f32 v44, v17;
	v40 =	vand.u32 $0xFFFF0000, v37;
	v37 =	vand.u32 $0xFFFF0000, v38  }
0x10e: {  	v23 =	vadd.f32 v42, v23;
	v39 =	vmul.f32 v39, v13;
	v41 =	vmul.f32 v37, v13  }
0x10f: {  	s2 =	sadd.s32 $0x10, s2;
	s29 =	sadd.s32 $0x10, s29;
	v19 =	vadd.f32 v43, v19;
	v38 =	vmul.f32 v47, v13;
	v37 =	vmul.f32 v45, v13  }
0x110: {  	v32 =	vadd.s32 v3, v24;
	_ =	sdelay $0x1  }
0x111: {  	v33 =	vadd.s32 v7, v24  }
0x112: {  	v34 =	vand.u32 $0xFFFF0000, v36;
	v35 =	vadd.s32 v8, v24  }
0x113: {  	v48 =	vadd.s32 v9, v24;
	v34 =	vmul.f32 v34, v13  }
0x114: {  	v30 =	vadd.f32 v39, v30;
	v49 =	vadd.s32 v3, v22;
	[tilespmem:v32+s18+$0x0] =	vst.idx.add.f32.msk $0xffff, v6  }
0x115: {  	v50 =	vadd.f32 v34, v31;
	[tilespmem:v32+s19+$0x0] =	vst.idx.add.f32.msk $0xffff, v16  }
0x116: {  	v51 =	vadd.s32 v7, v22;
	[tilespmem:v33+s19+$0x0] =	vst.idx.add.f32.msk $0xffff, v30  }
0x117: {  	v52 =	vmul.f32 v40, v13;
	v53 =	vadd.s32 v8, v22;
	[tilespmem:v35+s19+$0x0] =	vst.idx.add.f32.msk $0xffff, v50  }
0x118: {  	v54 =	vadd.s32 v9, v22;
	[tilespmem:v48+s19+$0x0] =	vst.idx.add.f32.msk $0xffff, v21  }
0x119: {  	v56 =	vadd.s32 v3, v20;
	v55 =	vadd.f32 v52, v28;
	[tilespmem:v49+s18+$0x0] =	vst.idx.add.f32.msk $0xffff, v6  }
0x11a: {  	v10 =	vadd.f32 v41, v10;
	[tilespmem:v49+s19+$0x0] =	vst.idx.add.f32.msk $0xffff, v14  }
0x11b: {  	v57 =	vadd.s32 v7, v20;
	[tilespmem:v51+s19+$0x0] =	vst.idx.add.f32.msk $0xffff, v55  }
0x11c: {  	[tilespmem:v53+s19+$0x0] =	vst.idx.add.f32.msk $0xffff, v10;
	v10 =	vadd.s32 v8, v20  }
0x11d: {  	v58 =	vmul.f32 v29, v13;
	v59 =	vadd.s32 v9, v20;
	[tilespmem:v54+s19+$0x0] =	vst.idx.add.f32.msk $0xffff, v12  }
0x11e: {  	v61 =	vadd.s32 v3, v18;
	v60 =	vadd.f32 v38, v26;
	[tilespmem:v56+s18+$0x0] =	vst.idx.add.f32.msk $0xffff, v6  }
0x11f: {  	v13 =	vadd.f32 v58, v27;
	[tilespmem:v56+s19+$0x0] =	vst.idx.add.f32.msk $0xffff, v23  }
0x120: {  	v62 =	vadd.s32 v7, v18;
	[tilespmem:v57+s19+$0x0] =	vst.idx.add.f32.msk $0xffff, v60  }
0x121: {  	[tilespmem:v10+s19+$0x0] =	vst.idx.add.f32.msk $0xffff, v13;
	v10 =	vadd.s32 v8, v18  }
0x122: {  	[tilespmem:v59+s19+$0x0] =	vst.idx.add.f32.msk $0xffff, v11;
	v11 =	vadd.s32 v9, v18  }
.Ltmp8:
0x123: {  	v63 =	vadd.f32 v37, v25;
	[tilespmem:v61+s18+$0x0] =	vst.idx.add.f32.msk $0xffff, v6;
	(pc) =	sbr.rel .LBB2_14-.Ltmp8, $4  }
0x124: {  	[tilespmem:v61+s19+$0x0] =	vst.idx.add.f32.msk $0xffff, v15  }
0x125: {  	[tilespmem:v62+s19+$0x0] =	vst.idx.add.f32.msk $0xffff, v63  }
0x126: {  	[tilespmem:v10+s19+$0x0] =	vst.idx.add.f32.msk $0xffff, v17  }
0x127: {  	[tilespmem:v11+s19+$0x0] =	vst.idx.add.f32.msk $0xffff, v19  }
.LBB2_15:
0x128: {  	s28 =	simm.s32 $0x10D00  }
0x129: {  	v10 =	vld [tilespmem:s28+$0xFFFFF200]  }
0x12a: {  	v11 =	vld [tilespmem:s28+$0xFFFFF000];
	_ =	sdelay $0x1  }
0x12b: {  	v12 =	vld [tilespmem:s28+$0xFFFFF400];
	_ =	sdelay $0x1  }
0x12c: {  	v13 =	vld [tilespmem:s28+$0xFFFFF600]  }
0x12d: {  	v10 =	vadd.f32 v10, v11  }
0x12e: {  	v11 =	vld [tilespmem:s28+$0xFFFFF800]  }
0x12f: {  	v10 =	vadd.f32 v12, v10  }
0x130: {  	v12 =	vld [tilespmem:s28+$0xFFFFFA00]  }
0x131: {  	v10 =	vadd.f32 v13, v10  }
0x132: {  	v13 =	vld [tilespmem:s28+$0xFFFFFC00]  }
0x133: {  	v10 =	vadd.f32 v11, v10  }
0x134: {  	v11 =	vld [tilespmem:s28+$0xFFFFFE00]  }
0x135: {  	v10 =	vadd.f32 v12, v10  }
0x136: {  	v12 =	vld [tilespmem:s28+$0x0]  }
0x137: {  	v10 =	vadd.f32 v13, v10  }
0x138: {  	v13 =	vld [tilespmem:s28+$0x200]  }
0x139: {  	v10 =	vadd.f32 v11, v10  }
0x13a: {  	v11 =	vld [tilespmem:s28+$0x400]  }
0x13b: {  	v10 =	vadd.f32 v12, v10  }
0x13c: {  	v12 =	vld [tilespmem:s28+$0x600]  }
0x13d: {  	v10 =	vadd.f32 v13, v10  }
0x13e: {  	v13 =	vld [tilespmem:s28+$0x800]  }
0x13f: {  	v10 =	vadd.f32 v11, v10  }
0x140: {  	v11 =	vld [tilespmem:s28+$0xA00]  }
0x141: {  	v10 =	vadd.f32 v12, v10  }
0x142: {  	v12 =	vld [tilespmem:s28+$0xC00]  }
0x143: {  	v10 =	vadd.f32 v13, v10  }
0x144: {  	v13 =	vld [tilespmem:s28+$0xE00]  }
0x145: {  	v10 =	vadd.f32 v11, v10;
	_ =	sdelay $0x1  }
0x146: {  	v10 =	vadd.f32 v12, v10;
	_ =	sdelay $0x1  }
0x147: {  	v10 =	vadd.f32 v13, v10  }
0x148: {  	s29 =	simm.s32 $0x12500  }
0x149: {  	s0 =	simm.s32 $0x8D00;
	[tilespmem:s29+$0x0] =	vst v10  }
0x14a: {  	v10 =	vld [tilespmem:s0+$0xFFFFF000]  }
0x14b: {  	v11 =	vld [tilespmem:s0+$0xFFFFF200];
	_ =	sdelay $0x1  }
0x14c: {  	v12 =	vld [tilespmem:s0+$0xFFFFF400];
	_ =	sdelay $0x1  }
0x14d: {  	v13 =	vld [tilespmem:s0+$0xFFFFF600]  }
0x14e: {  	v10 =	vadd.f32 v11, v10  }
0x14f: {  	v11 =	vld [tilespmem:s0+$0xFFFFF800]  }
0x150: {  	v10 =	vadd.f32 v12, v10  }
0x151: {  	v12 =	vld [tilespmem:s0+$0xFFFFFA00]  }
0x152: {  	v10 =	vadd.f32 v13, v10  }
0x153: {  	v13 =	vld [tilespmem:s0+$0xFFFFFC00]  }
0x154: {  	v10 =	vadd.f32 v11, v10  }
0x155: {  	v11 =	vld [tilespmem:s0+$0xFFFFFE00]  }
0x156: {  	v10 =	vadd.f32 v12, v10  }
0x157: {  	v12 =	vld [tilespmem:s0+$0x0]  }
0x158: {  	v10 =	vadd.f32 v13, v10  }
0x159: {  	v13 =	vld [tilespmem:s0+$0x200]  }
0x15a: {  	v10 =	vadd.f32 v11, v10  }
0x15b: {  	v11 =	vld [tilespmem:s0+$0x400]  }
0x15c: {  	v10 =	vadd.f32 v12, v10  }
0x15d: {  	v12 =	vld [tilespmem:s0+$0x600]  }
0x15e: {  	v10 =	vadd.f32 v13, v10  }
0x15f: {  	v13 =	vld [tilespmem:s0+$0x800]  }
0x160: {  	v10 =	vadd.f32 v11, v10  }
0x161: {  	v11 =	vld [tilespmem:s0+$0xA00]  }
0x162: {  	v10 =	vadd.f32 v12, v10  }
0x163: {  	v12 =	vld [tilespmem:s0+$0xC00]  }
0x164: {  	v10 =	vadd.f32 v13, v10  }
0x165: {  	v13 =	vld [tilespmem:s0+$0xE00]  }
0x166: {  	v10 =	vadd.f32 v11, v10;
	_ =	sdelay $0x1  }
0x167: {  	v10 =	vadd.f32 v12, v10;
	_ =	sdelay $0x1  }
0x168: {  	v10 =	vadd.f32 v13, v10  }
0x169: {  	s25 =	simm.s32 $0x0;
	s30 =	simm.s32 $0x12100  }
0x16a: {  	s0 =	sand.u32 $0x1F0, s25;
	[tilespmem:s30+$0xFFFFFC00] =	vst v10  }
0x16b: {  	v10 =	vld [tilespmem:s0+$0x9D00]  }
0x16c: {  	v11 =	vld [tilespmem:s0+$0x9F00];
	_ =	sdelay $0x1  }
0x16d: {  	v12 =	vld [tilespmem:s0+$0xA100];
	_ =	sdelay $0x1  }
0x16e: {  	v13 =	vld [tilespmem:s0+$0xA300]  }
0x16f: {  	v10 =	vadd.f32 v11, v10  }
0x170: {  	v11 =	vld [tilespmem:s0+$0xA500]  }
0x171: {  	v10 =	vadd.f32 v12, v10  }
0x172: {  	v12 =	vld [tilespmem:s0+$0xA700]  }
0x173: {  	v10 =	vadd.f32 v13, v10  }
0x174: {  	v13 =	vld [tilespmem:s0+$0xA900]  }
0x175: {  	v10 =	vadd.f32 v11, v10  }
0x176: {  	v11 =	vld [tilespmem:s0+$0xAB00]  }
0x177: {  	v10 =	vadd.f32 v12, v10  }
0x178: {  	v12 =	vld [tilespmem:s0+$0xAD00]  }
0x179: {  	v10 =	vadd.f32 v13, v10  }
0x17a: {  	v13 =	vld [tilespmem:s0+$0xAF00]  }
0x17b: {  	v10 =	vadd.f32 v11, v10  }
0x17c: {  	v11 =	vld [tilespmem:s0+$0xB100]  }
0x17d: {  	v10 =	vadd.f32 v12, v10  }
0x17e: {  	v12 =	vld [tilespmem:s0+$0xB300]  }
0x17f: {  	v10 =	vadd.f32 v13, v10  }
0x180: {  	v13 =	vld [tilespmem:s0+$0xB500]  }
0x181: {  	v10 =	vadd.f32 v11, v10  }
0x182: {  	v11 =	vld [tilespmem:s0+$0xB700]  }
0x183: {  	v10 =	vadd.f32 v12, v10  }
0x184: {  	v12 =	vld [tilespmem:s0+$0xB900]  }
0x185: {  	v10 =	vadd.f32 v13, v10  }
0x186: {  	v13 =	vld [tilespmem:s0+$0xBB00]  }
0x187: {  	v10 =	vadd.f32 v11, v10;
	_ =	sdelay $0x1  }
0x188: {  	v10 =	vadd.f32 v12, v10;
	_ =	sdelay $0x1  }
0x189: {  	v10 =	vadd.f32 v13, v10;
	_ =	sdelay $0x1  }
0x18a: {  	[tilespmem:s30+$0xFFFFFE00] =	vst v10  }
0x18b: {  	v10 =	vld [tilespmem:s0+$0xBD00]  }
0x18c: {  	v11 =	vld [tilespmem:s0+$0xBF00];
	_ =	sdelay $0x1  }
0x18d: {  	v12 =	vld [tilespmem:s0+$0xC100];
	_ =	sdelay $0x1  }
0x18e: {  	v13 =	vld [tilespmem:s0+$0xC300]  }
0x18f: {  	v10 =	vadd.f32 v11, v10  }
0x190: {  	v11 =	vld [tilespmem:s0+$0xC500]  }
0x191: {  	v10 =	vadd.f32 v12, v10  }
0x192: {  	v12 =	vld [tilespmem:s0+$0xC700]  }
0x193: {  	v10 =	vadd.f32 v13, v10  }
0x194: {  	v13 =	vld [tilespmem:s0+$0xC900]  }
0x195: {  	v10 =	vadd.f32 v11, v10  }
0x196: {  	v11 =	vld [tilespmem:s0+$0xCB00]  }
0x197: {  	v10 =	vadd.f32 v12, v10  }
0x198: {  	v12 =	vld [tilespmem:s0+$0xCD00]  }
0x199: {  	v10 =	vadd.f32 v13, v10  }
0x19a: {  	v13 =	vld [tilespmem:s0+$0xCF00]  }
0x19b: {  	v10 =	vadd.f32 v11, v10  }
0x19c: {  	v11 =	vld [tilespmem:s0+$0xD100]  }
0x19d: {  	v10 =	vadd.f32 v12, v10  }
0x19e: {  	v12 =	vld [tilespmem:s0+$0xD300]  }
0x19f: {  	v10 =	vadd.f32 v13, v10  }
0x1a0: {  	v13 =	vld [tilespmem:s0+$0xD500]  }
0x1a1: {  	v10 =	vadd.f32 v11, v10  }
0x1a2: {  	v11 =	vld [tilespmem:s0+$0xD700]  }
0x1a3: {  	v10 =	vadd.f32 v12, v10  }
0x1a4: {  	v12 =	vld [tilespmem:s0+$0xD900]  }
0x1a5: {  	v10 =	vadd.f32 v13, v10  }
0x1a6: {  	v13 =	vld [tilespmem:s0+$0xDB00]  }
0x1a7: {  	v10 =	vadd.f32 v11, v10;
	_ =	sdelay $0x1  }
0x1a8: {  	v10 =	vadd.f32 v12, v10;
	_ =	sdelay $0x1  }
0x1a9: {  	v10 =	vadd.f32 v13, v10;
	_ =	sdelay $0x1  }
0x1aa: {  	[tilespmem:s30+$0x0] =	vst v10  }
0x1ab: {  	v10 =	vld [tilespmem:s0+$0xDD00]  }
0x1ac: {  	v11 =	vld [tilespmem:s0+$0xDF00];
	_ =	sdelay $0x1  }
0x1ad: {  	v12 =	vld [tilespmem:s0+$0xE100];
	_ =	sdelay $0x1  }
0x1ae: {  	v13 =	vld [tilespmem:s0+$0xE300]  }
0x1af: {  	v10 =	vadd.f32 v11, v10  }
0x1b0: {  	v11 =	vld [tilespmem:s0+$0xE500]  }
0x1b1: {  	v10 =	vadd.f32 v12, v10  }
0x1b2: {  	v12 =	vld [tilespmem:s0+$0xE700]  }
0x1b3: {  	v10 =	vadd.f32 v13, v10  }
0x1b4: {  	v13 =	vld [tilespmem:s0+$0xE900]  }
0x1b5: {  	v10 =	vadd.f32 v11, v10  }
0x1b6: {  	v11 =	vld [tilespmem:s0+$0xEB00]  }
0x1b7: {  	v10 =	vadd.f32 v12, v10  }
0x1b8: {  	v12 =	vld [tilespmem:s0+$0xED00]  }
0x1b9: {  	v10 =	vadd.f32 v13, v10  }
0x1ba: {  	v13 =	vld [tilespmem:s0+$0xEF00]  }
0x1bb: {  	v10 =	vadd.f32 v11, v10  }
0x1bc: {  	v11 =	vld [tilespmem:s0+$0xF100]  }
0x1bd: {  	v10 =	vadd.f32 v12, v10  }
0x1be: {  	v12 =	vld [tilespmem:s0+$0xF300]  }
0x1bf: {  	v10 =	vadd.f32 v13, v10  }
0x1c0: {  	v13 =	vld [tilespmem:s0+$0xF500]  }
0x1c1: {  	v10 =	vadd.f32 v11, v10  }
0x1c2: {  	v14 =	vld [tilespmem:s0+$0xF700]  }
0x1c3: {  	v10 =	vadd.f32 v12, v10  }
0x1c4: {  	v11 =	vld [tilespmem:s0+$0xF900]  }
0x1c5: {  	v12 =	vadd.f32 v13, v10  }
0x1c6: {  	v10 =	vld [tilespmem:s0+$0xFB00]  }
0x1c7: {  	s31 =	simm.s32 $0x10;
	s2 =	simm.s32 $0x12100;
	s0 =	simm.s32 $0x8D10;
	v12 =	vadd.f32 v14, v12  }
.LBB2_16:
0x1c8: {  	s29 =	sadd.s32 $0x10, s29;
	s30 =	sadd.s32 $0x10, s30;
	s28 =	sadd.s32 $0x10, s28  }
0x1c9: {  	p1 =	sne.s32 s31, $0x1F0;
	s1 =	smov.u32 s31;
	s31 =	sadd.s32 $0x10, s31;
	v11 =	vadd.f32 v11, v12  }
0x1ca: {  	_ = 	snop  }
0x1cb: {  	v10 =	vadd.f32 v10, v11;
	_ =	sdelay $0x1  }
0x1cc: {  	[tilespmem:s2+$0x200] =	vst v10;
	s2 =	smov.u32 s30  }
0x1cd: {  	v10 =	vld [tilespmem:s28+$0xFFFFF200]  }
0x1ce: {  	v11 =	vld [tilespmem:s28+$0xFFFFF000];
	_ =	sdelay $0x1  }
0x1cf: {  	v12 =	vld [tilespmem:s28+$0xFFFFF400];
	_ =	sdelay $0x1  }
0x1d0: {  	v13 =	vld [tilespmem:s28+$0xFFFFF600]  }
0x1d1: {  	v10 =	vadd.f32 v10, v11  }
0x1d2: {  	v11 =	vld [tilespmem:s28+$0xFFFFF800]  }
0x1d3: {  	v10 =	vadd.f32 v12, v10  }
0x1d4: {  	v12 =	vld [tilespmem:s28+$0xFFFFFA00]  }
0x1d5: {  	v10 =	vadd.f32 v13, v10  }
0x1d6: {  	v13 =	vld [tilespmem:s28+$0xFFFFFC00]  }
0x1d7: {  	v10 =	vadd.f32 v11, v10  }
0x1d8: {  	v11 =	vld [tilespmem:s28+$0xFFFFFE00]  }
0x1d9: {  	v10 =	vadd.f32 v12, v10  }
0x1da: {  	v12 =	vld [tilespmem:s28+$0x0]  }
0x1db: {  	v10 =	vadd.f32 v13, v10  }
0x1dc: {  	v13 =	vld [tilespmem:s28+$0x200]  }
0x1dd: {  	v10 =	vadd.f32 v11, v10  }
0x1de: {  	v11 =	vld [tilespmem:s28+$0x400]  }
0x1df: {  	v10 =	vadd.f32 v12, v10  }
0x1e0: {  	v12 =	vld [tilespmem:s28+$0x600]  }
0x1e1: {  	v10 =	vadd.f32 v13, v10  }
0x1e2: {  	v13 =	vld [tilespmem:s28+$0x800]  }
0x1e3: {  	v10 =	vadd.f32 v11, v10  }
0x1e4: {  	v11 =	vld [tilespmem:s28+$0xA00]  }
0x1e5: {  	v10 =	vadd.f32 v12, v10  }
0x1e6: {  	v12 =	vld [tilespmem:s28+$0xC00]  }
0x1e7: {  	v10 =	vadd.f32 v13, v10  }
0x1e8: {  	v13 =	vld [tilespmem:s28+$0xE00]  }
0x1e9: {  	v10 =	vadd.f32 v11, v10;
	_ =	sdelay $0x1  }
0x1ea: {  	v10 =	vadd.f32 v12, v10;
	_ =	sdelay $0x1  }
0x1eb: {  	v10 =	vadd.f32 v13, v10;
	_ =	sdelay $0x1  }
0x1ec: {  	[tilespmem:s29+$0x0] =	vst v10  }
0x1ed: {  	v10 =	vld [tilespmem:s0+$0xFFFFF000]  }
0x1ee: {  	v11 =	vld [tilespmem:s0+$0xFFFFF200];
	_ =	sdelay $0x1  }
0x1ef: {  	v12 =	vld [tilespmem:s0+$0xFFFFF400];
	_ =	sdelay $0x1  }
0x1f0: {  	v13 =	vld [tilespmem:s0+$0xFFFFF600]  }
0x1f1: {  	v10 =	vadd.f32 v11, v10  }
0x1f2: {  	v11 =	vld [tilespmem:s0+$0xFFFFF800]  }
0x1f3: {  	v10 =	vadd.f32 v12, v10  }
0x1f4: {  	v12 =	vld [tilespmem:s0+$0xFFFFFA00]  }
0x1f5: {  	v10 =	vadd.f32 v13, v10  }
0x1f6: {  	v13 =	vld [tilespmem:s0+$0xFFFFFC00]  }
0x1f7: {  	v10 =	vadd.f32 v11, v10  }
0x1f8: {  	v11 =	vld [tilespmem:s0+$0xFFFFFE00]  }
0x1f9: {  	v10 =	vadd.f32 v12, v10  }
0x1fa: {  	v12 =	vld [tilespmem:s0+$0x0]  }
0x1fb: {  	v10 =	vadd.f32 v13, v10  }
0x1fc: {  	v13 =	vld [tilespmem:s0+$0x200]  }
0x1fd: {  	v10 =	vadd.f32 v11, v10  }
0x1fe: {  	v11 =	vld [tilespmem:s0+$0x400]  }
0x1ff: {  	v10 =	vadd.f32 v12, v10  }
0x200: {  	v12 =	vld [tilespmem:s0+$0x600]  }
0x201: {  	v10 =	vadd.f32 v13, v10  }
0x202: {  	v13 =	vld [tilespmem:s0+$0x800]  }
0x203: {  	v10 =	vadd.f32 v11, v10  }
0x204: {  	v11 =	vld [tilespmem:s0+$0xA00]  }
0x205: {  	v10 =	vadd.f32 v12, v10  }
0x206: {  	v12 =	vld [tilespmem:s0+$0xC00]  }
0x207: {  	v10 =	vadd.f32 v13, v10  }
0x208: {  	v13 =	vld [tilespmem:s0+$0xE00]  }
0x209: {  	v10 =	vadd.f32 v11, v10;
	_ =	sdelay $0x1  }
0x20a: {  	v10 =	vadd.f32 v12, v10;
	_ =	sdelay $0x1  }
0x20b: {  	v10 =	vadd.f32 v13, v10;
	_ =	sdelay $0x1  }
0x20c: {  	s1 =	sand.u32 $0x1F0, s1;
	[tilespmem:s30+$0xFFFFFC00] =	vst v10  }
0x20d: {  	v10 =	vld [tilespmem:s1+$0x9D00]  }
0x20e: {  	v11 =	vld [tilespmem:s1+$0x9F00];
	_ =	sdelay $0x1  }
0x20f: {  	v12 =	vld [tilespmem:s1+$0xA100];
	_ =	sdelay $0x1  }
0x210: {  	v13 =	vld [tilespmem:s1+$0xA300]  }
0x211: {  	v10 =	vadd.f32 v11, v10  }
0x212: {  	v11 =	vld [tilespmem:s1+$0xA500]  }
0x213: {  	v10 =	vadd.f32 v12, v10  }
0x214: {  	v12 =	vld [tilespmem:s1+$0xA700]  }
0x215: {  	v10 =	vadd.f32 v13, v10  }
0x216: {  	v13 =	vld [tilespmem:s1+$0xA900]  }
0x217: {  	v10 =	vadd.f32 v11, v10  }
0x218: {  	v11 =	vld [tilespmem:s1+$0xAB00]  }
0x219: {  	v10 =	vadd.f32 v12, v10  }
0x21a: {  	v12 =	vld [tilespmem:s1+$0xAD00]  }
0x21b: {  	v10 =	vadd.f32 v13, v10  }
0x21c: {  	v13 =	vld [tilespmem:s1+$0xAF00]  }
0x21d: {  	v10 =	vadd.f32 v11, v10  }
0x21e: {  	v11 =	vld [tilespmem:s1+$0xB100]  }
0x21f: {  	v10 =	vadd.f32 v12, v10  }
0x220: {  	v12 =	vld [tilespmem:s1+$0xB300]  }
0x221: {  	v10 =	vadd.f32 v13, v10  }
0x222: {  	v13 =	vld [tilespmem:s1+$0xB500]  }
0x223: {  	v10 =	vadd.f32 v11, v10  }
0x224: {  	v11 =	vld [tilespmem:s1+$0xB700]  }
0x225: {  	v10 =	vadd.f32 v12, v10  }
0x226: {  	v12 =	vld [tilespmem:s1+$0xB900]  }
0x227: {  	v10 =	vadd.f32 v13, v10  }
0x228: {  	v13 =	vld [tilespmem:s1+$0xBB00]  }
0x229: {  	v10 =	vadd.f32 v11, v10;
	_ =	sdelay $0x1  }
0x22a: {  	v10 =	vadd.f32 v12, v10;
	_ =	sdelay $0x1  }
0x22b: {  	v10 =	vadd.f32 v13, v10;
	_ =	sdelay $0x1  }
0x22c: {  	[tilespmem:s30+$0xFFFFFE00] =	vst v10  }
0x22d: {  	v10 =	vld [tilespmem:s1+$0xBD00]  }
0x22e: {  	v11 =	vld [tilespmem:s1+$0xBF00];
	_ =	sdelay $0x1  }
0x22f: {  	v12 =	vld [tilespmem:s1+$0xC100];
	_ =	sdelay $0x1  }
0x230: {  	v13 =	vld [tilespmem:s1+$0xC300]  }
0x231: {  	v10 =	vadd.f32 v11, v10  }
0x232: {  	v11 =	vld [tilespmem:s1+$0xC500]  }
0x233: {  	v10 =	vadd.f32 v12, v10  }
0x234: {  	v12 =	vld [tilespmem:s1+$0xC700]  }
0x235: {  	v10 =	vadd.f32 v13, v10  }
0x236: {  	v13 =	vld [tilespmem:s1+$0xC900]  }
0x237: {  	v10 =	vadd.f32 v11, v10  }
0x238: {  	v11 =	vld [tilespmem:s1+$0xCB00]  }
0x239: {  	v10 =	vadd.f32 v12, v10  }
0x23a: {  	v12 =	vld [tilespmem:s1+$0xCD00]  }
0x23b: {  	v10 =	vadd.f32 v13, v10  }
0x23c: {  	v13 =	vld [tilespmem:s1+$0xCF00]  }
0x23d: {  	v10 =	vadd.f32 v11, v10  }
0x23e: {  	v11 =	vld [tilespmem:s1+$0xD100]  }
0x23f: {  	v10 =	vadd.f32 v12, v10  }
0x240: {  	v12 =	vld [tilespmem:s1+$0xD300]  }
0x241: {  	v10 =	vadd.f32 v13, v10  }
0x242: {  	v13 =	vld [tilespmem:s1+$0xD500]  }
0x243: {  	v10 =	vadd.f32 v11, v10  }
0x244: {  	v11 =	vld [tilespmem:s1+$0xD700]  }
0x245: {  	v10 =	vadd.f32 v12, v10  }
0x246: {  	v12 =	vld [tilespmem:s1+$0xD900]  }
0x247: {  	v10 =	vadd.f32 v13, v10  }
0x248: {  	v13 =	vld [tilespmem:s1+$0xDB00]  }
0x249: {  	v10 =	vadd.f32 v11, v10;
	_ =	sdelay $0x1  }
0x24a: {  	v10 =	vadd.f32 v12, v10;
	_ =	sdelay $0x1  }
0x24b: {  	v10 =	vadd.f32 v13, v10;
	_ =	sdelay $0x1  }
0x24c: {  	[tilespmem:s30+$0x0] =	vst v10  }
0x24d: {  	v10 =	vld [tilespmem:s1+$0xDD00]  }
0x24e: {  	v11 =	vld [tilespmem:s1+$0xDF00]  }
0x24f: {  	v12 =	vld [tilespmem:s1+$0xE100]  }
0x250: {  	v13 =	vld [tilespmem:s1+$0xE300]  }
0x251: {  	v14 =	vld [tilespmem:s1+$0xE500]  }
0x252: {  	v15 =	vld [tilespmem:s1+$0xE700]  }
0x253: {  	v10 =	vadd.f32 v11, v10;
	v16 =	vld [tilespmem:s1+$0xE900]  }
0x254: {  	v17 =	vld [tilespmem:s1+$0xEB00]  }
0x255: {  	v10 =	vadd.f32 v12, v10;
	v12 =	vld [tilespmem:s1+$0xED00]  }
0x256: {  	v18 =	vld [tilespmem:s1+$0xEF00]  }
0x257: {  	v10 =	vadd.f32 v13, v10;
	v13 =	vld [tilespmem:s1+$0xF100]  }
0x258: {  	v19 =	vld [tilespmem:s1+$0xF300]  }
0x259: {  	v10 =	vadd.f32 v14, v10;
	v14 =	vld [tilespmem:s1+$0xF500]  }
0x25a: {  	v20 =	vld [tilespmem:s1+$0xF700]  }
0x25b: {  	v15 =	vadd.f32 v15, v10;
	v11 =	vld [tilespmem:s1+$0xF900]  }
0x25c: {  	v10 =	vld [tilespmem:s1+$0xFB00]  }
0x25d: {  	v15 =	vadd.f32 v16, v15;
	_ =	sdelay $0x1  }
0x25e: {  	v15 =	vadd.f32 v17, v15;
	_ =	sdelay $0x1  }
0x25f: {  	v12 =	vadd.f32 v12, v15;
	_ =	sdelay $0x1  }
0x260: {  	v12 =	vadd.f32 v18, v12;
	_ =	sdelay $0x1  }
0x261: {  	v12 =	vadd.f32 v13, v12;
	_ =	sdelay $0x1  }
.Ltmp9:
0x262: {  	v12 =	vadd.f32 v19, v12;
	(pc) =	sbr.rel @p1 .LBB2_16-.Ltmp9, $3  }
0x263: {  	_ = 	snop  }
0x264: {  	v12 =	vadd.f32 v14, v12;
	_ =	sdelay $0x1  }
0x265: {  	s0 =	sadd.s32 $0x10, s0;
	v12 =	vadd.f32 v20, v12  }
0x266: {  	_ = 	snop  }
0x267: {  	v11 =	vadd.f32 v11, v12;
	_ =	sdelay $0x1  }
0x268: {  	v10 =	vadd.f32 v10, v11;
	_ =	sdelay $0x1  }
0x269: {  	s0 =	simm.s32 $0x11D00;
	[tilespmem:s2+$0x200] =	vst v10  }
0x26a: {  	[hbm4b:s11+s22] =	stream.strided.scatter [tilespmem:s0], [sflag:$0x3], $0x800, s23, s22, $0x38;
	[tilespmem:$0x12700] =	vst v63  }
0x26b: {  	s26 =	sadd.s32 $0x1, s26;
	_ =	swait.ge [sflag:s14], $0x800  }
0x26c: {  	p1 =	sne.s32 s26, s13;
	[sflag:s14] =	ssyncset.done $0x0  }
.Ltmp10:
0x26d: {  	s31 =	simm.s32 $0x12500;
	[sflag:s14] =	ssyncadd.s32 $0xFFFFF800;
	(pc) =	sbr.rel @p1 .LBB2_1-.Ltmp10, $4  }
0x26e: {  	[hbm4b:s12+s22] =	stream.strided.scatter [tilespmem:s31], [sflag:$0x3], $0x200, s23, s22, $0x38;
	[tilespmem:$0x12700] =	vst v63  }
0x26f: {  	_ =	swait.ge [sflag:s14], $0x200  }
0x270: {  	[sflag:s14] =	ssyncset.done $0x0  }
0x271: {  	[sflag:s14] =	ssyncadd.s32 $0xFFFFFE00  }
0x272: {  	_ =	sfence.sel $0x180000  }
0x273: {  	[bflag:$0x0] =	sbarrier.arrive $0xFFFF  }
0x274: {  	_ =	strace $0x90000047  }
0x275: {  	s0 =	stileid.u32;
	[bflag:$0x2] =	sbarrier.arrive $0xFFFF  }
0x276: {  	p0 =	sne.s32 s0, $0x0;
	s0 =	rddreg [dreg:$0x4]  }
0x277: {  	s0 =	sadd.s32 @!p0 $0x100000, s0  }
0x278: {  	[sflag:s0] =	ssyncadd.tile.s32 @!p0 $0x1;
	_ =	shalt  }
.Lfunc_end2:
_tile_overlayer_lowered:
.L_overlay_start_2:
0x279: {  	(tag) =	ssettag $0x2  }
0x27a: {  	s0 =	rddreg [dreg:$0x0];
	s2 =	stileid.u32  }
0x27b: {  	s1 =	rddreg [dreg:$0x1];
	p0 =	sne.s32 s2, $0x0  }
0x27c: {  	s3 =	rddreg [dreg:$0x2];
	[bflag:$0x3] =	sbarrier.arrive $0xFFFF;
	s2 =	simm.s32 @!p0 $0x1C03  }
0x27d: {  	[timem:s3], [sflag:s2] =	dma.local @!p0 [hbm:s0], s1  }
0x27e: {  	s0 =	simm.s32 @!p0 $0x3  }
0x27f: {  	_ =	swait.ge @!p0 [sflag:s0], s1  }
0x280: {  	s1 =	ssub.s32 @!p0 $0x0, s1;
	[sflag:s0] =	ssyncset.done @!p0 $0x0  }
0x281: {  	[sflag:s0] =	ssyncadd.s32 @!p0 s1  }
0x282: {  	[bflag:$0x3] =	sbarrier.arrive $0xFFFF  }
0x283: {  	_ =	shalt  }

// kernel: kernel.7.cloned.1.call-start
scs
__scs_entry_jumppad:
0x0: {  	(pc) =	sbr.rel $0x88, $3  }
0x1: {  	(tag) =	ssettag $0x0;
	lr =	simm.s32 $0x1  }
0x2: {  	[smem:$0x3F9C] =	sst lr;
	_ =	strace $0xD0000000  }
0x3: {  	_ = 	snop  }
0x4: {  	_ = 	snop  }
0x5: {  	_ = 	snop  }
0x6: {  	_ = 	snop  }
0x7: {  	_ = 	snop  }
__scs_overlays_trampoline_lowered:
0x8: {  	[smem:$0x3FAB] =	sst s0  }
0x9: {  	[smem:$0x3FAC] =	sst s1  }
0xa: {  	[smem:$0x3FAD] =	sst s2  }
0xb: {  	[smem:$0x3FAE] =	sst s3  }
0xc: {  	[smem:$0x3FAF] =	sst s4  }
0xd: {  	[smem:$0x3FB0] =	sst s5  }
0xe: {  	[smem:$0x3FB1] =	sst s6  }
0xf: {  	[smem:$0x3FB2] =	sst s7  }
0x10: {  	[smem:$0x3FB3] =	sst s8  }
0x11: {  	[smem:$0x3FB4] =	sst s9;
	s0 =	simm.s32 @!p0 $0x0  }
0x12: {  	s1 =	sld [smem:$0x3F9A];
	s0 =	simm.s32 @p0 $0x1  }
0x13: {  	[smem:$0x3FB5] =	sst s0;
	s0 =	simm.s32 @!p1 $0x0  }
0x14: {  	s2 =	sld [smem:$0x3F99];
	s0 =	simm.s32 @p1 $0x1  }
0x15: {  	[smem:$0x3FB6] =	sst s0;
	s0 =	simm.s32 @!p2 $0x0  }
0x16: {  	s3 =	sld [smem:$0x3FDB];
	s0 =	simm.s32 @p2 $0x1  }
0x17: {  	s4 =	simm.s32 $0x1BF5;
	[smem:$0x3FB8] =	sst s0  }
0x18: {  	s0 =	sld [smem:$0x3F9B];
	_ =	swait.ge [sflag:s4], $0x0  }
0x19: {  	s7 =	sld [smem:$0x3F9C]  }
0x1a: {  	s8 =	sadd.s32 $0xFFFFE003, lr  }
0x1b: {  	s9 =	sadd.s32 $0xFFFFFEF7, lr;
	s5 =	simm.s32 $0xFFFFFFFF;
	p2 =	slt.u32 s8, $0xFFFFF086  }
0x1c: {  	p1 =	slt.u32 s9, $0xF7A;
	s5 =	simm.s32 @!p2 $0x0  }
0x1d: {  	s5 =	simm.s32 @p1 $0x1;
	p0 =	seq.s32 s7, s2  }
0x1e: {  	s7 =	smul.u32 @!p0 $0xF7A, s2;
	p2 =	seq.s32 @!p0 s5, $0x0  }
0x1f: {  	s9 =	smul.u32 $0xF7A, s1;
	s8 =	simm.s32 @!p0 $0x1BF5;
	p2 =	por !p2, p0  }
0x20: {  	[sflag:s8] =	ssyncset.s32 @!p0 $0xFFFFF086;
	s6 =	sadd.s32 @!p0 s3, s7;
	s7 =	simm.s32 @!p0 $0x108  }
0x21: {  	s3 =	sadd.s32 s3, s9;
	s6 =	sadd.s32 @!p0 $0x88, s6;
	s7 =	simm.s32 @p2 $0x1082  }
0x22: {  	[simem:s7], [sflag:s8] =	dma.local @!p0 [hbm:s6], $0xF7A  }
0x23: {  	s9 =	sor.u32 $0xD0000000, s2;
	s6 =	simm.s32 $0x108;
	_ =	swait.ge @!p0 [sflag:s8], $0x0  }
0x24: {  	s3 =	sadd.s32 $0x88, s3;
	s6 =	simm.s32 @!p1 $0x1082;
	[sflag:s4] =	ssyncset.s32 $0xFFFFF086  }
0x25: {  	[simem:s6], [sflag:s4] =	dma.local [hbm:s3], $0xF7A  }
0x26: {  	[smem:$0x3F9C] =	sst s1;
	(tag) =	ssettag s2;
	_ =	strace s9  }
0x27: {  	s1 =	sld [smem:$0x3FAC]  }
0x28: {  	s2 =	sld [smem:$0x3FAD]  }
0x29: {  	s4 =	sld [smem:$0x3FAF]  }
0x2a: {  	p0 =	seq.s32 s5, $0x0;
	s5 =	sld [smem:$0x3FB0]  }
0x2b: {  	s6 =	sld [smem:$0x3FB1]  }
0x2c: {  	s7 =	sld [smem:$0x3FB2]  }
0x2d: {  	s3 =	simm.s32 $0x108;
	s8 =	sld [smem:$0x3FB3]  }
0x2e: {  	s3 =	simm.s32 @!p0 $0x1082;
	s9 =	sld [smem:$0x3FB4]  }
0x2f: {  	lr =	sadd.s32 s0, s3;
	s0 =	sld [smem:$0x3FAB]  }
0x30: {  	s3 =	sld [smem:$0x3FAE]  }
0x31: {  	[smem:$0x3FB7] =	sst s10  }
0x32: {  	s10 =	sld [smem:$0x3FB5];
	_ =	sdelay $0x3  }
0x33: {  	p0 =	seq.s32 s10, $0x1;
	s10 =	sld [smem:$0x3FB7];
	_ =	sdelay $0x3  }
0x34: {  	[smem:$0x3FB7] =	sst s10  }
0x35: {  	s10 =	sld [smem:$0x3FB6];
	_ =	sdelay $0x3  }
0x36: {  	p1 =	seq.s32 s10, $0x1;
	s10 =	sld [smem:$0x3FB7];
	_ =	sdelay $0x3  }
0x37: {  	[smem:$0x3FB7] =	sst s10  }
0x38: {  	s10 =	sld [smem:$0x3FB8]  }
0x39: {  	_ = 	snop;
	(pc) =	sbr.ind lr, $3  }
0x3a: {  	_ = 	snop  }
0x3b: {  	_ = 	snop  }
0x3c: {  	p2 =	seq.s32 s10, $0x1;
	s10 =	sld [smem:$0x3FB7]  }
0x3d: {  	_ =	shalt  }
0x3e: {  	_ =	shalt  }
0x3f: {  	_ =	shalt  }
0x40: {  	_ =	shalt  }
0x41: {  	_ =	shalt  }
0x42: {  	_ =	shalt  }
0x43: {  	_ =	shalt  }
0x44: {  	_ =	shalt  }
0x45: {  	_ =	shalt  }
0x46: {  	_ =	shalt  }
0x47: {  	_ =	shalt  }
0x48: {  	_ =	shalt  }
0x49: {  	_ =	shalt  }
0x4a: {  	_ =	shalt  }
0x4b: {  	_ =	shalt  }
0x4c: {  	_ =	shalt  }
0x4d: {  	_ =	shalt  }
0x4e: {  	_ =	shalt  }
0x4f: {  	_ =	shalt  }
0x50: {  	_ =	shalt  }
0x51: {  	_ =	shalt  }
0x52: {  	_ =	shalt  }
0x53: {  	_ =	shalt  }
0x54: {  	_ =	shalt  }
0x55: {  	_ =	shalt  }
0x56: {  	_ =	shalt  }
0x57: {  	_ =	shalt  }
0x58: {  	_ =	shalt  }
0x59: {  	_ =	shalt  }
0x5a: {  	_ =	shalt  }
0x5b: {  	_ =	shalt  }
0x5c: {  	_ =	shalt  }
0x5d: {  	_ =	shalt  }
0x5e: {  	_ =	shalt  }
0x5f: {  	_ =	shalt  }
0x60: {  	_ =	shalt  }
0x61: {  	_ =	shalt  }
0x62: {  	_ =	shalt  }
0x63: {  	_ =	shalt  }
0x64: {  	_ =	shalt  }
0x65: {  	_ =	shalt  }
0x66: {  	_ =	shalt  }
0x67: {  	_ =	shalt  }
0x68: {  	_ =	shalt  }
0x69: {  	_ =	shalt  }
0x6a: {  	_ =	shalt  }
0x6b: {  	_ =	shalt  }
0x6c: {  	_ =	shalt  }
0x6d: {  	_ =	shalt  }
0x6e: {  	_ =	shalt  }
0x6f: {  	_ =	shalt  }
0x70: {  	_ =	shalt  }
0x71: {  	_ =	shalt  }
0x72: {  	_ =	shalt  }
0x73: {  	_ =	shalt  }
0x74: {  	_ =	shalt  }
0x75: {  	_ =	shalt  }
0x76: {  	_ =	shalt  }
0x77: {  	_ =	shalt  }
0x78: {  	_ =	shalt  }
0x79: {  	_ =	shalt  }
0x7a: {  	_ =	shalt  }
0x7b: {  	_ =	shalt  }
0x7c: {  	_ =	shalt  }
0x7d: {  	_ =	shalt  }
0x7e: {  	_ =	shalt  }
0x7f: {  	_ =	shalt  }
0x80: {  	_ =	shalt  }
0x81: {  	_ =	shalt  }
0x82: {  	_ =	shalt  }
0x83: {  	_ =	shalt  }
0x84: {  	_ =	shalt  }
0x85: {  	_ =	shalt  }
0x86: {  	_ =	shalt  }
0x87: {  	_ =	shalt  }
.Lfunc_end0:
.L_simem_size_0:
called_computation.1_lowered:
.L_overlay_start_0:
0x88: {  	s2 =	sld [smem:$0x3FD9]  }
0x89: {  	s3 =	sld [smem:$0x3FFE];
	_ =	sdelay $0x1  }
0x8a: {  	s1 =	srdreg.scid  }
0x8b: {  	s0 =	sand.u32 $0x1, s1  }
0x8c: {  	s14 =	sshll.u32 s0, $0xA;
	s2 =	sadd.s32 s3, s2  }
0x8d: {  	s2 =	sadd.s32 s2, s14  }
0x8e: {  	[smem:$0x3FC3] =	sst s2  }
0x8f: {  	_ = 	snop  }
0x90: {  	s2 =	sld [smem:$0x3FD0];
	_ =	sdelay $0x2  }
0x91: {  	s15 =	simm.s32 $0xA;
	s4 =	simm.s32 $0x10  }
0x92: {  	[smem:s4], [sflag:s15] =	dma.local [hbm:s2], $0x1  }
0x93: {  	_ =	swait.eq [sflag:s15], $0x1  }
0x94: {  	s16 =	sld [smem:$0x10];
	[sflag:s15] =	ssyncset.done $0x0  }
0x95: {  	s17 =	sld [smem:$0x11];
	[sflag:s15] =	ssyncadd.s32 $0xFFFFFFFF  }
0x96: {  	s18 =	sld [smem:$0x12];
	(tm) =	ssettm $0x1  }
0x97: {  	s5 =	sld [smem:$0x3FFB];
	_ =	sdelay $0x3  }
0x98: {  	_ =	strace s5  }
0x99: {  	s5 =	sld [smem:$0x3FFC];
	_ =	sdelay $0x3  }
0x9a: {  	_ =	strace s5  }
0x9b: {  	s5 =	sld [smem:$0x3FFD];
	_ =	sdelay $0x3  }
0x9c: {  	_ =	strace s5  }
0x9d: {  	_ =	strace $0x8FFFFFFF  }
0x9e: {  	s19 =	sld [smem:$0x3FDB];
	_ =	sdelay $0x1  }
0x9f: {  	s6 =	simm.s32 $_scs_section_size  }
0xa0: {  	s7 =	simm.s32 $_size__tile_overlayer_lowered;
	s8 =	simm.s32 $_tile_overlayer_lowered  }
0xa1: {  	s22 =	simm.s32 $0x1BFF;
	s21 =	sshll.u32 s8, $0x1;
	s5 =	sadd.s32 s6, s19  }
0xa2: {  	s9 =	simm.s32 $0x0;
	s20 =	sshll.u32 s7, $0x1;
	s7 =	sadd.s32 s21, s5  }
0xa3: {  	[timem:s9], [sflag:s22] =	dma.local [hbm:s7], s20  }
0xa4: {  	_ =	swait.ge [sflag:s22], s20  }
0xa5: {  	s6 =	ssub.s32 $0x0, s20;
	[sflag:s22] =	ssyncset.done $0x0  }
0xa6: {  	[sflag:s22] =	ssyncadd.s32 s6;
	_ =	sdelay $0x1  }
0xa7: {  	s23 =	simm.s32 $0x1B8B  }
0xa8: {  	_ =	swait.ge [sflag:s23], $0x1  }
0xa9: {  	[sflag:s23] =	ssyncset.done $0x0  }
0xaa: {  	s25 =	simm.s32 $0x1B8E;
	s24 =	sld [smem:$0x3FFE];
	[sflag:s23] =	ssyncadd.s32 $0xFFFFFFFF  }
0xab: {  	s26 =	simm.s32 $execute0_lowered;
	[smem:$0x3FD2] =	sst s25  }
0xac: {  	s7 =	sshll.u32 s26, $0x1;
	_ =	strace $0x80000049;
	[dreg:$0x1] =	wrdreg $0xFFFFFFFF  }
0xad: {  	s28 =	simm.s32 $_size_execute0_lowered;
	s5 =	sadd.s32 s5, s7;
	[dreg:$0x0] =	wrdreg $0x0  }
0xae: {  	s7 =	sshll.u32 s28, $0x1;
	[dreg:$0x2] =	wrdreg s5  }
0xaf: {  	[dreg:$0x3] =	wrdreg s7  }
0xb0: {  	[dreg:$0x4] =	wrdreg $0xC0  }
0xb1: {  	_ =	task [dreg:s9], $0x5FFFF  }
0xb2: {  	[dreg:$0x1] =	wrdreg $0xFFFFFFFF  }
0xb3: {  	[dreg:$0x0] =	wrdreg $0x60  }
0xb4: {  	[dreg:$0x2] =	wrdreg s24  }
0xb5: {  	[dreg:$0x3] =	wrdreg s16  }
0xb6: {  	[dreg:$0x4] =	wrdreg s17  }
0xb7: {  	[dreg:$0x5] =	wrdreg s18  }
0xb8: {  	[dreg:$0x6] =	wrdreg $0x9  }
0xb9: {  	_ =	task.clear_ibuf [dreg:s9], $0x7FFFF;
	_ =	strace $0x90000049  }
0xba: {  	s29 =	simm.s32 $0x9;
	_ =	strace $0x8000004B  }
0xbb: {  	_ =	swait.ge [sflag:s29], $0x1  }
0xbc: {  	[sflag:s29] =	ssyncadd.s32 $0xFFFFFFFF  }
0xbd: {  	_ =	strace $0x9000004B  }
0xbe: {  	_ =	sfence  }
0xbf: {  	s30 =	sld [smem:$0x0];
	_ =	sdelay $0x2  }
0xc0: {  	s31 =	sshll.u32 s1, $0xD;
	s1 =	sshrl.u32 s1, $0x2  }
0xc1: {  	s3 =	sand.u32 $0x4000, s31;
	s1 =	sadd.s32 s1, s30  }
0xc2: {  	s0 =	sor.u32 s3, s0;
	s1 =	sshll.u32 s1, $0x11  }
0xc3: {  	s0 =	sor.u32 s1, s0  }
0xc4: {  	s0 =	sadd.s32 $0x8F2B, s0  }
0xc5: {  	[sflag:s0] =	ssyncadd.remote.s32 $0x1  }
0xc6: {  	_ =	sfence.sel $0xFFFF  }
0xc7: {  	[dreg:$0x0] =	wrdreg $0xFFFFFFFF;
	(pc) =	sbr.abs _section_cstart, $3  }
0xc8: {  	[dreg:$0x1] =	wrdreg $0xFFFFFFFF  }
0xc9: {  	_ =	task.clear_ibuf [dreg:s9], $0x2FFFF;
	_ =	strace $0x9FFFFFFF  }
0xca: {  	(tm) =	ssettm $0x7FFFFFFF  }
0xcb: {  	_ =	shalt  }
tec
execute0_lowered:
.L_overlay_start_1:
0x0: {  	(tag) =	ssettag $0x1  }
0x1: {  	s3 =	srdreg.scid  }
0x2: {  	s1 =	stileid.u32;
	s7 =	sand.u32 $0x1, s3  }
0x3: {  	s6 =	sshll.u32 s1, $0x1;
	s8 =	ssub.s32 $0x0, s7  }
0x4: {  	p0 =	sne.s32 s6, s8  }
.Ltmp0:
0x5: {  	_ = 	snop;
	(pc) =	sbr.rel @p0 .LBB2_24-.Ltmp0, $4  }
0x6: {  	s0 =	rddreg [dreg:$0x0]  }
0x7: {  	s2 =	rddreg [dreg:$0x2];
	s5 =	simm.s32 $0x0  }
0x8: {  	[smem:$0x7FF] =	sst s5  }
0x9: {  	s4 =	rddreg [dreg:$0x3];
	_ =	strace $0x8000004A  }
0xa: {  	s6 =	sadd.s32 $0x1400, s0;
	s9 =	ssub.s32 $0x2, s7  }
0xb: {  	s7 =	sadd.s32 $0x3400, s0;
	s8 =	sadd.s32 $0x1000, s0;
	s12 =	simm.s32 $0x80  }
0xc: {  	s13 =	simm.s32 $0x400;
	s14 =	simm.s32 $0x1800;
	s15 =	simm.s32 $0x1000  }
0xd: {  	s16 =	simm.s32 $0x5;
	s17 =	simm.s32 $0x1C00;
	s18 =	simm.s32 $0x1F00  }
0xe: {  	s19 =	simm.s32 $0x1;
	s20 =	simm.s32 $0x3;
	s21 =	simm.s32 $0x1E00  }
0xf: {  	v0 =	vlaneseq.u32;
	vm0 =	vmmov $0x1;
	vm1 =	vcmask $0x310;
	s22 =	simm.s32 $0x1E80;
	s23 =	simm.s32 $0x2;
	s31 =	sshrl.u32 s9, $0x1  }
0x10: {  	vm2 =	vcmask $0x710;
	vm3 =	vcmask $0x300;
	vm4 =	vcmask $0x704;
	s24 =	simm.s32 $0x4;
	s25 =	simm.s32 $0x0;
	s0 =	ssub.s32 s9, s31  }
0x11: {  	vm5 =	vcmask $0xB08;
	vm6 =	vcmask $0xF0C;
	vm7 =	vcmask $0xB10;
	s10 =	sadd.s32 $0x10, s6;
	s9 =	sadd.s32 $0x10, s7;
	s11 =	smax.u32 s0, $0x1  }
.LBB2_2:
0x12: {  	s26 =	simm.s32 $0x0  }
0x13: {  	[tilespmem:s26], [sflag:$0x1] =	stream.strided.gather [hbm4b:s10+s12], $0x800, s13, s12, $0x38;
	[tilespmem:$0x1F80] =	vst v63  }
0x14: {  	_ = 	snop  }
0x15: {  	[tilespmem:s14], [sflag:$0x3] =	stream.strided.gather [hbm4b:s9+s12], $0x200, s13, s12, $0x38;
	[tilespmem:$0x1F80] =	vst v63  }
0x16: {  	_ = 	snop  }
0x17: {  	[tilespmem:s15], [sflag:$0x5] =	stream.strided.gather [hbm4b:s6+s12], $0x800, s13, s12, $0x38;
	[tilespmem:$0x1F80] =	vst v63  }
0x18: {  	_ =	swait.ge [sflag:s16], $0x800  }
0x19: {  	[sflag:s16] =	ssyncset.done $0x0  }
0x1a: {  	[sflag:s16] =	ssyncadd.s32 $0xFFFFF800  }
0x1b: {  	[tilespmem:s17], [sflag:$0x5] =	stream.strided.gather [hbm4b:s7+s12], $0x200, s13, s12, $0x38;
	[tilespmem:$0x1F80] =	vst v63  }
0x1c: {  	_ =	swait.ge [sflag:s16], $0x200  }
0x1d: {  	[sflag:s16] =	ssyncset.done $0x0  }
0x1e: {  	[sflag:s16] =	ssyncadd.s32 $0xFFFFFE00  }
0x1f: {  	s0 =	rddreg [dreg:$0x1]  }
0x20: {  	[tilespmem:s18], [sflag:$0x5] =	stream.linear.gather [hbm4b:s0+s26], $0x80, $0x38;
	[tilespmem:$0x1F80] =	vst v63  }
0x21: {  	_ =	swait.ge [sflag:s16], $0x80  }
0x22: {  	[sflag:s16] =	ssyncset.done $0x0  }
0x23: {  	[sflag:s16] =	ssyncadd.s32 $0xFFFFFF80  }
0x24: {  	v1 =	vld [tilespmem:$0x1F00]  }
.LBB2_3:
0x25: {  	s28 =	sshll.u32 s26, $0x1;
	p0 =	seq.s32 s26, $0xF  }
0x26: {  	s0 =	sadd.s32 @!p0 $0x2, s28  }
0x27: {  	s29 =	sshrl.u32 @!p0 s0, $0x3;
	s0 =	sshll.u32 @!p0 s0, $0x7  }
0x28: {  	s30 =	sshll.u32 @!p0 s29, $0xE;
	s0 =	sand.u32 @!p0 $0x300, s0  }
0x29: {  	s30 =	sor.u32 @!p0 s0, s30  }
0x2a: {  	s31 =	simm.s32 @!p0 $0x80;
	s30 =	sshrl.u32 @!p0 s30, $0x3  }
0x2b: {  	s3 =	simm.s32 @!p0 $0x400;
	s1 =	simm.s32 @!p0 $0x800;
	s30 =	sadd.s32 @!p0 s6, s30  }
0x2c: {  	[tilespmem:s1], [sflag:$0x2] =	stream.strided.gather @!p0 [hbm4b:s30+s31], $0x800, s3, s31, $0x38;
	[tilespmem:$0x1F80] =	vst v63  }
0x2d: {  	s1 =	sshll.u32 @!p0 s29, $0xC  }
0x2e: {  	s0 =	sor.u32 @!p0 s0, s1  }
0x2f: {  	s0 =	sshrl.u32 @!p0 s0, $0x3  }
0x30: {  	s1 =	simm.s32 @!p0 $0x1A00;
	s0 =	sadd.s32 @!p0 s7, s0  }
0x31: {  	[tilespmem:s1], [sflag:$0x4] =	stream.strided.gather @!p0 [hbm4b:s0+s31], $0x200, s3, s31, $0x38;
	[tilespmem:$0x1F80] =	vst v63  }
0x32: {  	_ =	swait.ge [sflag:s19], $0x800  }
0x33: {  	[sflag:s19] =	ssyncset.done $0x0  }
0x34: {  	[sflag:s19] =	ssyncadd.s32 $0xFFFFF800  }
0x35: {  	_ =	swait.ge [sflag:s20], $0x200  }
0x36: {  	[sflag:s20] =	ssyncset.done $0x0  }
0x37: {  	s0 =	simm.s32 $0x0;
	[sflag:s20] =	ssyncadd.s32 $0xFFFFFE00  }
0x38: {  	s29 =	simm.s32 $0x40;
	v2 =	vld [tilespmem:s0+$0x0]  }
.LBB2_4:
0x39: {  	p1 =	sne.s32 s29, $0x1FC0;
	v3 =	vld [tilespmem:s0+$0x1000];
	_ =	sdelay $0x2  }
.Ltmp1:
0x3a: {  	(pc) =	sbr.rel @p1 .LBB2_4-.Ltmp1, $4  }
0x3b: {  	_ = 	snop  }
0x3c: {  	v3 =	vadd.f32 v2, v3  }
0x3d: {  	s1 =	sshra.s32 s29, $0x2  }
0x3e: {  	s29 =	sadd.s32 $0x40, s29;
	v2 =	vld [tilespmem:s1+$0x0];
	[tilespmem:s0+$0x1000] =	vst v3;
	s0 =	smov.u32 s1  }
0x3f: {  	v3 =	vld [tilespmem:s0+$0x1000];
	_ =	sdelay $0x4  }
0x40: {  	v2 =	vadd.f32 v2, v3;
	_ =	sdelay $0x1  }
0x41: {  	[tilespmem:s0+$0x1000] =	vst v2;
	s0 =	simm.s32 $0x0  }
0x42: {  	s29 =	simm.s32 $0x40;
	v2 =	vld [tilespmem:s0+$0x1800]  }
.LBB2_6:
0x43: {  	p1 =	sne.s32 s29, $0x7C0;
	v3 =	vld [tilespmem:s0+$0x1C00];
	_ =	sdelay $0x2  }
.Ltmp2:
0x44: {  	(pc) =	sbr.rel @p1 .LBB2_6-.Ltmp2, $4  }
0x45: {  	_ = 	snop  }
0x46: {  	v3 =	vadd.f32 v2, v3  }
0x47: {  	s1 =	sshra.s32 s29, $0x2  }
0x48: {  	s29 =	sadd.s32 $0x40, s29;
	v2 =	vld [tilespmem:s1+$0x1800];
	[tilespmem:s0+$0x1C00] =	vst v3;
	s0 =	smov.u32 s1  }
0x49: {  	v3 =	vld [tilespmem:s0+$0x1C00];
	_ =	sdelay $0x2  }
.Ltmp3:
0x4a: {  	_ = 	snop;
	(pc) =	sbr.rel @p0 .LBB2_13-.Ltmp3, $3  }
0x4b: {  	_ = 	snop  }
0x4c: {  	v2 =	vadd.f32 v2, v3;
	_ =	sdelay $0x1  }
0x4d: {  	[tilespmem:s0+$0x1C00] =	vst v2;
	s0 =	simm.s32 $0x0  }
0x4e: {  	s0 =	sadd.s32 $0x3, s28  }
0x4f: {  	s1 =	sshrl.u32 s0, $0x3;
	s0 =	sshll.u32 s0, $0x7  }
0x50: {  	s3 =	sshll.u32 s1, $0xE;
	s0 =	sand.u32 $0x380, s0  }
0x51: {  	s1 =	sshll.u32 s1, $0xC;
	s3 =	sor.u32 s0, s3  }
0x52: {  	s0 =	sor.u32 s0, s1;
	s3 =	sshrl.u32 s3, $0x3  }
0x53: {  	s28 =	simm.s32 $0x0;
	s0 =	sshrl.u32 s0, $0x3;
	s3 =	sadd.s32 s6, s3  }
0x54: {  	[tilespmem:s28], [sflag:$0x1] =	stream.strided.gather [hbm4b:s3+s12], $0x800, s13, s12, $0x38;
	[tilespmem:$0x1F80] =	vst v63  }
0x55: {  	s0 =	sadd.s32 s7, s0  }
0x56: {  	[tilespmem:s14], [sflag:$0x3] =	stream.strided.gather [hbm4b:s0+s12], $0x200, s13, s12, $0x38;
	[tilespmem:$0x1F80] =	vst v63  }
0x57: {  	_ =	swait.ge [sflag:s23], $0x800  }
0x58: {  	[sflag:s23] =	ssyncset.done $0x0  }
0x59: {  	[sflag:s23] =	ssyncadd.s32 $0xFFFFF800  }
0x5a: {  	_ =	swait.ge [sflag:s24], $0x200  }
0x5b: {  	[sflag:s24] =	ssyncset.done $0x0  }
0x5c: {  	s28 =	simm.s32 $0x0;
	[sflag:s24] =	ssyncadd.s32 $0xFFFFFE00  }
0x5d: {  	s29 =	simm.s32 $0x40;
	s0 =	simm.s32 $0x0;
	v2 =	vld [tilespmem:s28+$0x800]  }
.LBB2_9:
0x5e: {  	p0 =	sne.s32 s29, $0x1FC0;
	v3 =	vld [tilespmem:s0+$0x1000];
	_ =	sdelay $0x2  }
.Ltmp4:
0x5f: {  	(pc) =	sbr.rel @p0 .LBB2_9-.Ltmp4, $4  }
0x60: {  	_ = 	snop  }
0x61: {  	v3 =	vadd.f32 v2, v3  }
0x62: {  	s1 =	sshra.s32 s29, $0x2  }
0x63: {  	s29 =	sadd.s32 $0x40, s29;
	v2 =	vld [tilespmem:s1+$0x800];
	[tilespmem:s0+$0x1000] =	vst v3;
	s0 =	smov.u32 s1  }
0x64: {  	v3 =	vld [tilespmem:s0+$0x1000];
	_ =	sdelay $0x4  }
0x65: {  	v2 =	vadd.f32 v2, v3;
	_ =	sdelay $0x1  }
0x66: {  	[tilespmem:s0+$0x1000] =	vst v2  }
0x67: {  	s0 =	simm.s32 $0x40;
	v2 =	vld [tilespmem:s28+$0x1A00]  }
.LBB2_11:
0x68: {  	p0 =	sne.s32 s0, $0x7C0;
	v3 =	vld [tilespmem:s28+$0x1C00];
	_ =	sdelay $0x2  }
.Ltmp5:
0x69: {  	(pc) =	sbr.rel @p0 .LBB2_11-.Ltmp5, $4  }
0x6a: {  	_ = 	snop  }
0x6b: {  	v3 =	vadd.f32 v2, v3  }
0x6c: {  	s1 =	sshra.s32 s0, $0x2  }
0x6d: {  	s0 =	sadd.s32 $0x40, s0;
	v2 =	vld [tilespmem:s1+$0x1A00];
	[tilespmem:s28+$0x1C00] =	vst v3;
	s28 =	smov.u32 s1  }
0x6e: {  	v3 =	vld [tilespmem:s28+$0x1C00];
	_ =	sdelay $0x2  }
.Ltmp6:
0x6f: {  	_ = 	snop;
	(pc) =	sbr.rel .LBB2_3-.Ltmp6, $3  }
0x70: {  	_ = 	snop  }
0x71: {  	v2 =	vadd.f32 v2, v3;
	_ =	sdelay $0x1  }
0x72: {  	s26 =	sadd.s32 $0x1, s26;
	[tilespmem:s28+$0x1C00] =	vst v2  }
.LBB2_13:
0x73: {  	s26 =	sshra.s32 s0, $0x2;
	s28 =	sadd.s32 $0x40, s0  }
.LBB2_14:
0x74: {  	p0 =	sne.s32 s28, $0x7C0;
	v2 =	vld [tilespmem:s26+$0x1C00];
	_ =	sdelay $0x1  }
.Ltmp7:
0x75: {  	(pc) =	sbr.rel @p0 .LBB2_14-.Ltmp7, $3  }
0x76: {  	_ =	sdelay $0x1  }
0x77: {  	v2 =	vmax.f32 v2, $1.000000000e+00  }
0x78: {  	[tilespmem:s26+$0x1C00] =	vst v2;
	s26 =	sshra.s32 s28, $0x2;
	s28 =	sadd.s32 $0x40, s28  }
0x79: {  	v2 =	vld [tilespmem:s26+$0x1C00];
	_ =	sdelay $0x4  }
0x7a: {  	v2 =	vmax.f32 v2, $1.000000000e+00  }
0x7b: {  	[tilespmem:s26+$0x1C00] =	vst v2;
	s26 =	simm.s32 $0x1C00  }
0x7c: {  	v2 =	vld [tilespmem:s26+$0x0];
	_ =	sdelay $0x4  }
0x7d: {  	(erf) = vrcp.f32 v2;
	_ =	sdelay $0x3  }
0x7e: {  	s29 =	simm.s32 $0x1000  }
0x7f: {  	v2 =	vld [tilespmem:s29+$0x0];
	_ =	sdelay $0x3  }
0x80: {  	v3 =	vpop (erf)  }
0x81: {  	v2 =	vmul.f32 v3, v2  }
0x82: {  	v5 =	vimm.f32 $-3.399999950e+38  }
0x83: {  	v4 =	vimm.s32 $0x0;
	v6 =	vor.u32 s0, v0;
	v7 =	vadd.f32 v2, v1  }
0x84: {  	s28 =	simm.s32 $0x10;
	s31 =	simm.s32 $0x20;
	s30 =	simm.s32 $0x1C00;
	vm8 =	vlt.u32 v6, $0x1F4;
	v3 =	vimm.f32 $-3.399999950e+38;
	v2 =	vimm.s32 $0x0  }
.LBB2_16:
0x85: {  	p0 =	sne.s32 s31, $0x1F0;
	[tilespmem:s29+$0x0] =	vst v7;
	v7 =	vnsel vm8, $0xFF7FC99E, v7;
	s30 =	sadd.s32 $0x10, s30  }
0x86: {  	v8 =	vld [tilespmem:s30+$0x0];
	vm8 =	vgt.f32 v7, v3  }
0x87: {  	v3 =	vsel vm8, v7, v3;
	v2 =	vsel vm8, v6, v2;
	_ =	sdelay $0x3  }
0x88: {  	(erf) = vrcp.f32 v8;
	_ =	sdelay $0x3  }
0x89: {  	s29 =	sadd.s32 $0x10, s29  }
0x8a: {  	v6 =	vld [tilespmem:s29+$0x0];
	_ =	sdelay $0x3  }
.Ltmp8:
0x8b: {  	v7 =	vpop (erf);
	(pc) =	sbr.rel @p0 .LBB2_16-.Ltmp8, $3  }
0x8c: {  	v6 =	vmul.f32 v7, v6;
	_ =	sdelay $0x1  }
0x8d: {  	v7 =	vadd.f32 v6, v1;
	v6 =	vor.u32 s28, v0;
	s28 =	smov.u32 s31  }
0x8e: {  	s31 =	sadd.s32 $0x10, s31;
	vm8 =	vlt.u32 v6, $0x1F4  }
0x8f: {  	[tilespmem:s29+$0x0] =	vst v7;
	s0 =	sadd.s32 $0x10, s30  }
0x90: {  	v8 =	vld [tilespmem:s0+$0x0];
	_ =	sdelay $0x4  }
0x91: {  	(erf) = vrcp.f32 v8;
	_ =	sdelay $0x3  }
0x92: {  	s3 =	sadd.s32 $0x10, s29  }
0x93: {  	v8 =	vld [tilespmem:s3+$0x0];
	_ =	sdelay $0x3  }
0x94: {  	v9 =	vpop (erf)  }
0x95: {  	v8 =	vmul.f32 v9, v8;
	_ =	sdelay $0x1  }
0x96: {  	v8 =	vadd.f32 v8, v1;
	_ =	sdelay $0x1  }
0x97: {  	[tilespmem:s3+$0x0] =	vst v8  }
0x98: {  	v61 =	vld [tilespmem:s26+$0x0];
	_ =	sdelay $0x4  }
0x99: {  	(erf) = vrcp.f32 v61;
	_ =	sdelay $0x2  }
0x9a: {  	s29 =	simm.s32 $0x0  }
0x9b: {  	s31 =	sand.u32 $0x1F0, s29  }
0x9c: {  	v62 =	vld [tilespmem:s31+$0x1200];
	_ =	sdelay $0x1  }
0x9d: {  	v7 =	vnsel vm8, $0xFF7FC99E, v7;
	v10 =	vor.u32 s28, v0  }
0x9e: {  	vm8 =	vgt.f32 v7, v3;
	vm9 =	vlt.u32 v10, $0x1F4  }
0x9f: {  	v3 =	vsel vm8, v7, v3;
	v7 =	vnsel vm9, $0xFF7FC99E, v8;
	v8 =	vpop (erf)  }
0xa0: {  	v8 =	vmul.f32 v8, v62  }
0xa1: {  	v63 =	vsel vm8, v6, v2;
	vm9 =	vgt.f32 v7, v3  }
0xa2: {  	v6 =	vor.u32 s29, v0;
	v2 =	vsel vm9, v7, v3;
	v7 =	vadd.f32 v8, v1  }
0xa3: {  	s28 =	simm.s32 $0x10;
	s30 =	simm.s32 $0x10;
	s0 =	simm.s32 $0x20;
	vm8 =	vlt.u32 v6, $0x1F4;
	v3 =	vsel vm9, v10, v63  }
.LBB2_18:
0xa4: {  	p0 =	sne.s32 s0, $0x1F0;
	[tilespmem:s31+$0x1200] =	vst v7;
	v7 =	vnsel vm8, $0xFF7FC99E, v7;
	s26 =	sadd.s32 $0x10, s26  }
0xa5: {  	v8 =	vld [tilespmem:s26+$0x0];
	vm8 =	vgt.f32 v7, v5  }
0xa6: {  	v5 =	vsel vm8, v7, v5;
	v4 =	vsel vm8, v6, v4;
	_ =	sdelay $0x3  }
0xa7: {  	(erf) = vrcp.f32 v8;
	_ =	sdelay $0x3  }
0xa8: {  	s31 =	sand.u32 $0x1F0, s30  }
0xa9: {  	v6 =	vld [tilespmem:s31+$0x1200];
	_ =	sdelay $0x3  }
.Ltmp9:
0xaa: {  	v7 =	vpop (erf);
	(pc) =	sbr.rel @p0 .LBB2_18-.Ltmp9, $3  }
0xab: {  	v6 =	vmul.f32 v7, v6;
	_ =	sdelay $0x1  }
0xac: {  	v7 =	vadd.f32 v6, v1;
	v6 =	vor.u32 s30, v0;
	s30 =	smov.u32 s0  }
0xad: {  	s0 =	sadd.s32 $0x10, s0;
	vm8 =	vlt.u32 v6, $0x1F4  }
0xae: {  	[tilespmem:s31+$0x1200] =	vst v7;
	s0 =	sadd.s32 $0x10, s26  }
0xaf: {  	v8 =	vld [tilespmem:s0+$0x0];
	_ =	sdelay $0x4  }
0xb0: {  	(erf) = vrcp.f32 v8;
	_ =	sdelay $0x3  }
0xb1: {  	s26 =	sand.u32 $0x1F0, s30  }
0xb2: {  	v8 =	vld [tilespmem:s26+$0x1200];
	_ =	sdelay $0x3  }
0xb3: {  	v9 =	vpop (erf)  }
0xb4: {  	v8 =	vmul.f32 v9, v8;
	_ =	sdelay $0x1  }
0xb5: {  	v8 =	vadd.f32 v8, v1;
	_ =	sdelay $0x1  }
0xb6: {  	[tilespmem:s26+$0x1200] =	vst v8;
	s26 =	simm.s32 $0x1C00  }
0xb7: {  	v9 =	vld [tilespmem:s26+$0x0];
	_ =	sdelay $0x4  }
0xb8: {  	(erf) = vrcp.f32 v9;
	_ =	sdelay $0x3  }
0xb9: {  	s31 =	sand.u32 $0x1F0, s29  }
0xba: {  	v9 =	vld [tilespmem:s31+$0x1400];
	_ =	sdelay $0x1  }
0xbb: {  	v7 =	vnsel vm8, $0xFF7FC99E, v7;
	v10 =	vor.u32 s30, v0  }
0xbc: {  	vm8 =	vgt.f32 v7, v5;
	vm9 =	vlt.u32 v10, $0x1F4  }
0xbd: {  	v7 =	vsel vm8, v7, v5;
	v8 =	vnsel vm9, $0xFF7FC99E, v8;
	v5 =	vpop (erf)  }
0xbe: {  	v11 =	vsel vm8, v6, v4;
	vm8 =	vgt.f32 v8, v7;
	v9 =	vmul.f32 v5, v9  }
0xbf: {  	v4 =	vimm.s32 $0x0;
	v6 =	vsel vm8, v8, v7;
	v7 =	vsel vm8, v10, v11  }
0xc0: {  	v10 =	vor.u32 s29, v0;
	v8 =	vimm.s32 $0x0;
	v11 =	vadd.f32 v9, v1  }
0xc1: {  	s30 =	simm.s32 $0x20;
	s29 =	simm.s32 $0x1C00;
	vm8 =	vlt.u32 v10, $0x1F4;
	v5 =	vimm.f32 $-3.399999950e+38;
	v9 =	vimm.f32 $-3.399999950e+38  }
.LBB2_20:
0xc2: {  	p0 =	sne.s32 s30, $0x1F0;
	[tilespmem:s31+$0x1400] =	vst v11;
	v11 =	vnsel vm8, $0xFF7FC99E, v11;
	s29 =	sadd.s32 $0x10, s29  }
0xc3: {  	v12 =	vld [tilespmem:s29+$0x0];
	vm8 =	vgt.f32 v11, v9  }
0xc4: {  	v9 =	vsel vm8, v11, v9;
	v8 =	vsel vm8, v10, v8;
	_ =	sdelay $0x3  }
0xc5: {  	(erf) = vrcp.f32 v12;
	_ =	sdelay $0x3  }
0xc6: {  	s31 =	sand.u32 $0x1F0, s28  }
0xc7: {  	v10 =	vld [tilespmem:s31+$0x1400];
	_ =	sdelay $0x3  }
.Ltmp10:
0xc8: {  	v11 =	vpop (erf);
	(pc) =	sbr.rel @p0 .LBB2_20-.Ltmp10, $3  }
0xc9: {  	v10 =	vmul.f32 v11, v10;
	_ =	sdelay $0x1  }
0xca: {  	v11 =	vadd.f32 v10, v1;
	v10 =	vor.u32 s28, v0;
	s28 =	smov.u32 s30  }
0xcb: {  	s30 =	sadd.s32 $0x10, s30;
	vm8 =	vlt.u32 v10, $0x1F4  }
0xcc: {  	[tilespmem:s31+$0x1400] =	vst v11;
	s0 =	sadd.s32 $0x10, s29  }
0xcd: {  	v12 =	vld [tilespmem:s0+$0x0];
	_ =	sdelay $0x4  }
0xce: {  	(erf) = vrcp.f32 v12;
	_ =	sdelay $0x3  }
0xcf: {  	s30 =	sand.u32 $0x1F0, s28  }
0xd0: {  	v59 =	vld [tilespmem:s30+$0x1400];
	_ =	sdelay $0x3  }
0xd1: {  	v13 =	vpop (erf)  }
0xd2: {  	v12 =	vmul.f32 v13, v59;
	_ =	sdelay $0x1  }
0xd3: {  	v12 =	vadd.f32 v12, v1;
	_ =	sdelay $0x1  }
0xd4: {  	[tilespmem:s30+$0x1400] =	vst v12  }
0xd5: {  	v60 =	vld [tilespmem:s26+$0x0];
	_ =	sdelay $0x4  }
0xd6: {  	(erf) = vrcp.f32 v60;
	_ =	sdelay $0x2  }
0xd7: {  	s31 =	simm.s32 $0x0  }
0xd8: {  	s29 =	sand.u32 $0x1F0, s31  }
0xd9: {  	v61 =	vld [tilespmem:s29+$0x1600];
	_ =	sdelay $0x2  }
0xda: {  	v11 =	vnsel vm8, $0xFF7FC99E, v11;
	v14 =	vor.u32 s28, v0  }
0xdb: {  	vm8 =	vgt.f32 v11, v9;
	vm9 =	vlt.u32 v14, $0x1F4;
	v62 =	vpop (erf)  }
0xdc: {  	v9 =	vsel vm8, v11, v9;
	v11 =	vnsel vm9, $0xFF7FC99E, v12;
	v12 =	vmul.f32 v62, v61  }
0xdd: {  	v63 =	vsel vm8, v10, v8;
	vm9 =	vgt.f32 v11, v9  }
0xde: {  	v10 =	vor.u32 s31, v0;
	v8 =	vsel vm9, v11, v9;
	v11 =	vadd.f32 v12, v1  }
0xdf: {  	s28 =	simm.s32 $0x10;
	s0 =	simm.s32 $0x20;
	vm8 =	vlt.u32 v10, $0x1F4;
	v9 =	vsel vm9, v14, v63  }
.LBB2_22:
0xe0: {  	p0 =	sne.s32 s0, $0x1F0;
	[tilespmem:s29+$0x1600] =	vst v11;
	v11 =	vnsel vm8, $0xFF7FC99E, v11;
	s26 =	sadd.s32 $0x10, s26  }
0xe1: {  	v12 =	vld [tilespmem:s26+$0x0];
	vm8 =	vgt.f32 v11, v5  }
0xe2: {  	v5 =	vsel vm8, v11, v5;
	v4 =	vsel vm8, v10, v4;
	_ =	sdelay $0x3  }
0xe3: {  	(erf) = vrcp.f32 v12;
	_ =	sdelay $0x3  }
0xe4: {  	s29 =	sand.u32 $0x1F0, s28  }
0xe5: {  	v10 =	vld [tilespmem:s29+$0x1600];
	_ =	sdelay $0x3  }
.Ltmp11:
0xe6: {  	v11 =	vpop (erf);
	(pc) =	sbr.rel @p0 .LBB2_22-.Ltmp11, $3  }
0xe7: {  	v10 =	vmul.f32 v11, v10;
	_ =	sdelay $0x1  }
0xe8: {  	v11 =	vadd.f32 v10, v1;
	v10 =	vor.u32 s28, v0;
	s28 =	smov.u32 s0  }
0xe9: {  	s0 =	sadd.s32 $0x10, s0;
	vm8 =	vlt.u32 v10, $0x1F4  }
0xea: {  	(xrf0) =	vmax.scan.msk.f32 $0xffff, v2;
	_ =	sdelay $0x5  }
0xeb: {  	v12, _, _ =	vpop (xrf0)  }
0xec: {  	v13 =	vbroadcast v12, $0xF;
	_ =	sdelay $0x1  }
0xed: {  	vm9 =	veq.f32 v2, v13;
	v2 =	vxor.u32 $0x80000000, v3  }
0xee: {  	v2 =	vnsel vm9, $0xC0000000, v2  }
0xef: {  	(xrf0) =	vmin.scan.msk.u32 $0xffff, v2  }
0xf0: {  	(xrf0) =	vmax.scan.msk.f32 $0xffff, v6  }
0xf1: {  	[tilespmem:s29+$0x1600] =	vst v11;
	s0 =	sadd.s32 $0x10, s26  }
0xf2: {  	v2 =	vld [tilespmem:s0+$0x0];
	_ =	sdelay $0x2  }
0xf3: {  	v3, _, _ =	vpop (xrf0)  }
0xf4: {  	v14, _, _ =	vpop (xrf0)  }
0xf5: {  	(erf) = vrcp.f32 v2;
	v2 =	vbroadcast v14, $0xF;
	_ =	sdelay $0x1  }
0xf6: {  	v53 =	vxor.u32 $0x80000000, v7;
	vm12 =	veq.f32 v6, v2  }
0xf7: {  	v6 =	vnsel vm12, $0xC0000000, v53  }
0xf8: {  	s26 =	sand.u32 $0x1F0, s28;
	(xrf0) =	vmin.scan.msk.u32 $0xffff, v6  }
0xf9: {  	v54 =	vld [tilespmem:s26+$0x1600];
	(xrf0) =	vmax.scan.msk.f32 $0xffff, v8;
	_ =	sdelay $0x3  }
0xfa: {  	v55 =	vpop (erf)  }
0xfb: {  	v6 =	vmul.f32 v55, v54;
	v57, _, _ =	vpop (xrf0)  }
0xfc: {  	v56 =	vnsel vm8, $0xFF7FC99E, v11;
	v15, _, _ =	vpop (xrf0)  }
0xfd: {  	v58 =	vor.u32 s28, v0;
	v1 =	vadd.f32 v6, v1;
	v16 =	vbroadcast v15, $0xF  }
0xfe: {  	v60 =	vxor.u32 $0x80000000, v9;
	vm8 =	vgt.f32 v56, v5;
	vm13 =	vlt.u32 v58, $0x1F4  }
0xff: {  	v5 =	vsel vm8, v56, v5;
	v59 =	vnsel vm13, $0xFF7FC99E, v1;
	vm14 =	veq.f32 v8, v16  }
0x100: {  	vm15 =	vgt.f32 v59, v5;
	v8 =	vnsel vm14, $0xC0000000, v60  }
0x101: {  	v5 =	vsel vm15, v59, v5;
	(xrf0) =	vmin.scan.msk.u32 $0xffff, v8  }
0x102: {  	(xrf0) =	vmax.scan.msk.f32 $0xffff, v5;
	_ =	sdelay $0x4  }
0x103: {  	v8, _, _ =	vpop (xrf0)  }
0x104: {  	v61, _, _ =	vpop (xrf0)  }
0x105: {  	v4 =	vsel vm8, v10, v4;
	v62 =	vbroadcast v61, $0xF  }
0x106: {  	v4 =	vsel vm15, v58, v4  }
0x107: {  	(v2sf) =	vpush v12, $0xF;
	v4 =	vxor.u32 $0x80000000, v4;
	vm8 =	veq.f32 v5, v62  }
0x108: {  	(v2sf) =	vpush v3, $0xF;
	v3 =	vnsel vm8, $0xC0000000, v4  }
0x109: {  	(xrf0) =	vmin.scan.msk.u32 $0xffff, v3  }
0x10a: {  	(v2sf) =	vpush v14, $0xF  }
0x10b: {  	(v2sf) =	vpush v57, $0xF  }
0x10c: {  	(v2sf) =	vpush v15, $0xF  }
0x10d: {  	(v2sf) =	vpush v8, $0xF  }
0x10e: {  	(v2sf) =	vpush v61, $0xF  }
0x10f: {  	v3, _, _ =	vpop (xrf0)  }
0x110: {  	(v2sf) =	vpush v3, $0xF;
	_ =	sdelay $0x6  }
0x111: {  	s30 =	spop (v2sf)  }
0x112: {  	s1 =	spop (v2sf)  }
0x113: {  	s0 =	sand.u32 $0x7FFFFFFF, s30;
	s3 =	spop (v2sf)  }
0x114: {  	p0 =	slt.f32 s0, $5.000000000e-01;
	s28 =	spop (v2sf)  }
0x115: {  	s1 =	sxor.u32 $0x80000000, s1;
	s3 =	sand.u32 $0x7FFFFFFF, s3;
	s29 =	spop (v2sf)  }
0x116: {  	s1 =	simm.s32 @p0 $0xFFFFFFFF;
	p1 =	slt.f32 s3, $5.000000000e-01;
	s31 =	spop (v2sf)  }
0x117: {  	s28 =	sxor.u32 $0x80000000, s28;
	s29 =	sand.u32 $0x7FFFFFFF, s29;
	s30 =	spop (v2sf)  }
0x118: {  	v63 =	vnsel vm0, $0x0, v13;
	s28 =	simm.s32 @p1 $0xFFFFFFFF;
	p0 =	slt.f32 s29, $5.000000000e-01;
	v3 =	vmov s1;
	s3 =	sand.u32 $0x7FFFFFFF, s30  }
0x119: {  	v2 =	vsel vm1, v63, v2;
	v3 =	vnsel vm3, $0x0, v3;
	s0 =	sxor.u32 $0x80000000, s31;
	p1 =	slt.f32 s3, $5.000000000e-01;
	s31 =	spop (v2sf)  }
0x11a: {  	[tilespmem:s26+$0x1600] =	vst v1;
	v1 =	vsel vm2, v2, v16;
	v3 =	vsel vm4, s28, v3;
	s0 =	simm.s32 @p0 $0xFFFFFFFF;
	s1 =	sxor.u32 $0x80000000, s31  }
0x11b: {  	v1 =	vsel vm7, v1, v62;
	v3 =	vsel vm5, s0, v3;
	s1 =	simm.s32 @p1 $0xFFFFFFFF  }
0x11c: {  	[tilespmem:$0x1E80] =	vst v1;
	v2 =	vsel vm6, s1, v3  }
0x11d: {  	[tilespmem:$0x1E00] =	vst v2  }
0x11e: {  	[hbm4b:s8+s5] =	stream.linear.scatter [tilespmem:s15], [sflag:$0x5], $0x800, $0x38;
	[tilespmem:$0x1F80] =	vst v63  }
0x11f: {  	_ =	swait.ge [sflag:s16], $0x800  }
0x120: {  	[sflag:s16] =	ssyncset.done $0x0  }
0x121: {  	[sflag:s16] =	ssyncadd.s32 $0xFFFFF800  }
0x122: {  	[hbm4b:s2+s5] =	stream.linear.scatter [tilespmem:s21], [sflag:$0x5], $0x80, $0x38;
	[tilespmem:$0x1F80] =	vst v63  }
0x123: {  	s25 =	sadd.s32 $0x1, s25;
	_ =	swait.ge [sflag:s16], $0x80  }
0x124: {  	p0 =	sne.s32 s25, s11;
	[sflag:s16] =	ssyncset.done $0x0  }
.Ltmp12:
0x125: {  	[sflag:s16] =	ssyncadd.s32 $0xFFFFFF80;
	(pc) =	sbr.rel @p0 .LBB2_2-.Ltmp12, $4  }
0x126: {  	[hbm4b:s4+s5] =	stream.linear.scatter [tilespmem:s22], [sflag:$0x5], $0x80, $0x38;
	[tilespmem:$0x1F80] =	vst v63  }
0x127: {  	_ =	swait.ge [sflag:s16], $0x80  }
0x128: {  	[sflag:s16] =	ssyncset.done $0x0  }
0x129: {  	[sflag:s16] =	ssyncadd.s32 $0xFFFFFF80  }
.LBB2_24:
0x12a: {  	_ =	sfence.sel $0x180000  }
0x12b: {  	[bflag:$0x0] =	sbarrier.arrive $0xFFFF  }
0x12c: {  	_ =	strace $0x9000004A  }
0x12d: {  	s0 =	stileid.u32;
	[bflag:$0x2] =	sbarrier.arrive $0xFFFF  }
0x12e: {  	p0 =	sne.s32 s0, $0x0;
	s0 =	rddreg [dreg:$0x4]  }
0x12f: {  	s0 =	sadd.s32 @!p0 $0x100000, s0  }
0x130: {  	[sflag:s0] =	ssyncadd.tile.s32 @!p0 $0x1;
	_ =	shalt  }
.Lfunc_end2:
_tile_overlayer_lowered:
.L_overlay_start_2:
0x131: {  	(tag) =	ssettag $0x2  }
0x132: {  	s0 =	rddreg [dreg:$0x0];
	s2 =	stileid.u32  }
0x133: {  	s1 =	rddreg [dreg:$0x1];
	p0 =	sne.s32 s2, $0x0  }
0x134: {  	s3 =	rddreg [dreg:$0x2];
	[bflag:$0x3] =	sbarrier.arrive $0xFFFF;
	s2 =	simm.s32 @!p0 $0x1C05  }
0x135: {  	[timem:s3], [sflag:s2] =	dma.local @!p0 [hbm:s0], s1  }
0x136: {  	s0 =	simm.s32 @!p0 $0x5  }
0x137: {  	_ =	swait.ge @!p0 [sflag:s0], s1  }
0x138: {  	s1 =	ssub.s32 @!p0 $0x0, s1;
	[sflag:s0] =	ssyncset.done @!p0 $0x0  }
0x139: {  	[sflag:s0] =	ssyncadd.s32 @!p0 s1  }
0x13a: {  	[bflag:$0x3] =	sbarrier.arrive $0xFFFF  }
0x13b: {  	_ =	shalt  }

</sc_bundles>
